<compile_context>
chip_gen: v7x
topology: tpu7x:2x2x1
jax: 0.10.2.dev20260603
libtpu: 0.0.44.dev20260713+nightly
codegen_flags: <defaults>
</compile_context>

<pallas_src>
import jax
import jax.numpy as jnp
from jax.experimental import pallas as pl
from jax.experimental.pallas import tpu as pltpu
from jax.experimental.pallas import tpu_sc as plsc

_DATA_VARIANCE = 0.06327
_COMMITMENT_COST = 0.25

_GROUPS = ((0, 0), (0, 1), (1, 0), (1, 1))
_TAPS2 = ((0, 0), (0, 1), (1, 0), (1, 1))
_TAPS3 = tuple((dy, dx) for dy in range(3) for dx in range(3))


def _s2d(x):
    B, H, W, C = x.shape
    x = x.reshape(B, H // 2, 2, W // 2, 2, C)
    x = x.transpose(0, 1, 3, 2, 4, 5)
    return x.reshape(B, H // 2, W // 2, 4 * C)


def _d2s(y):
    B, h, w, C4 = y.shape
    C = C4 // 4
    y = y.reshape(B, h, w, 2, 2, C)
    y = y.transpose(0, 1, 3, 2, 4, 5)
    return y.reshape(B, 2 * h, 2 * w, C)


def _pad1(x):
    return jnp.pad(x, ((0, 0), (1, 1), (1, 1), (0, 0)))


def _dot_taps(x_view, w_ref, taps, oh, ow, cin):
    acc = None
    for t, (dy, dx) in enumerate(taps):
        xs = x_view(dy, dx).reshape(oh * ow, cin)
        p = jnp.dot(xs, w_ref[t * cin:(t + 1) * cin, :],
                    preferred_element_type=jnp.float32)
        acc = p if acc is None else acc + p
    return acc


def _conv_layer(x, w_flat, bias, taps, oh, ow, relu, *, post_w=None, post_b=None,
                stage_pad=False, out_kind="raw"):
    B = x.shape[0]
    Cin = x.shape[3]
    Cout = w_flat.shape[1]
    C2 = Cout if post_w is None else post_w.shape[1]
    if out_kind == "raw":
        out_sds = jax.ShapeDtypeStruct((B, oh, ow, C2), jnp.float32)
    elif out_kind == "pad":
        out_sds = jax.ShapeDtypeStruct((B, oh + 2, ow + 2, C2), jnp.float32)
    else:
        out_sds = jax.ShapeDtypeStruct((B, oh // 2 + 1, ow // 2 + 1, 4 * C2),
                                       jnp.float32)

    def body(*refs):
        if post_w is None:
            if stage_pad:
                x_ref, w_ref, b_ref, o_ref, s_ref = refs
            else:
                x_ref, w_ref, b_ref, o_ref = refs
        else:
            x_ref, w_ref, b_ref, pw_ref, pb_ref, o_ref = refs
        if stage_pad:
            s_ref[...] = jnp.zeros(s_ref.shape, jnp.float32)
            s_ref[1:oh + 1, 1:ow + 1, :] = x_ref[0]
            x_view = lambda dy, dx: s_ref[dy:dy + oh, dx:dx + ow, :]
        else:
            x_view = lambda dy, dx: x_ref[0, dy:dy + oh, dx:dx + ow, :]
        y = _dot_taps(x_view, w_ref, taps, oh, ow, Cin)
        y = y + b_ref[...]
        if relu:
            y = jnp.maximum(y, 0.0)
        if post_w is not None:
            y = jnp.dot(y, pw_ref[...], preferred_element_type=jnp.float32) + pb_ref[...]
        if out_kind == "raw":
            o_ref[0] = y.reshape(oh, ow, C2)
        elif out_kind == "pad":
            o_ref[...] = jnp.zeros(o_ref.shape, jnp.float32)
            o_ref[0, 1:oh + 1, 1:ow + 1, :] = y.reshape(oh, ow, C2)
        else:
            h, w2 = oh // 2, ow // 2
            yi = y.reshape(h, 2, w2, 2, C2)
            o_ref[...] = jnp.zeros(o_ref.shape, jnp.float32)
            o_ref[0, 1:h + 1, 1:w2 + 1, 0 * C2:1 * C2] = yi[:, 1, :, 1, :]
            o_ref[0, 1:h + 1, 0:w2, 1 * C2:2 * C2] = yi[:, 1, :, 0, :]
            o_ref[0, 0:h, 1:w2 + 1, 2 * C2:3 * C2] = yi[:, 0, :, 1, :]
            o_ref[0, 0:h, 0:w2, 3 * C2:4 * C2] = yi[:, 0, :, 0, :]

    in_specs = [
        pl.BlockSpec((1,) + x.shape[1:], lambda i: (i, 0, 0, 0)),
        pl.BlockSpec(w_flat.shape, lambda i: (0, 0)),
        pl.BlockSpec(bias.shape, lambda i: (0, 0)),
    ]
    args = [x, w_flat, bias]
    if post_w is not None:
        in_specs += [pl.BlockSpec(post_w.shape, lambda i: (0, 0)),
                     pl.BlockSpec(post_b.shape, lambda i: (0, 0))]
        args += [post_w, post_b]
    scratch = []
    if stage_pad:
        scratch = [pltpu.VMEM((oh + 2, ow + 2, Cin), jnp.float32)]
    return pl.pallas_call(
        body,
        grid=(B,),
        in_specs=in_specs,
        out_specs=pl.BlockSpec((1,) + out_sds.shape[1:], lambda i: (i, 0, 0, 0)),
        out_shape=out_sds,
        scratch_shapes=scratch,
    )(*args)


def _subpix_taps(w):
    Cin, Cout = w.shape[2], w.shape[3]
    wz = w.reshape(2, 2, 2, 2, Cin, Cout)
    wz = wz.transpose(1, 3, 0, 2, 4, 5)
    return wz.reshape(4, 4 * Cin, Cout)


def _conv_transpose_subpix(xp, wg, bias, n, relu):
    B, Hp, Wp, Cin = xp.shape
    Cout = wg.shape[2]

    def body(x_ref, w_ref, b_ref, o_ref):
        for g, (r, s) in enumerate(_GROUPS):
            view = lambda a, b2: x_ref[0, a + r:a + r + n, b2 + s:b2 + s + n, :]
            y = _dot_taps(view, w_ref.at[g], _TAPS2, n, n, Cin)
            y = y + b_ref[...]
            if relu:
                y = jnp.maximum(y, 0.0)
            o_ref[0, :, :, g * Cout:(g + 1) * Cout] = y.reshape(n, n, Cout)

    return pl.pallas_call(
        body,
        grid=(B,),
        in_specs=[
            pl.BlockSpec((1, Hp, Wp, Cin), lambda i: (i, 0, 0, 0)),
            pl.BlockSpec((4, 4 * Cin, Cout), lambda i: (0, 0, 0)),
            pl.BlockSpec((1, Cout), lambda i: (0, 0)),
        ],
        out_specs=pl.BlockSpec((1, n, n, 4 * Cout), lambda i: (i, 0, 0, 0)),
        out_shape=jax.ShapeDtypeStruct((B, n, n, 4 * Cout), jnp.float32),
    )(xp, wg, bias)


def _conv_transpose_final(xp, wg, bias, x_s2d, n, th):
    B, Hp, Wp, Cin = xp.shape
    Cout = wg.shape[2]
    S = n // th

    def body(x_ref, w_ref, b_ref, t_ref, o_ref, r_ref):
        b = pl.program_id(0)
        s = pl.program_id(1)

        @pl.when(jnp.logical_and(b == 0, s == 0))
        def _():
            r_ref[...] = jnp.zeros((1, 1), jnp.float32)

        base = s * th
        part = None
        for g, (r, s2) in enumerate(_GROUPS):
            view = lambda a, b2: x_ref[0, pl.ds(base + a + r, th),
                                       b2 + s2:b2 + s2 + n, :]
            y = _dot_taps(view, w_ref.at[g], _TAPS2, th, n, Cin)
            y = y + b_ref[...]
            o_ref[0, :, :, g * Cout:(g + 1) * Cout] = y.reshape(th, n, Cout)
            tgt = t_ref[0, :, :, g * Cout:(g + 1) * Cout].reshape(th * n, Cout)
            d = y - tgt
            sq = jnp.sum(d * d)
            part = sq if part is None else part + sq
        r_ref[...] += part.reshape(1, 1)

    return pl.pallas_call(
        body,
        grid=(B, S),
        in_specs=[
            pl.BlockSpec((1, Hp, Wp, Cin), lambda i, j: (i, 0, 0, 0)),
            pl.BlockSpec((4, 4 * Cin, Cout), lambda i, j: (0, 0, 0)),
            pl.BlockSpec((1, Cout), lambda i, j: (0, 0)),
            pl.BlockSpec((1, th, n, 4 * Cout), lambda i, j: (i, j, 0, 0)),
        ],
        out_specs=[
            pl.BlockSpec((1, th, n, 4 * Cout), lambda i, j: (i, j, 0, 0)),
            pl.BlockSpec((1, 1), lambda i, j: (0, 0)),
        ],
        out_shape=[
            jax.ShapeDtypeStruct((B, n, n, 4 * Cout), jnp.float32),
            jax.ShapeDtypeStruct((1, 1), jnp.float32),
        ],
    )(xp, wg, bias, x_s2d)


_VQ_ROWS = 512


def _vq_argmin(zf, cbT):
    N, D = zf.shape
    K = cbT.shape[1]
    R = _VQ_ROWS
    G = N // R

    def body(z_ref, c_ref, i_ref, d_ref):
        step = pl.program_id(0)

        @pl.when(step == 0)
        def _():
            d_ref[...] = jnp.zeros((1, 1), jnp.float32)

        zt = z_ref[...]
        cbt = c_ref[...]
        cross = jnp.dot(zt, cbt, preferred_element_type=jnp.float32)
        cn = jnp.sum(cbt * cbt, axis=0, keepdims=True)
        zn = jnp.sum(zt * zt, axis=1, keepdims=True)
        dist = zn - 2.0 * cross + cn
        m = jnp.min(dist, axis=1, keepdims=True)
        iota = jax.lax.broadcasted_iota(jnp.int32, (R, K), 1)
        idx = jnp.min(jnp.where(dist == m, iota, K), axis=1)
        i_ref[0, 0, :] = idx
        d_ref[...] += jnp.sum(m).reshape(1, 1)

    return pl.pallas_call(
        body,
        grid=(G,),
        in_specs=[
            pl.BlockSpec((R, D), lambda i: (i, 0)),
            pl.BlockSpec((D, K), lambda i: (0, 0)),
        ],
        out_specs=[
            pl.BlockSpec((1, 1, R), lambda i: (i, 0, 0)),
            pl.BlockSpec((1, 1), lambda i: (0, 0)),
        ],
        out_shape=[
            jax.ShapeDtypeStruct((G, 1, R), jnp.int32),
            jax.ShapeDtypeStruct((1, 1), jnp.float32),
        ],
    )(zf, cbT)


_GATHER_WINDOW = 256


def _sc_gather(codebook, idx_flat):
    N = idx_flat.shape[0]
    D = codebook.shape[1]
    W = _GATHER_WINDOW
    idx2 = idx_flat.reshape(1, N)
    mesh = plsc.VectorSubcoreMesh(core_axis_name="core", subcore_axis_name="subcore")

    @pl.kernel(out_type=jax.ShapeDtypeStruct((N, D), codebook.dtype), mesh=mesh)
    def k(cb_hbm, i_hbm, o_hbm):
        def body(i_vmem, o_vmem):
            pltpu.sync_copy(cb_hbm.at[i_vmem.at[0]], o_vmem)

        pltpu.emit_pipeline(
            body,
            grid=(N // W,),
            in_specs=[pl.BlockSpec((1, W), index_map=lambda i: (0, i))],
            out_specs=[pl.BlockSpec((W, D), index_map=lambda i: (i, 0))],
            core_axis_name=("core", "subcore"),
            dimension_semantics=(pltpu.PARALLEL,),
        )(i_hbm, o_hbm)

    return k(codebook, idx2)


def _stride2_taps(w):
    Cin, Cout = w.shape[2], w.shape[3]
    wz = w.reshape(2, 2, 2, 2, Cin, Cout)
    wz = wz.transpose(0, 2, 1, 3, 4, 5)
    return wz.reshape(16 * Cin, Cout)


def kernel(inputs, enc_w1, enc_b1, enc_w2, enc_b2, enc_w3, enc_b3, pre_vq_w,
           pre_vq_b, codebook, dec_w1, dec_b1, dec_wt1, dec_bt1, dec_wt2,
           dec_bt2, is_training):
    B = inputs.shape[0]

    x1 = _s2d(_pad1(inputs))
    h1p = _conv_layer(x1, _stride2_taps(enc_w1), enc_b1.reshape(1, -1),
                      _TAPS2, 112, 112, relu=True, out_kind="s2dpad")

    h2p = _conv_layer(h1p, _stride2_taps(enc_w2), enc_b2.reshape(1, -1),
                      _TAPS2, 56, 56, relu=True, out_kind="pad")

    z = _conv_layer(h2p, enc_w3.reshape(9 * 128, 128), enc_b3.reshape(1, -1),
                    _TAPS3, 56, 56, relu=True,
                    post_w=pre_vq_w.reshape(128, 64),
                    post_b=pre_vq_b.reshape(1, 64))

    N = B * 56 * 56
    zf = z.reshape(N, 64)
    idx, dist_sum = _vq_argmin(zf, codebook.T)
    cb_pad = jnp.pad(codebook, ((0, 0), (0, 64)))
    quant = _sc_gather(cb_pad, idx.reshape(N)).reshape(B, 56, 56, 128)
    vq_loss = (1.0 + _COMMITMENT_COST) * dist_sum[0, 0] / (N * 64)

    w1p = jnp.pad(dec_w1, ((0, 0), (0, 0), (0, 64), (0, 0)))
    d1p = _conv_layer(quant, w1p.reshape(9 * 128, 128), dec_b1.reshape(1, -1),
                      _TAPS3, 56, 56, relu=True, stage_pad=True, out_kind="pad")

    d2 = _conv_transpose_subpix(d1p, _subpix_taps(dec_wt1),
                                dec_bt1.reshape(1, -1), 56, relu=True)
    d2 = _d2s(d2)

    x_s2d = _s2d(inputs)
    y, rsum = _conv_transpose_final(_pad1(d2), _subpix_taps(dec_wt2),
                                    dec_bt2.reshape(1, -1), x_s2d, 112, 28)
    x_recon = _d2s(y)

    recon_error = rsum[0, 0] / (B * 224 * 224 * 3) / _DATA_VARIANCE
    loss = recon_error + vq_loss
    return (z, x_recon, loss, recon_error, vq_loss)

# --- scband reference (transcript-rebuilt; emitter-appended) ---
"""Pipeline reference for scband-vqvaemodel-27221502722664 (READ-ONLY COPY).

The authoritative reference and input builder live on the scoring server;
editing this copy changes nothing except your own understanding.
"""

import jax, jax.numpy as jnp
import numpy as np

DATA_VARIANCE = 0.06327
COMMITMENT_COST = 0.25


def _conv(x, w, b, stride):
    y = jax.lax.conv_general_dilated(x, w, (stride, stride), 'SAME',
                                     dimension_numbers=('NHWC', 'HWIO', 'NHWC'))
    return y + b


def _conv_t(x, w, b, stride):
    y = jax.lax.conv_transpose(x, w, (stride, stride), 'SAME',
                               dimension_numbers=('NHWC', 'HWIO', 'NHWC'))
    return y + b


def _vq(z, codebook):
    D = z.shape[-1]
    flat = z.reshape(-1, D)
    dist = (jnp.sum(flat ** 2, axis=1, keepdims=True)
            - 2.0 * flat @ codebook.T
            + jnp.sum(codebook ** 2, axis=1)[None, :])
    idx = jnp.argmin(dist, axis=1)
    quant = jnp.take(codebook, idx, axis=0).reshape(z.shape)
    e_latent = jnp.mean((jax.lax.stop_gradient(quant) - z) ** 2)
    q_latent = jnp.mean((quant - jax.lax.stop_gradient(z)) ** 2)
    vq_loss = q_latent + COMMITMENT_COST * e_latent
    quant_st = z + jax.lax.stop_gradient(quant - z)
    return quant_st, vq_loss


def setup_inputs(seed: int = 0):
    key = jax.random.key(seed)
    ks = jax.random.split(key, 16)
    B, H, W, Cin = 8, 224, 224, 3
    nh, D, K = 128, 64, 1024
    inp = {}
    inp['inputs'] = jax.random.normal(ks[0], (B, H, W, Cin), dtype=jnp.float32)
    inp['enc_w1'] = jax.random.normal(ks[1], (4, 4, Cin, nh // 2), dtype=jnp.float32) * 0.05
    inp['enc_b1'] = jnp.zeros((nh // 2,), jnp.float32)
    inp['enc_w2'] = jax.random.normal(ks[2], (4, 4, nh // 2, nh), dtype=jnp.float32) * 0.05
    inp['enc_b2'] = jnp.zeros((nh,), jnp.float32)
    inp['enc_w3'] = jax.random.normal(ks[3], (3, 3, nh, nh), dtype=jnp.float32) * 0.05
    inp['enc_b3'] = jnp.zeros((nh,), jnp.float32)
    inp['pre_vq_w'] = jax.random.normal(ks[4], (1, 1, nh, D), dtype=jnp.float32) * 0.05
    inp['pre_vq_b'] = jnp.zeros((D,), jnp.float32)
    inp['codebook'] = jax.random.uniform(ks[5], (K, D), jnp.float32, -1.0 / K, 1.0 / K)
    inp['dec_w1'] = jax.random.normal(ks[6], (3, 3, D, nh), dtype=jnp.float32) * 0.05
    inp['dec_b1'] = jnp.zeros((nh,), jnp.float32)
    inp['dec_wt1'] = jax.random.normal(ks[7], (4, 4, nh, nh // 2), dtype=jnp.float32) * 0.05
    inp['dec_bt1'] = jnp.zeros((nh // 2,), jnp.float32)
    inp['dec_wt2'] = jax.random.normal(ks[8], (4, 4, nh // 2, Cin), dtype=jnp.float32) * 0.05
    inp['dec_bt2'] = jnp.zeros((Cin,), jnp.float32)
    inp['is_training'] = 1
    return inp


def reference(inputs, enc_w1, enc_b1, enc_w2, enc_b2, enc_w3, enc_b3,
              pre_vq_w, pre_vq_b, codebook,
              dec_w1, dec_b1, dec_wt1, dec_bt1, dec_wt2, dec_bt2, is_training):
    h = jax.nn.relu(_conv(inputs, enc_w1, enc_b1, 2))
    h = jax.nn.relu(_conv(h, enc_w2, enc_b2, 2))
    h = jax.nn.relu(_conv(h, enc_w3, enc_b3, 1))
    z = _conv(h, pre_vq_w, pre_vq_b, 1)
    quant, vq_loss = _vq(z, codebook)
    d = jax.nn.relu(_conv(quant, dec_w1, dec_b1, 1))
    d = jax.nn.relu(_conv_t(d, dec_wt1, dec_bt1, 2))
    x_recon = _conv_t(d, dec_wt2, dec_bt2, 2)
    recon_error = jnp.mean((x_recon - inputs) ** 2) / DATA_VARIANCE
    loss = recon_error + vq_loss
    return (z, x_recon, loss, recon_error, vq_loss)

if __name__ == "__main__":
    import jax
    _d = setup_inputs()
    print(jax.jit(kernel)(*tuple(_d.values())))

</pallas_src>

<mosaic_0001>
#map = affine_map<(d0, d1) -> (0, 0)>
module attributes {stable_mosaic.version = 14 : i64} {
  func.func @k(%arg0: i32, %arg1: i32, %arg2: memref<1024x128xf32, #tpu.memory_space<hbm>>, %arg3: memref<1x25088xi32, #tpu.memory_space<hbm>>, %arg4: memref<25088x128xf32, #tpu.memory_space<hbm>>) attributes {dimension_semantics = [#tpu.dimension_semantics<core_parallel>, #tpu.dimension_semantics<subcore_parallel>], iteration_bounds = array<i64: 2, 16>, scalar_prefetch = 0 : i64, scratch_operands = 0 : i64, tpu.core_type = #tpu.core_type<sc_vector_subcore>, window_params = [{transform_indices = #map}, {transform_indices = #map}, {transform_indices = #map}]} {
    %mul3A = arith.constant 1 : i32
    %mul3A_0 = arith.muli %arg1, %mul3A : i32
    %add3A = arith.constant 0 : i32
    %add3A_1 = arith.addi %add3A, %mul3A_0 : i32
    %mul3A_2 = arith.constant 16 : i32
    %mul3A_3 = arith.muli %arg0, %mul3A_2 : i32
    %add3A_4 = arith.addi %add3A_1, %mul3A_3 : i32
    %lt3A = arith.constant 2 : i32
    %lt3A_5 = arith.cmpi slt, %add3A_4, %lt3A : i32
    %jit3A = arith.constant 4 : i32
    %jit3A_6 = arith.constant 3 : i32
    %select_n3A = arith.select %lt3A_5, %jit3A, %jit3A_6 : i32
    %lt3A_7 = arith.constant 2 : i32
    %lt3A_8 = arith.cmpi slt, %add3A_4, %lt3A_7 : i32
    %mul3A_9 = arith.muli %add3A_4, %select_n3A : i32
    %mul3A_10 = arith.constant 3 : i32
    %mul3A_11 = arith.muli %add3A_4, %mul3A_10 : i32
    %add3A_12 = arith.constant 2 : i32
    %add3A_13 = arith.addi %mul3A_11, %add3A_12 : i32
    %select_n3A_14 = arith.select %lt3A_8, %mul3A_9, %add3A_13 : i32
    %mul3A_15 = arith.constant 1 : i32
    %mul3A_16 = arith.muli %mul3A_15, %select_n3A : i32
    "tpu.region"() ({
      %run_scoped3A = memref.alloca() : memref<2x1x256xi32, #tpu.memory_space<vmem>>
      %run_scoped3A_17 = tpu.sem_alloc : memref<2x!tpu.dma_semaphore, #tpu.memory_space<semaphore_mem>>
      %run_scoped3A_18 = memref.alloca() : memref<2x256x128xf32, #tpu.memory_space<vmem>>
      %run_scoped3A_19 = tpu.sem_alloc : memref<2x!tpu.dma_semaphore, #tpu.memory_space<semaphore_mem>>
      %gt3A = arith.constant 0 : i32
      %gt3A_20 = arith.cmpi sgt, %mul3A_16, %gt3A : i32
      %convert_element_type3A = arith.extui %gt3A_20 : i1 to i32
      %cond3A = arith.constant 0 : i32
      %cond3A_21 = arith.cmpi ne, %convert_element_type3A, %cond3A : i32
      scf.if %cond3A_21 {
        %mul3A_22 = arith.constant 1 : i32
        %mul3A_23 = arith.muli %mul3A_22, %select_n3A : i32
        %sub3A = arith.constant 1 : i32
        %sub3A_24 = arith.subi %mul3A_23, %sub3A : i32
        %eq3A = arith.constant 0 : i32
        %eq3A_25 = arith.cmpi eq, %sub3A_24, %eq3A : i32
        %add3A_26 = arith.constant 0 : i32
        %add3A_27 = arith.addi %add3A_26, %select_n3A_14 : i32
        %select_n3A_28 = arith.constant true
        %select_n3A_29 = arith.constant 0 : i32
        %select_n3A_30 = arith.constant -1 : i32
        %select_n3A_31 = arith.select %select_n3A_28, %select_n3A_30, %select_n3A_29 : i32
        %eq3A_32 = arith.constant -1 : i32
        %eq3A_33 = arith.cmpi eq, %select_n3A_31, %eq3A_32 : i32
        %sub3A_34 = arith.constant 1 : i32
        %sub3A_35 = arith.subi %select_n3A, %sub3A_34 : i32
        %select_n3A_36 = arith.select %eq3A_33, %sub3A_35, %select_n3A_31 : i32
        %add3A_37 = arith.addi %select_n3A_36, %select_n3A_14 : i32
        %select_n3A_38 = arith.constant true
        %select_n3A_39 = arith.constant 0 : i32
        %select_n3A_40 = arith.constant 1 : i32
        %select_n3A_41 = arith.select %select_n3A_38, %select_n3A_40, %select_n3A_39 : i32
        %eq3A_42 = arith.cmpi eq, %select_n3A_41, %select_n3A : i32
        %select_n3A_43 = arith.constant 0 : i32
        %select_n3A_44 = arith.select %eq3A_42, %select_n3A_43, %select_n3A_41 : i32
        %add3A_45 = arith.addi %select_n3A_44, %select_n3A_14 : i32
        %add3A_46 = arith.constant 1 : i32
        %add3A_47 = arith.addi %select_n3A_44, %add3A_46 : i32
        %select_n3A_48 = arith.constant true
        %select_n3A_49 = arith.select %select_n3A_48, %add3A_47, %select_n3A_44 : i32
        %eq3A_50 = arith.cmpi eq, %select_n3A_49, %select_n3A : i32
        %select_n3A_51 = arith.constant 0 : i32
        %select_n3A_52 = arith.select %eq3A_50, %select_n3A_51, %select_n3A_49 : i32
        %add3A_53 = arith.addi %select_n3A_52, %select_n3A_14 : i32
        "tpu.trace_start"() <{level = 10 : i32, message = "ep_initialize_0"}> : () -> ()
        %rem3A = arith.constant 0 : i32
        %rem3A_54 = arith.constant 2 : i32
        %rem3A_55 = arith.remui %rem3A, %rem3A_54 : i32
        %mul3A_56 = arith.constant 256 : i32
        %mul3A_57 = arith.muli %mul3A_56, %add3A_27 : i32
        %dma_start3A = arith.constant 0 : i32
        %dma_start3A_58 = arith.constant 0 : i32
        %dma_start3A_59 = tpu.memref_slice %run_scoped3A[%rem3A_55, %dma_start3A, %dma_start3A_58] : memref<2x1x256xi32, #tpu.memory_space<vmem>> -> memref<1x1x256xi32, #tpu.memory_space<vmem>>
        %dma_start3A_60 = tpu.memref_squeeze %dma_start3A_59 : memref<1x1x256xi32, #tpu.memory_space<vmem>> -> memref<1x256xi32, #tpu.memory_space<vmem>>
        %dma_start3A_61 = arith.constant 0 : i32
        %dma_start3A_62 = tpu.memref_slice %arg3[%dma_start3A_61, %mul3A_57] : memref<1x25088xi32, #tpu.memory_space<hbm>> -> memref<1x256xi32, #tpu.memory_space<hbm>>
        %dma_start3A_63 = tpu.memref_slice %run_scoped3A_17[%rem3A_55] : memref<2x!tpu.dma_semaphore, #tpu.memory_space<semaphore_mem>> -> memref<1x!tpu.dma_semaphore, #tpu.memory_space<semaphore_mem>>
        %dma_start3A_64 = tpu.memref_squeeze %dma_start3A_63 : memref<1x!tpu.dma_semaphore, #tpu.memory_space<semaphore_mem>> -> memref<!tpu.dma_semaphore, #tpu.memory_space<semaphore_mem>>
        %dma_start3A_65 = arith.constant 0 : i32
        %dma_start3A_66 = arith.constant 0 : i32
        %dma_start3A_67 = tpu.memref_slice %run_scoped3A[%rem3A_55, %dma_start3A_65, %dma_start3A_66] : memref<2x1x256xi32, #tpu.memory_space<vmem>> -> memref<1x1x256xi32, #tpu.memory_space<vmem>>
        %dma_start3A_68 = tpu.memref_squeeze %dma_start3A_67 : memref<1x1x256xi32, #tpu.memory_space<vmem>> -> memref<1x256xi32, #tpu.memory_space<vmem>>
        %dma_start3A_69 = arith.constant 0 : i32
        %dma_start3A_70 = tpu.memref_slice %arg3[%dma_start3A_69, %mul3A_57] : memref<1x25088xi32, #tpu.memory_space<hbm>> -> memref<1x256xi32, #tpu.memory_space<hbm>>
        tpu.enqueue_dma source(%dma_start3A_70 : memref<1x256xi32, #tpu.memory_space<hbm>>) target(%dma_start3A_68 : memref<1x256xi32, #tpu.memory_space<vmem>>) target_semaphore(%dma_start3A_64 : memref<!tpu.dma_semaphore, #tpu.memory_space<semaphore_mem>>)
        %add3A_71 = arith.constant 0 : i32
        %add3A_72 = arith.constant 1 : i32
        %add3A_73 = arith.addi %add3A_71, %add3A_72 : i32
        %select_n3A_74 = arith.constant true
        %select_n3A_75 = arith.constant 0 : i32
        %select_n3A_76 = arith.select %select_n3A_74, %add3A_73, %select_n3A_75 : i32
        %while3A = arith.constant 0 : i32
        %while3A_77 = arith.constant 0 : i32
        %while3A_78 = arith.constant 0 : i32
        %while3A_79 = arith.constant 0 : i32
        %while3A_80 = arith.constant 0 : i32
        "tpu.trace_stop"() : () -> ()
        %while3A_81 = arith.subi %mul3A_16, %while3A : i32
        %while3A_82 = arith.addi %while3A, %while3A_81 : i32
        %while3A_83 = arith.constant 1 : i32
        %while3A_84 = arith.divsi %while3A_81, %while3A_83 : i32
        %while3A_85 = arith.muli %while3A_84, %while3A_83 : i32
        %while3A_86 = arith.addi %while3A, %while3A_85 : i32
        %while3A_87 = arith.constant 1 : i32
        %while3A_88:5 = scf.for %while3A_142 = %while3A to %while3A_86 step %while3A_87 iter_args(%while3A_143 = %select_n3A_76, %while3A_144 = %while3A_77, %while3A_145 = %while3A_78, %while3A_146 = %while3A_79, %while3A_147 = %while3A_80) -> (i32, i32, i32, i32, i32)  : i32 {
          %mul3A_148 = arith.constant 1 : i32
          %mul3A_149 = arith.muli %mul3A_148, %select_n3A : i32
          %eq3A_150 = arith.constant 0 : i32
          %eq3A_151 = arith.cmpi eq, %while3A_142, %eq3A_150 : i32
          %sub3A_152 = arith.constant 1 : i32
          %sub3A_153 = arith.subi %mul3A_149, %sub3A_152 : i32
          %eq3A_154 = arith.cmpi eq, %while3A_142, %sub3A_153 : i32
          %add3A_155 = arith.addi %while3A_147, %select_n3A_14 : i32
          %sub3A_156 = arith.constant 1 : i32
          %sub3A_157 = arith.subi %while3A_147, %sub3A_156 : i32
          %select_n3A_158 = arith.constant true
          %select_n3A_159 = arith.select %select_n3A_158, %sub3A_157, %while3A_147 : i32
          %eq3A_160 = arith.constant -1 : i32
          %eq3A_161 = arith.cmpi eq, %select_n3A_159, %eq3A_160 : i32
          %sub3A_162 = arith.constant 1 : i32
          %sub3A_163 = arith.subi %select_n3A, %sub3A_162 : i32
          %select_n3A_164 = arith.select %eq3A_161, %sub3A_163, %select_n3A_159 : i32
          %add3A_165 = arith.addi %select_n3A_164, %select_n3A_14 : i32
          %add3A_166 = arith.constant 1 : i32
          %add3A_167 = arith.addi %while3A_147, %add3A_166 : i32
          %select_n3A_168 = arith.constant true
          %select_n3A_169 = arith.select %select_n3A_168, %add3A_167, %while3A_147 : i32
          %eq3A_170 = arith.cmpi eq, %select_n3A_169, %select_n3A : i32
          %select_n3A_171 = arith.constant 0 : i32
          %select_n3A_172 = arith.select %eq3A_170, %select_n3A_171, %select_n3A_169 : i32
          %add3A_173 = arith.addi %select_n3A_172, %select_n3A_14 : i32
          %add3A_174 = arith.constant 1 : i32
          %add3A_175 = arith.addi %select_n3A_172, %add3A_174 : i32
          %select_n3A_176 = arith.constant true
          %select_n3A_177 = arith.select %select_n3A_176, %add3A_175, %select_n3A_172 : i32
          %eq3A_178 = arith.cmpi eq, %select_n3A_177, %select_n3A : i32
          %select_n3A_179 = arith.constant 0 : i32
          %select_n3A_180 = arith.select %eq3A_178, %select_n3A_179, %select_n3A_177 : i32
          %add3A_181 = arith.addi %select_n3A_180, %select_n3A_14 : i32
          %ne3A = arith.cmpi ne, %add3A_155, %add3A_173 : i32
          %or3A = arith.constant false
          %or3A_182 = arith.ori %or3A, %ne3A : i1
          %sub3A_183 = arith.constant 2 : i32
          %sub3A_184 = arith.subi %mul3A_149, %sub3A_183 : i32
          %add3A_185 = arith.constant 1 : i32
          %add3A_186 = arith.addi %sub3A_184, %add3A_185 : i32
          %ge3A = arith.cmpi sge, %while3A_142, %add3A_186 : i32
          %not3A = arith.constant true
          %not3A_187 = arith.xori %ge3A, %not3A : i1
          %and3A = arith.andi %or3A_182, %not3A_187 : i1
          %convert_element_type3A_188 = arith.extui %and3A : i1 to i32
          %cond3A_189 = arith.constant 0 : i32
          %cond3A_190 = arith.cmpi ne, %convert_element_type3A_188, %cond3A_189 : i32
          scf.if %cond3A_190 {
            "tpu.trace_start"() <{level = 10 : i32, message = "ep_copy_in"}> : () -> ()
            %rem3A_294 = arith.constant 2 : i32
            %rem3A_295 = arith.remui %while3A_143, %rem3A_294 : i32
            %mul3A_296 = arith.constant 256 : i32
            %mul3A_297 = arith.muli %mul3A_296, %add3A_173 : i32
            %dma_start3A_298 = arith.constant 0 : i32
            %dma_start3A_299 = arith.constant 0 : i32
            %dma_start3A_300 = tpu.memref_slice %run_scoped3A[%rem3A_295, %dma_start3A_298, %dma_start3A_299] : memref<2x1x256xi32, #tpu.memory_space<vmem>> -> memref<1x1x256xi32, #tpu.memory_space<vmem>>
            %dma_start3A_301 = tpu.memref_squeeze %dma_start3A_300 : memref<1x1x256xi32, #tpu.memory_space<vmem>> -> memref<1x256xi32, #tpu.memory_space<vmem>>
            %dma_start3A_302 = arith.constant 0 : i32
            %dma_start3A_303 = tpu.memref_slice %arg3[%dma_start3A_302, %mul3A_297] : memref<1x25088xi32, #tpu.memory_space<hbm>> -> memref<1x256xi32, #tpu.memory_space<hbm>>
            %dma_start3A_304 = tpu.memref_slice %run_scoped3A_17[%rem3A_295] : memref<2x!tpu.dma_semaphore, #tpu.memory_space<semaphore_mem>> -> memref<1x!tpu.dma_semaphore, #tpu.memory_space<semaphore_mem>>
            %dma_start3A_305 = tpu.memref_squeeze %dma_start3A_304 : memref<1x!tpu.dma_semaphore, #tpu.memory_space<semaphore_mem>> -> memref<!tpu.dma_semaphore, #tpu.memory_space<semaphore_mem>>
            %dma_start3A_306 = arith.constant 0 : i32
            %dma_start3A_307 = arith.constant 0 : i32
            %dma_start3A_308 = tpu.memref_slice %run_scoped3A[%rem3A_295, %dma_start3A_306, %dma_start3A_307] : memref<2x1x256xi32, #tpu.memory_space<vmem>> -> memref<1x1x256xi32, #tpu.memory_space<vmem>>
            %dma_start3A_309 = tpu.memref_squeeze %dma_start3A_308 : memref<1x1x256xi32, #tpu.memory_space<vmem>> -> memref<1x256xi32, #tpu.memory_space<vmem>>
            %dma_start3A_310 = arith.constant 0 : i32
            %dma_start3A_311 = tpu.memref_slice %arg3[%dma_start3A_310, %mul3A_297] : memref<1x25088xi32, #tpu.memory_space<hbm>> -> memref<1x256xi32, #tpu.memory_space<hbm>>
            tpu.enqueue_dma source(%dma_start3A_311 : memref<1x256xi32, #tpu.memory_space<hbm>>) target(%dma_start3A_309 : memref<1x256xi32, #tpu.memory_space<vmem>>) target_semaphore(%dma_start3A_305 : memref<!tpu.dma_semaphore, #tpu.memory_space<semaphore_mem>>)
            "tpu.trace_stop"() : () -> ()
          } else {
          }
          %and3A_191 = arith.constant true
          %and3A_192 = arith.andi %and3A, %and3A_191 : i1
          %add3A_193 = arith.constant 1 : i32
          %add3A_194 = arith.addi %while3A_143, %add3A_193 : i32
          %select_n3A_195 = arith.select %and3A_192, %add3A_194, %while3A_143 : i32
          %ne3A_196 = arith.cmpi ne, %add3A_155, %add3A_173 : i32
          %or3A_197 = arith.constant false
          %or3A_198 = arith.ori %or3A_197, %ne3A_196 : i1
          %or3A_199 = arith.constant false
          %or3A_200 = arith.ori %or3A_198, %or3A_199 : i1
          %sub3A_201 = arith.constant 2 : i32
          %sub3A_202 = arith.subi %mul3A_149, %sub3A_201 : i32
          %add3A_203 = arith.constant 1 : i32
          %add3A_204 = arith.addi %sub3A_202, %add3A_203 : i32
          %ge3A_205 = arith.cmpi sge, %while3A_142, %add3A_204 : i32
          %not3A_206 = arith.constant true
          %not3A_207 = arith.xori %ge3A_205, %not3A_206 : i1
          %and3A_208 = arith.andi %or3A_200, %not3A_207 : i1
          %ne3A_209 = arith.cmpi ne, %add3A_155, %add3A_165 : i32
          %or3A_210 = arith.constant false
          %or3A_211 = arith.ori %or3A_210, %ne3A_209 : i1
          %or3A_212 = arith.ori %or3A_211, %eq3A_151 : i1
          %convert_element_type3A_213 = arith.extui %or3A_212 : i1 to i32
          %cond3A_214 = arith.constant 0 : i32
          %cond3A_215 = arith.cmpi ne, %convert_element_type3A_213, %cond3A_214 : i32
          scf.if %cond3A_215 {
            "tpu.trace_start"() <{level = 10 : i32, message = "ep_wait_in"}> : () -> ()
            %mul3A_294 = arith.constant 256 : i32
            %mul3A_295 = arith.muli %mul3A_294, %add3A_155 : i32
            %rem3A_296 = arith.constant 2 : i32
            %rem3A_297 = arith.remui %while3A_144, %rem3A_296 : i32
            %dma_wait3A = arith.constant 0 : i32
            %dma_wait3A_298 = arith.constant 0 : i32
            %dma_wait3A_299 = tpu.memref_slice %run_scoped3A[%rem3A_297, %dma_wait3A, %dma_wait3A_298] : memref<2x1x256xi32, #tpu.memory_space<vmem>> -> memref<1x1x256xi32, #tpu.memory_space<vmem>>
            %dma_wait3A_300 = tpu.memref_squeeze %dma_wait3A_299 : memref<1x1x256xi32, #tpu.memory_space<vmem>> -> memref<1x256xi32, #tpu.memory_space<vmem>>
            %dma_wait3A_301 = arith.constant 0 : i32
            %dma_wait3A_302 = tpu.memref_slice %arg3[%dma_wait3A_301, %mul3A_295] : memref<1x25088xi32, #tpu.memory_space<hbm>> -> memref<1x256xi32, #tpu.memory_space<hbm>>
            %dma_wait3A_303 = tpu.memref_slice %run_scoped3A_17[%rem3A_297] : memref<2x!tpu.dma_semaphore, #tpu.memory_space<semaphore_mem>> -> memref<1x!tpu.dma_semaphore, #tpu.memory_space<semaphore_mem>>
            %dma_wait3A_304 = tpu.memref_squeeze %dma_wait3A_303 : memref<1x!tpu.dma_semaphore, #tpu.memory_space<semaphore_mem>> -> memref<!tpu.dma_semaphore, #tpu.memory_space<semaphore_mem>>
            %dma_wait3A_305 = arith.constant 0 : i32
            %dma_wait3A_306 = arith.constant 0 : i32
            %dma_wait3A_307 = tpu.memref_slice %run_scoped3A[%rem3A_297, %dma_wait3A_305, %dma_wait3A_306] : memref<2x1x256xi32, #tpu.memory_space<vmem>> -> memref<1x1x256xi32, #tpu.memory_space<vmem>>
            %dma_wait3A_308 = tpu.memref_squeeze %dma_wait3A_307 : memref<1x1x256xi32, #tpu.memory_space<vmem>> -> memref<1x256xi32, #tpu.memory_space<vmem>>
            %dma_wait3A_309 = arith.constant 0 : i32
            %dma_wait3A_310 = tpu.memref_slice %arg3[%dma_wait3A_309, %mul3A_295] : memref<1x25088xi32, #tpu.memory_space<hbm>> -> memref<1x256xi32, #tpu.memory_space<hbm>>
            tpu.wait_dma2 semaphore(%dma_wait3A_304 : memref<!tpu.dma_semaphore, #tpu.memory_space<semaphore_mem>>) src(%dma_wait3A_310 : memref<1x256xi32, #tpu.memory_space<hbm>>) dst(%dma_wait3A_308 : memref<1x256xi32, #tpu.memory_space<vmem>>)
            "tpu.trace_stop"() : () -> ()
          } else {
          }
          %ne3A_216 = arith.cmpi ne, %add3A_155, %add3A_165 : i32
          %or3A_217 = arith.constant false
          %or3A_218 = arith.ori %or3A_217, %ne3A_216 : i1
          %or3A_219 = arith.constant false
          %or3A_220 = arith.ori %or3A_218, %or3A_219 : i1
          %or3A_221 = arith.ori %or3A_220, %eq3A_151 : i1
          %convert_element_type3A_222 = arith.extui %or3A_221 : i1 to i32
          %cond3A_223 = arith.constant 0 : i32
          %cond3A_224 = arith.cmpi ne, %convert_element_type3A_222, %cond3A_223 : i32
          scf.if %cond3A_224 {
          } else {
          }
          %rem3A_225 = arith.constant 2 : i32
          %rem3A_226 = arith.remui %while3A_144, %rem3A_225 : i32
          %rem3A_227 = arith.constant 2 : i32
          %rem3A_228 = arith.remui %while3A_145, %rem3A_227 : i32
          %run_scoped3A_229 = arith.constant 0 : i32
          "tpu.trace_start"() <{level = 10 : i32, message = "ep_run_kernel"}> : () -> ()
          "tpu.region"() ({
            %run_scoped3A_294 = tpu.sem_alloc : memref<!tpu.dma_semaphore, #tpu.memory_space<semaphore_mem>>
            %dma_start3A_295 = arith.constant 0 : i32
            %dma_start3A_296 = arith.constant 0 : i32
            %dma_start3A_297 = tpu.memref_slice %run_scoped3A_18[%rem3A_228, %dma_start3A_295, %dma_start3A_296] : memref<2x256x128xf32, #tpu.memory_space<vmem>> -> memref<1x256x128xf32, #tpu.memory_space<vmem>>
            %dma_start3A_298 = tpu.memref_squeeze %dma_start3A_297 : memref<1x256x128xf32, #tpu.memory_space<vmem>> -> memref<256x128xf32, #tpu.memory_space<vmem>>
            %dma_start3A_299 = arith.constant 0 : i32
            %dma_start3A_300 = arith.constant 0 : i32
            %dma_start3A_301 = tpu.memref_slice %run_scoped3A[%rem3A_226, %dma_start3A_299, %dma_start3A_300] : memref<2x1x256xi32, #tpu.memory_space<vmem>> -> memref<1x1x256xi32, #tpu.memory_space<vmem>>
            %dma_start3A_302 = tpu.memref_squeeze %dma_start3A_301 : memref<1x1x256xi32, #tpu.memory_space<vmem>> -> memref<1x256xi32, #tpu.memory_space<vmem>>
            %dma_start3A_303 = arith.constant 0 : i32
            %dma_start3A_304 = tpu.memref_slice %dma_start3A_302[%run_scoped3A_229, %dma_start3A_303] : memref<1x256xi32, #tpu.memory_space<vmem>> -> memref<1x256xi32, #tpu.memory_space<vmem>>
            %dma_start3A_305 = tpu.memref_squeeze %dma_start3A_304 : memref<1x256xi32, #tpu.memory_space<vmem>> -> memref<256xi32, #tpu.memory_space<vmem>>
            %dma_start3A_306 = arith.constant 0 : i32
            %dma_start3A_307 = arith.constant 0 : i32
            %dma_start3A_308 = tpu.memref_slice %arg2[%dma_start3A_306, %dma_start3A_307] : memref<1024x128xf32, #tpu.memory_space<hbm>> -> memref<1024x128xf32, #tpu.memory_space<hbm>>
            tpu.enqueue_indirect_dma source(%dma_start3A_308 : memref<1024x128xf32, #tpu.memory_space<hbm>>) target(%dma_start3A_298 : memref<256x128xf32, #tpu.memory_space<vmem>>) offsets(%dma_start3A_305 : memref<256xi32, #tpu.memory_space<vmem>>) semaphore(%run_scoped3A_294 : memref<!tpu.dma_semaphore, #tpu.memory_space<semaphore_mem>>)
            %dma_wait3A = arith.constant 0 : i32
            %dma_wait3A_309 = arith.constant 0 : i32
            %dma_wait3A_310 = tpu.memref_slice %run_scoped3A_18[%rem3A_228, %dma_wait3A, %dma_wait3A_309] : memref<2x256x128xf32, #tpu.memory_space<vmem>> -> memref<1x256x128xf32, #tpu.memory_space<vmem>>
            %dma_wait3A_311 = tpu.memref_squeeze %dma_wait3A_310 : memref<1x256x128xf32, #tpu.memory_space<vmem>> -> memref<256x128xf32, #tpu.memory_space<vmem>>
            %dma_wait3A_312 = arith.constant 0 : i32
            %dma_wait3A_313 = arith.constant 0 : i32
            %dma_wait3A_314 = tpu.memref_slice %run_scoped3A[%rem3A_226, %dma_wait3A_312, %dma_wait3A_313] : memref<2x1x256xi32, #tpu.memory_space<vmem>> -> memref<1x1x256xi32, #tpu.memory_space<vmem>>
            %dma_wait3A_315 = tpu.memref_squeeze %dma_wait3A_314 : memref<1x1x256xi32, #tpu.memory_space<vmem>> -> memref<1x256xi32, #tpu.memory_space<vmem>>
            %dma_wait3A_316 = arith.constant 0 : i32
            %dma_wait3A_317 = tpu.memref_slice %dma_wait3A_315[%run_scoped3A_229, %dma_wait3A_316] : memref<1x256xi32, #tpu.memory_space<vmem>> -> memref<1x256xi32, #tpu.memory_space<vmem>>
            %dma_wait3A_318 = tpu.memref_squeeze %dma_wait3A_317 : memref<1x256xi32, #tpu.memory_space<vmem>> -> memref<256xi32, #tpu.memory_space<vmem>>
            %dma_wait3A_319 = arith.constant 0 : i32
            %dma_wait3A_320 = arith.constant 0 : i32
            %dma_wait3A_321 = tpu.memref_slice %arg2[%dma_wait3A_319, %dma_wait3A_320] : memref<1024x128xf32, #tpu.memory_space<hbm>> -> memref<1024x128xf32, #tpu.memory_space<hbm>>
            tpu.wait_indirect_dma semaphore(%run_scoped3A_294 : memref<!tpu.dma_semaphore, #tpu.memory_space<semaphore_mem>>) src(%dma_wait3A_321 : memref<1024x128xf32, #tpu.memory_space<hbm>>) dst(%dma_wait3A_311 : memref<256x128xf32, #tpu.memory_space<vmem>>)
            tpu.yield
          }) : () -> ()
          "tpu.trace_stop"() : () -> ()
          %ne3A_230 = arith.cmpi ne, %add3A_155, %add3A_173 : i32
          %or3A_231 = arith.constant false
          %or3A_232 = arith.ori %or3A_231, %ne3A_230 : i1
          %or3A_233 = arith.ori %or3A_232, %eq3A_154 : i1
          %convert_element_type3A_234 = arith.extui %or3A_233 : i1 to i32
          %cond3A_235 = arith.constant 0 : i32
          %cond3A_236 = arith.cmpi ne, %convert_element_type3A_234, %cond3A_235 : i32
          scf.if %cond3A_236 {
          } else {
          }
          %and3A_237 = arith.constant false
          %and3A_238 = arith.andi %or3A_233, %and3A_237 : i1
          %ne3A_239 = arith.cmpi ne, %add3A_155, %add3A_173 : i32
          %or3A_240 = arith.constant false
          %or3A_241 = arith.ori %or3A_240, %ne3A_239 : i1
          %or3A_242 = arith.constant false
          %or3A_243 = arith.ori %or3A_241, %or3A_242 : i1
          %or3A_244 = arith.ori %or3A_243, %eq3A_154 : i1
          %convert_element_type3A_245 = arith.extui %or3A_244 : i1 to i32
          %cond3A_246 = arith.constant 0 : i32
          %cond3A_247 = arith.cmpi ne, %convert_element_type3A_245, %cond3A_246 : i32
          scf.if %cond3A_247 {
            "tpu.trace_start"() <{level = 10 : i32, message = "ep_copy_out"}> : () -> ()
            %rem3A_294 = arith.constant 2 : i32
            %rem3A_295 = arith.remui %while3A_145, %rem3A_294 : i32
            %mul3A_296 = arith.constant 256 : i32
            %mul3A_297 = arith.muli %mul3A_296, %add3A_155 : i32
            %dma_start3A_298 = arith.constant 0 : i32
            %dma_start3A_299 = arith.constant 0 : i32
            %dma_start3A_300 = tpu.memref_slice %run_scoped3A_18[%rem3A_295, %dma_start3A_298, %dma_start3A_299] : memref<2x256x128xf32, #tpu.memory_space<vmem>> -> memref<1x256x128xf32, #tpu.memory_space<vmem>>
            %dma_start3A_301 = tpu.memref_squeeze %dma_start3A_300 : memref<1x256x128xf32, #tpu.memory_space<vmem>> -> memref<256x128xf32, #tpu.memory_space<vmem>>
            %dma_start3A_302 = arith.constant 0 : i32
            %dma_start3A_303 = tpu.memref_slice %arg4[%mul3A_297, %dma_start3A_302] : memref<25088x128xf32, #tpu.memory_space<hbm>> -> memref<256x128xf32, #tpu.memory_space<hbm>>
            %dma_start3A_304 = tpu.memref_slice %run_scoped3A_19[%rem3A_295] : memref<2x!tpu.dma_semaphore, #tpu.memory_space<semaphore_mem>> -> memref<1x!tpu.dma_semaphore, #tpu.memory_space<semaphore_mem>>
            %dma_start3A_305 = tpu.memref_squeeze %dma_start3A_304 : memref<1x!tpu.dma_semaphore, #tpu.memory_space<semaphore_mem>> -> memref<!tpu.dma_semaphore, #tpu.memory_space<semaphore_mem>>
            %dma_start3A_306 = arith.constant 0 : i32
            %dma_start3A_307 = tpu.memref_slice %arg4[%mul3A_297, %dma_start3A_306] : memref<25088x128xf32, #tpu.memory_space<hbm>> -> memref<256x128xf32, #tpu.memory_space<hbm>>
            %dma_start3A_308 = arith.constant 0 : i32
            %dma_start3A_309 = arith.constant 0 : i32
            %dma_start3A_310 = tpu.memref_slice %run_scoped3A_18[%rem3A_295, %dma_start3A_308, %dma_start3A_309] : memref<2x256x128xf32, #tpu.memory_space<vmem>> -> memref<1x256x128xf32, #tpu.memory_space<vmem>>
            %dma_start3A_311 = tpu.memref_squeeze %dma_start3A_310 : memref<1x256x128xf32, #tpu.memory_space<vmem>> -> memref<256x128xf32, #tpu.memory_space<vmem>>
            tpu.enqueue_dma source(%dma_start3A_311 : memref<256x128xf32, #tpu.memory_space<vmem>>) target(%dma_start3A_307 : memref<256x128xf32, #tpu.memory_space<hbm>>) target_semaphore(%dma_start3A_305 : memref<!tpu.dma_semaphore, #tpu.memory_space<semaphore_mem>>)
            "tpu.trace_stop"() : () -> ()
          } else {
          }
          %and3A_248 = arith.constant true
          %and3A_249 = arith.andi %or3A_244, %and3A_248 : i1
          %add3A_250 = arith.constant 1 : i32
          %add3A_251 = arith.addi %while3A_145, %add3A_250 : i32
          %select_n3A_252 = arith.select %and3A_249, %add3A_251, %while3A_145 : i32
          %ne3A_253 = arith.cmpi ne, %add3A_155, %add3A_165 : i32
          %or3A_254 = arith.constant false
          %or3A_255 = arith.ori %or3A_254, %ne3A_253 : i1
          %not3A_256 = arith.constant true
          %not3A_257 = arith.xori %eq3A_151, %not3A_256 : i1
          %and3A_258 = arith.andi %or3A_255, %not3A_257 : i1
          %convert_element_type3A_259 = arith.extui %and3A_258 : i1 to i32
          %cond3A_260 = arith.constant 0 : i32
          %cond3A_261 = arith.cmpi ne, %convert_element_type3A_259, %cond3A_260 : i32
          scf.if %cond3A_261 {
          } else {
          }
          %and3A_262 = arith.constant false
          %and3A_263 = arith.andi %and3A_258, %and3A_262 : i1
          %ne3A_264 = arith.cmpi ne, %add3A_155, %add3A_165 : i32
          %or3A_265 = arith.constant false
          %or3A_266 = arith.ori %or3A_265, %ne3A_264 : i1
          %or3A_267 = arith.constant false
          %or3A_268 = arith.ori %or3A_266, %or3A_267 : i1
          %not3A_269 = arith.constant true
          %not3A_270 = arith.xori %eq3A_151, %not3A_269 : i1
          %and3A_271 = arith.andi %or3A_268, %not3A_270 : i1
          %convert_element_type3A_272 = arith.extui %and3A_271 : i1 to i32
          %cond3A_273 = arith.constant 0 : i32
          %cond3A_274 = arith.cmpi ne, %convert_element_type3A_272, %cond3A_273 : i32
          scf.if %cond3A_274 {
            "tpu.trace_start"() <{level = 10 : i32, message = "ep_wait_out"}> : () -> ()
            %rem3A_294 = arith.constant 2 : i32
            %rem3A_295 = arith.remui %while3A_146, %rem3A_294 : i32
            %mul3A_296 = arith.constant 256 : i32
            %mul3A_297 = arith.muli %mul3A_296, %add3A_165 : i32
            %dma_wait3A = arith.constant 0 : i32
            %dma_wait3A_298 = arith.constant 0 : i32
            %dma_wait3A_299 = tpu.memref_slice %run_scoped3A_18[%rem3A_295, %dma_wait3A, %dma_wait3A_298] : memref<2x256x128xf32, #tpu.memory_space<vmem>> -> memref<1x256x128xf32, #tpu.memory_space<vmem>>
            %dma_wait3A_300 = tpu.memref_squeeze %dma_wait3A_299 : memref<1x256x128xf32, #tpu.memory_space<vmem>> -> memref<256x128xf32, #tpu.memory_space<vmem>>
            %dma_wait3A_301 = arith.constant 0 : i32
            %dma_wait3A_302 = tpu.memref_slice %arg4[%mul3A_297, %dma_wait3A_301] : memref<25088x128xf32, #tpu.memory_space<hbm>> -> memref<256x128xf32, #tpu.memory_space<hbm>>
            %dma_wait3A_303 = tpu.memref_slice %run_scoped3A_19[%rem3A_295] : memref<2x!tpu.dma_semaphore, #tpu.memory_space<semaphore_mem>> -> memref<1x!tpu.dma_semaphore, #tpu.memory_space<semaphore_mem>>
            %dma_wait3A_304 = tpu.memref_squeeze %dma_wait3A_303 : memref<1x!tpu.dma_semaphore, #tpu.memory_space<semaphore_mem>> -> memref<!tpu.dma_semaphore, #tpu.memory_space<semaphore_mem>>
            %dma_wait3A_305 = arith.constant 0 : i32
            %dma_wait3A_306 = tpu.memref_slice %arg4[%mul3A_297, %dma_wait3A_305] : memref<25088x128xf32, #tpu.memory_space<hbm>> -> memref<256x128xf32, #tpu.memory_space<hbm>>
            %dma_wait3A_307 = arith.constant 0 : i32
            %dma_wait3A_308 = arith.constant 0 : i32
            %dma_wait3A_309 = tpu.memref_slice %run_scoped3A_18[%rem3A_295, %dma_wait3A_307, %dma_wait3A_308] : memref<2x256x128xf32, #tpu.memory_space<vmem>> -> memref<1x256x128xf32, #tpu.memory_space<vmem>>
            %dma_wait3A_310 = tpu.memref_squeeze %dma_wait3A_309 : memref<1x256x128xf32, #tpu.memory_space<vmem>> -> memref<256x128xf32, #tpu.memory_space<vmem>>
            tpu.wait_dma2 semaphore(%dma_wait3A_304 : memref<!tpu.dma_semaphore, #tpu.memory_space<semaphore_mem>>) src(%dma_wait3A_310 : memref<256x128xf32, #tpu.memory_space<vmem>>) dst(%dma_wait3A_306 : memref<256x128xf32, #tpu.memory_space<hbm>>)
            "tpu.trace_stop"() : () -> ()
          } else {
          }
          %and3A_275 = arith.constant true
          %and3A_276 = arith.andi %and3A_271, %and3A_275 : i1
          %add3A_277 = arith.constant 1 : i32
          %add3A_278 = arith.addi %while3A_146, %add3A_277 : i32
          %select_n3A_279 = arith.select %and3A_276, %add3A_278, %while3A_146 : i32
          %ne3A_280 = arith.cmpi ne, %add3A_155, %add3A_173 : i32
          %or3A_281 = arith.constant false
          %or3A_282 = arith.ori %or3A_281, %ne3A_280 : i1
          %or3A_283 = arith.ori %or3A_282, %eq3A_154 : i1
          %add3A_284 = arith.constant 1 : i32
          %add3A_285 = arith.addi %while3A_144, %add3A_284 : i32
          %select_n3A_286 = arith.select %or3A_283, %add3A_285, %while3A_144 : i32
          %add3A_287 = arith.constant 1 : i32
          %add3A_288 = arith.addi %while3A_147, %add3A_287 : i32
          %select_n3A_289 = arith.constant true
          %select_n3A_290 = arith.select %select_n3A_289, %add3A_288, %while3A_147 : i32
          %eq3A_291 = arith.cmpi eq, %select_n3A_290, %select_n3A : i32
          %select_n3A_292 = arith.constant 0 : i32
          %select_n3A_293 = arith.select %eq3A_291, %select_n3A_292, %select_n3A_290 : i32
          scf.yield %select_n3A_195, %select_n3A_286, %select_n3A_252, %select_n3A_279, %select_n3A_293 : i32, i32, i32, i32, i32
        }
        %while3A_89 = arith.constant 1 : i32
        %while3A_90:5 = scf.for %while3A_142 = %while3A_86 to %while3A_82 step %while3A_89 iter_args(%while3A_143 = %while3A_88#0, %while3A_144 = %while3A_88#1, %while3A_145 = %while3A_88#2, %while3A_146 = %while3A_88#3, %while3A_147 = %while3A_88#4) -> (i32, i32, i32, i32, i32)  : i32 {
          %mul3A_148 = arith.constant 1 : i32
          %mul3A_149 = arith.muli %mul3A_148, %select_n3A : i32
          %eq3A_150 = arith.constant 0 : i32
          %eq3A_151 = arith.cmpi eq, %while3A_142, %eq3A_150 : i32
          %sub3A_152 = arith.constant 1 : i32
          %sub3A_153 = arith.subi %mul3A_149, %sub3A_152 : i32
          %eq3A_154 = arith.cmpi eq, %while3A_142, %sub3A_153 : i32
          %add3A_155 = arith.addi %while3A_147, %select_n3A_14 : i32
          %sub3A_156 = arith.constant 1 : i32
          %sub3A_157 = arith.subi %while3A_147, %sub3A_156 : i32
          %select_n3A_158 = arith.constant true
          %select_n3A_159 = arith.select %select_n3A_158, %sub3A_157, %while3A_147 : i32
          %eq3A_160 = arith.constant -1 : i32
          %eq3A_161 = arith.cmpi eq, %select_n3A_159, %eq3A_160 : i32
          %sub3A_162 = arith.constant 1 : i32
          %sub3A_163 = arith.subi %select_n3A, %sub3A_162 : i32
          %select_n3A_164 = arith.select %eq3A_161, %sub3A_163, %select_n3A_159 : i32
          %add3A_165 = arith.addi %select_n3A_164, %select_n3A_14 : i32
          %add3A_166 = arith.constant 1 : i32
          %add3A_167 = arith.addi %while3A_147, %add3A_166 : i32
          %select_n3A_168 = arith.constant true
          %select_n3A_169 = arith.select %select_n3A_168, %add3A_167, %while3A_147 : i32
          %eq3A_170 = arith.cmpi eq, %select_n3A_169, %select_n3A : i32
          %select_n3A_171 = arith.constant 0 : i32
          %select_n3A_172 = arith.select %eq3A_170, %select_n3A_171, %select_n3A_169 : i32
          %add3A_173 = arith.addi %select_n3A_172, %select_n3A_14 : i32
          %add3A_174 = arith.constant 1 : i32
          %add3A_175 = arith.addi %select_n3A_172, %add3A_174 : i32
          %select_n3A_176 = arith.constant true
          %select_n3A_177 = arith.select %select_n3A_176, %add3A_175, %select_n3A_172 : i32
          %eq3A_178 = arith.cmpi eq, %select_n3A_177, %select_n3A : i32
          %select_n3A_179 = arith.constant 0 : i32
          %select_n3A_180 = arith.select %eq3A_178, %select_n3A_179, %select_n3A_177 : i32
          %add3A_181 = arith.addi %select_n3A_180, %select_n3A_14 : i32
          %ne3A = arith.cmpi ne, %add3A_155, %add3A_173 : i32
          %or3A = arith.constant false
          %or3A_182 = arith.ori %or3A, %ne3A : i1
          %sub3A_183 = arith.constant 2 : i32
          %sub3A_184 = arith.subi %mul3A_149, %sub3A_183 : i32
          %add3A_185 = arith.constant 1 : i32
          %add3A_186 = arith.addi %sub3A_184, %add3A_185 : i32
          %ge3A = arith.cmpi sge, %while3A_142, %add3A_186 : i32
          %not3A = arith.constant true
          %not3A_187 = arith.xori %ge3A, %not3A : i1
          %and3A = arith.andi %or3A_182, %not3A_187 : i1
          %convert_element_type3A_188 = arith.extui %and3A : i1 to i32
          %cond3A_189 = arith.constant 0 : i32
          %cond3A_190 = arith.cmpi ne, %convert_element_type3A_188, %cond3A_189 : i32
          scf.if %cond3A_190 {
            "tpu.trace_start"() <{level = 10 : i32, message = "ep_copy_in"}> : () -> ()
            %rem3A_294 = arith.constant 2 : i32
            %rem3A_295 = arith.remui %while3A_143, %rem3A_294 : i32
            %mul3A_296 = arith.constant 256 : i32
            %mul3A_297 = arith.muli %mul3A_296, %add3A_173 : i32
            %dma_start3A_298 = arith.constant 0 : i32
            %dma_start3A_299 = arith.constant 0 : i32
            %dma_start3A_300 = tpu.memref_slice %run_scoped3A[%rem3A_295, %dma_start3A_298, %dma_start3A_299] : memref<2x1x256xi32, #tpu.memory_space<vmem>> -> memref<1x1x256xi32, #tpu.memory_space<vmem>>
            %dma_start3A_301 = tpu.memref_squeeze %dma_start3A_300 : memref<1x1x256xi32, #tpu.memory_space<vmem>> -> memref<1x256xi32, #tpu.memory_space<vmem>>
            %dma_start3A_302 = arith.constant 0 : i32
            %dma_start3A_303 = tpu.memref_slice %arg3[%dma_start3A_302, %mul3A_297] : memref<1x25088xi32, #tpu.memory_space<hbm>> -> memref<1x256xi32, #tpu.memory_space<hbm>>
            %dma_start3A_304 = tpu.memref_slice %run_scoped3A_17[%rem3A_295] : memref<2x!tpu.dma_semaphore, #tpu.memory_space<semaphore_mem>> -> memref<1x!tpu.dma_semaphore, #tpu.memory_space<semaphore_mem>>
            %dma_start3A_305 = tpu.memref_squeeze %dma_start3A_304 : memref<1x!tpu.dma_semaphore, #tpu.memory_space<semaphore_mem>> -> memref<!tpu.dma_semaphore, #tpu.memory_space<semaphore_mem>>
            %dma_start3A_306 = arith.constant 0 : i32
            %dma_start3A_307 = arith.constant 0 : i32
            %dma_start3A_308 = tpu.memref_slice %run_scoped3A[%rem3A_295, %dma_start3A_306, %dma_start3A_307] : memref<2x1x256xi32, #tpu.memory_space<vmem>> -> memref<1x1x256xi32, #tpu.memory_space<vmem>>
            %dma_start3A_309 = tpu.memref_squeeze %dma_start3A_308 : memref<1x1x256xi32, #tpu.memory_space<vmem>> -> memref<1x256xi32, #tpu.memory_space<vmem>>
            %dma_start3A_310 = arith.constant 0 : i32
            %dma_start3A_311 = tpu.memref_slice %arg3[%dma_start3A_310, %mul3A_297] : memref<1x25088xi32, #tpu.memory_space<hbm>> -> memref<1x256xi32, #tpu.memory_space<hbm>>
            tpu.enqueue_dma source(%dma_start3A_311 : memref<1x256xi32, #tpu.memory_space<hbm>>) target(%dma_start3A_309 : memref<1x256xi32, #tpu.memory_space<vmem>>) target_semaphore(%dma_start3A_305 : memref<!tpu.dma_semaphore, #tpu.memory_space<semaphore_mem>>)
            "tpu.trace_stop"() : () -> ()
          } else {
          }
          %and3A_191 = arith.constant true
          %and3A_192 = arith.andi %and3A, %and3A_191 : i1
          %add3A_193 = arith.constant 1 : i32
          %add3A_194 = arith.addi %while3A_143, %add3A_193 : i32
          %select_n3A_195 = arith.select %and3A_192, %add3A_194, %while3A_143 : i32
          %ne3A_196 = arith.cmpi ne, %add3A_155, %add3A_173 : i32
          %or3A_197 = arith.constant false
          %or3A_198 = arith.ori %or3A_197, %ne3A_196 : i1
          %or3A_199 = arith.constant false
          %or3A_200 = arith.ori %or3A_198, %or3A_199 : i1
          %sub3A_201 = arith.constant 2 : i32
          %sub3A_202 = arith.subi %mul3A_149, %sub3A_201 : i32
          %add3A_203 = arith.constant 1 : i32
          %add3A_204 = arith.addi %sub3A_202, %add3A_203 : i32
          %ge3A_205 = arith.cmpi sge, %while3A_142, %add3A_204 : i32
          %not3A_206 = arith.constant true
          %not3A_207 = arith.xori %ge3A_205, %not3A_206 : i1
          %and3A_208 = arith.andi %or3A_200, %not3A_207 : i1
          %ne3A_209 = arith.cmpi ne, %add3A_155, %add3A_165 : i32
          %or3A_210 = arith.constant false
          %or3A_211 = arith.ori %or3A_210, %ne3A_209 : i1
          %or3A_212 = arith.ori %or3A_211, %eq3A_151 : i1
          %convert_element_type3A_213 = arith.extui %or3A_212 : i1 to i32
          %cond3A_214 = arith.constant 0 : i32
          %cond3A_215 = arith.cmpi ne, %convert_element_type3A_213, %cond3A_214 : i32
          scf.if %cond3A_215 {
            "tpu.trace_start"() <{level = 10 : i32, message = "ep_wait_in"}> : () -> ()
            %mul3A_294 = arith.constant 256 : i32
            %mul3A_295 = arith.muli %mul3A_294, %add3A_155 : i32
            %rem3A_296 = arith.constant 2 : i32
            %rem3A_297 = arith.remui %while3A_144, %rem3A_296 : i32
            %dma_wait3A = arith.constant 0 : i32
            %dma_wait3A_298 = arith.constant 0 : i32
            %dma_wait3A_299 = tpu.memref_slice %run_scoped3A[%rem3A_297, %dma_wait3A, %dma_wait3A_298] : memref<2x1x256xi32, #tpu.memory_space<vmem>> -> memref<1x1x256xi32, #tpu.memory_space<vmem>>
            %dma_wait3A_300 = tpu.memref_squeeze %dma_wait3A_299 : memref<1x1x256xi32, #tpu.memory_space<vmem>> -> memref<1x256xi32, #tpu.memory_space<vmem>>
            %dma_wait3A_301 = arith.constant 0 : i32
            %dma_wait3A_302 = tpu.memref_slice %arg3[%dma_wait3A_301, %mul3A_295] : memref<1x25088xi32, #tpu.memory_space<hbm>> -> memref<1x256xi32, #tpu.memory_space<hbm>>
            %dma_wait3A_303 = tpu.memref_slice %run_scoped3A_17[%rem3A_297] : memref<2x!tpu.dma_semaphore, #tpu.memory_space<semaphore_mem>> -> memref<1x!tpu.dma_semaphore, #tpu.memory_space<semaphore_mem>>
            %dma_wait3A_304 = tpu.memref_squeeze %dma_wait3A_303 : memref<1x!tpu.dma_semaphore, #tpu.memory_space<semaphore_mem>> -> memref<!tpu.dma_semaphore, #tpu.memory_space<semaphore_mem>>
            %dma_wait3A_305 = arith.constant 0 : i32
            %dma_wait3A_306 = arith.constant 0 : i32
            %dma_wait3A_307 = tpu.memref_slice %run_scoped3A[%rem3A_297, %dma_wait3A_305, %dma_wait3A_306] : memref<2x1x256xi32, #tpu.memory_space<vmem>> -> memref<1x1x256xi32, #tpu.memory_space<vmem>>
            %dma_wait3A_308 = tpu.memref_squeeze %dma_wait3A_307 : memref<1x1x256xi32, #tpu.memory_space<vmem>> -> memref<1x256xi32, #tpu.memory_space<vmem>>
            %dma_wait3A_309 = arith.constant 0 : i32
            %dma_wait3A_310 = tpu.memref_slice %arg3[%dma_wait3A_309, %mul3A_295] : memref<1x25088xi32, #tpu.memory_space<hbm>> -> memref<1x256xi32, #tpu.memory_space<hbm>>
            tpu.wait_dma2 semaphore(%dma_wait3A_304 : memref<!tpu.dma_semaphore, #tpu.memory_space<semaphore_mem>>) src(%dma_wait3A_310 : memref<1x256xi32, #tpu.memory_space<hbm>>) dst(%dma_wait3A_308 : memref<1x256xi32, #tpu.memory_space<vmem>>)
            "tpu.trace_stop"() : () -> ()
          } else {
          }
          %ne3A_216 = arith.cmpi ne, %add3A_155, %add3A_165 : i32
          %or3A_217 = arith.constant false
          %or3A_218 = arith.ori %or3A_217, %ne3A_216 : i1
          %or3A_219 = arith.constant false
          %or3A_220 = arith.ori %or3A_218, %or3A_219 : i1
          %or3A_221 = arith.ori %or3A_220, %eq3A_151 : i1
          %convert_element_type3A_222 = arith.extui %or3A_221 : i1 to i32
          %cond3A_223 = arith.constant 0 : i32
          %cond3A_224 = arith.cmpi ne, %convert_element_type3A_222, %cond3A_223 : i32
          scf.if %cond3A_224 {
          } else {
          }
          %rem3A_225 = arith.constant 2 : i32
          %rem3A_226 = arith.remui %while3A_144, %rem3A_225 : i32
          %rem3A_227 = arith.constant 2 : i32
          %rem3A_228 = arith.remui %while3A_145, %rem3A_227 : i32
          %run_scoped3A_229 = arith.constant 0 : i32
          "tpu.trace_start"() <{level = 10 : i32, message = "ep_run_kernel"}> : () -> ()
          "tpu.region"() ({
            %run_scoped3A_294 = tpu.sem_alloc : memref<!tpu.dma_semaphore, #tpu.memory_space<semaphore_mem>>
            %dma_start3A_295 = arith.constant 0 : i32
            %dma_start3A_296 = arith.constant 0 : i32
            %dma_start3A_297 = tpu.memref_slice %run_scoped3A_18[%rem3A_228, %dma_start3A_295, %dma_start3A_296] : memref<2x256x128xf32, #tpu.memory_space<vmem>> -> memref<1x256x128xf32, #tpu.memory_space<vmem>>
            %dma_start3A_298 = tpu.memref_squeeze %dma_start3A_297 : memref<1x256x128xf32, #tpu.memory_space<vmem>> -> memref<256x128xf32, #tpu.memory_space<vmem>>
            %dma_start3A_299 = arith.constant 0 : i32
            %dma_start3A_300 = arith.constant 0 : i32
            %dma_start3A_301 = tpu.memref_slice %run_scoped3A[%rem3A_226, %dma_start3A_299, %dma_start3A_300] : memref<2x1x256xi32, #tpu.memory_space<vmem>> -> memref<1x1x256xi32, #tpu.memory_space<vmem>>
            %dma_start3A_302 = tpu.memref_squeeze %dma_start3A_301 : memref<1x1x256xi32, #tpu.memory_space<vmem>> -> memref<1x256xi32, #tpu.memory_space<vmem>>
            %dma_start3A_303 = arith.constant 0 : i32
            %dma_start3A_304 = tpu.memref_slice %dma_start3A_302[%run_scoped3A_229, %dma_start3A_303] : memref<1x256xi32, #tpu.memory_space<vmem>> -> memref<1x256xi32, #tpu.memory_space<vmem>>
            %dma_start3A_305 = tpu.memref_squeeze %dma_start3A_304 : memref<1x256xi32, #tpu.memory_space<vmem>> -> memref<256xi32, #tpu.memory_space<vmem>>
            %dma_start3A_306 = arith.constant 0 : i32
            %dma_start3A_307 = arith.constant 0 : i32
            %dma_start3A_308 = tpu.memref_slice %arg2[%dma_start3A_306, %dma_start3A_307] : memref<1024x128xf32, #tpu.memory_space<hbm>> -> memref<1024x128xf32, #tpu.memory_space<hbm>>
            tpu.enqueue_indirect_dma source(%dma_start3A_308 : memref<1024x128xf32, #tpu.memory_space<hbm>>) target(%dma_start3A_298 : memref<256x128xf32, #tpu.memory_space<vmem>>) offsets(%dma_start3A_305 : memref<256xi32, #tpu.memory_space<vmem>>) semaphore(%run_scoped3A_294 : memref<!tpu.dma_semaphore, #tpu.memory_space<semaphore_mem>>)
            %dma_wait3A = arith.constant 0 : i32
            %dma_wait3A_309 = arith.constant 0 : i32
            %dma_wait3A_310 = tpu.memref_slice %run_scoped3A_18[%rem3A_228, %dma_wait3A, %dma_wait3A_309] : memref<2x256x128xf32, #tpu.memory_space<vmem>> -> memref<1x256x128xf32, #tpu.memory_space<vmem>>
            %dma_wait3A_311 = tpu.memref_squeeze %dma_wait3A_310 : memref<1x256x128xf32, #tpu.memory_space<vmem>> -> memref<256x128xf32, #tpu.memory_space<vmem>>
            %dma_wait3A_312 = arith.constant 0 : i32
            %dma_wait3A_313 = arith.constant 0 : i32
            %dma_wait3A_314 = tpu.memref_slice %run_scoped3A[%rem3A_226, %dma_wait3A_312, %dma_wait3A_313] : memref<2x1x256xi32, #tpu.memory_space<vmem>> -> memref<1x1x256xi32, #tpu.memory_space<vmem>>
            %dma_wait3A_315 = tpu.memref_squeeze %dma_wait3A_314 : memref<1x1x256xi32, #tpu.memory_space<vmem>> -> memref<1x256xi32, #tpu.memory_space<vmem>>
            %dma_wait3A_316 = arith.constant 0 : i32
            %dma_wait3A_317 = tpu.memref_slice %dma_wait3A_315[%run_scoped3A_229, %dma_wait3A_316] : memref<1x256xi32, #tpu.memory_space<vmem>> -> memref<1x256xi32, #tpu.memory_space<vmem>>
            %dma_wait3A_318 = tpu.memref_squeeze %dma_wait3A_317 : memref<1x256xi32, #tpu.memory_space<vmem>> -> memref<256xi32, #tpu.memory_space<vmem>>
            %dma_wait3A_319 = arith.constant 0 : i32
            %dma_wait3A_320 = arith.constant 0 : i32
            %dma_wait3A_321 = tpu.memref_slice %arg2[%dma_wait3A_319, %dma_wait3A_320] : memref<1024x128xf32, #tpu.memory_space<hbm>> -> memref<1024x128xf32, #tpu.memory_space<hbm>>
            tpu.wait_indirect_dma semaphore(%run_scoped3A_294 : memref<!tpu.dma_semaphore, #tpu.memory_space<semaphore_mem>>) src(%dma_wait3A_321 : memref<1024x128xf32, #tpu.memory_space<hbm>>) dst(%dma_wait3A_311 : memref<256x128xf32, #tpu.memory_space<vmem>>)
            tpu.yield
          }) : () -> ()
          "tpu.trace_stop"() : () -> ()
          %ne3A_230 = arith.cmpi ne, %add3A_155, %add3A_173 : i32
          %or3A_231 = arith.constant false
          %or3A_232 = arith.ori %or3A_231, %ne3A_230 : i1
          %or3A_233 = arith.ori %or3A_232, %eq3A_154 : i1
          %convert_element_type3A_234 = arith.extui %or3A_233 : i1 to i32
          %cond3A_235 = arith.constant 0 : i32
          %cond3A_236 = arith.cmpi ne, %convert_element_type3A_234, %cond3A_235 : i32
          scf.if %cond3A_236 {
          } else {
          }
          %and3A_237 = arith.constant false
          %and3A_238 = arith.andi %or3A_233, %and3A_237 : i1
          %ne3A_239 = arith.cmpi ne, %add3A_155, %add3A_173 : i32
          %or3A_240 = arith.constant false
          %or3A_241 = arith.ori %or3A_240, %ne3A_239 : i1
          %or3A_242 = arith.constant false
          %or3A_243 = arith.ori %or3A_241, %or3A_242 : i1
          %or3A_244 = arith.ori %or3A_243, %eq3A_154 : i1
          %convert_element_type3A_245 = arith.extui %or3A_244 : i1 to i32
          %cond3A_246 = arith.constant 0 : i32
          %cond3A_247 = arith.cmpi ne, %convert_element_type3A_245, %cond3A_246 : i32
          scf.if %cond3A_247 {
            "tpu.trace_start"() <{level = 10 : i32, message = "ep_copy_out"}> : () -> ()
            %rem3A_294 = arith.constant 2 : i32
            %rem3A_295 = arith.remui %while3A_145, %rem3A_294 : i32
            %mul3A_296 = arith.constant 256 : i32
            %mul3A_297 = arith.muli %mul3A_296, %add3A_155 : i32
            %dma_start3A_298 = arith.constant 0 : i32
            %dma_start3A_299 = arith.constant 0 : i32
            %dma_start3A_300 = tpu.memref_slice %run_scoped3A_18[%rem3A_295, %dma_start3A_298, %dma_start3A_299] : memref<2x256x128xf32, #tpu.memory_space<vmem>> -> memref<1x256x128xf32, #tpu.memory_space<vmem>>
            %dma_start3A_301 = tpu.memref_squeeze %dma_start3A_300 : memref<1x256x128xf32, #tpu.memory_space<vmem>> -> memref<256x128xf32, #tpu.memory_space<vmem>>
            %dma_start3A_302 = arith.constant 0 : i32
            %dma_start3A_303 = tpu.memref_slice %arg4[%mul3A_297, %dma_start3A_302] : memref<25088x128xf32, #tpu.memory_space<hbm>> -> memref<256x128xf32, #tpu.memory_space<hbm>>
            %dma_start3A_304 = tpu.memref_slice %run_scoped3A_19[%rem3A_295] : memref<2x!tpu.dma_semaphore, #tpu.memory_space<semaphore_mem>> -> memref<1x!tpu.dma_semaphore, #tpu.memory_space<semaphore_mem>>
            %dma_start3A_305 = tpu.memref_squeeze %dma_start3A_304 : memref<1x!tpu.dma_semaphore, #tpu.memory_space<semaphore_mem>> -> memref<!tpu.dma_semaphore, #tpu.memory_space<semaphore_mem>>
            %dma_start3A_306 = arith.constant 0 : i32
            %dma_start3A_307 = tpu.memref_slice %arg4[%mul3A_297, %dma_start3A_306] : memref<25088x128xf32, #tpu.memory_space<hbm>> -> memref<256x128xf32, #tpu.memory_space<hbm>>
            %dma_start3A_308 = arith.constant 0 : i32
            %dma_start3A_309 = arith.constant 0 : i32
            %dma_start3A_310 = tpu.memref_slice %run_scoped3A_18[%rem3A_295, %dma_start3A_308, %dma_start3A_309] : memref<2x256x128xf32, #tpu.memory_space<vmem>> -> memref<1x256x128xf32, #tpu.memory_space<vmem>>
            %dma_start3A_311 = tpu.memref_squeeze %dma_start3A_310 : memref<1x256x128xf32, #tpu.memory_space<vmem>> -> memref<256x128xf32, #tpu.memory_space<vmem>>
            tpu.enqueue_dma source(%dma_start3A_311 : memref<256x128xf32, #tpu.memory_space<vmem>>) target(%dma_start3A_307 : memref<256x128xf32, #tpu.memory_space<hbm>>) target_semaphore(%dma_start3A_305 : memref<!tpu.dma_semaphore, #tpu.memory_space<semaphore_mem>>)
            "tpu.trace_stop"() : () -> ()
          } else {
          }
          %and3A_248 = arith.constant true
          %and3A_249 = arith.andi %or3A_244, %and3A_248 : i1
          %add3A_250 = arith.constant 1 : i32
          %add3A_251 = arith.addi %while3A_145, %add3A_250 : i32
          %select_n3A_252 = arith.select %and3A_249, %add3A_251, %while3A_145 : i32
          %ne3A_253 = arith.cmpi ne, %add3A_155, %add3A_165 : i32
          %or3A_254 = arith.constant false
          %or3A_255 = arith.ori %or3A_254, %ne3A_253 : i1
          %not3A_256 = arith.constant true
          %not3A_257 = arith.xori %eq3A_151, %not3A_256 : i1
          %and3A_258 = arith.andi %or3A_255, %not3A_257 : i1
          %convert_element_type3A_259 = arith.extui %and3A_258 : i1 to i32
          %cond3A_260 = arith.constant 0 : i32
          %cond3A_261 = arith.cmpi ne, %convert_element_type3A_259, %cond3A_260 : i32
          scf.if %cond3A_261 {
          } else {
          }
          %and3A_262 = arith.constant false
          %and3A_263 = arith.andi %and3A_258, %and3A_262 : i1
          %ne3A_264 = arith.cmpi ne, %add3A_155, %add3A_165 : i32
          %or3A_265 = arith.constant false
          %or3A_266 = arith.ori %or3A_265, %ne3A_264 : i1
          %or3A_267 = arith.constant false
          %or3A_268 = arith.ori %or3A_266, %or3A_267 : i1
          %not3A_269 = arith.constant true
          %not3A_270 = arith.xori %eq3A_151, %not3A_269 : i1
          %and3A_271 = arith.andi %or3A_268, %not3A_270 : i1
          %convert_element_type3A_272 = arith.extui %and3A_271 : i1 to i32
          %cond3A_273 = arith.constant 0 : i32
          %cond3A_274 = arith.cmpi ne, %convert_element_type3A_272, %cond3A_273 : i32
          scf.if %cond3A_274 {
            "tpu.trace_start"() <{level = 10 : i32, message = "ep_wait_out"}> : () -> ()
            %rem3A_294 = arith.constant 2 : i32
            %rem3A_295 = arith.remui %while3A_146, %rem3A_294 : i32
            %mul3A_296 = arith.constant 256 : i32
            %mul3A_297 = arith.muli %mul3A_296, %add3A_165 : i32
            %dma_wait3A = arith.constant 0 : i32
            %dma_wait3A_298 = arith.constant 0 : i32
            %dma_wait3A_299 = tpu.memref_slice %run_scoped3A_18[%rem3A_295, %dma_wait3A, %dma_wait3A_298] : memref<2x256x128xf32, #tpu.memory_space<vmem>> -> memref<1x256x128xf32, #tpu.memory_space<vmem>>
            %dma_wait3A_300 = tpu.memref_squeeze %dma_wait3A_299 : memref<1x256x128xf32, #tpu.memory_space<vmem>> -> memref<256x128xf32, #tpu.memory_space<vmem>>
            %dma_wait3A_301 = arith.constant 0 : i32
            %dma_wait3A_302 = tpu.memref_slice %arg4[%mul3A_297, %dma_wait3A_301] : memref<25088x128xf32, #tpu.memory_space<hbm>> -> memref<256x128xf32, #tpu.memory_space<hbm>>
            %dma_wait3A_303 = tpu.memref_slice %run_scoped3A_19[%rem3A_295] : memref<2x!tpu.dma_semaphore, #tpu.memory_space<semaphore_mem>> -> memref<1x!tpu.dma_semaphore, #tpu.memory_space<semaphore_mem>>
            %dma_wait3A_304 = tpu.memref_squeeze %dma_wait3A_303 : memref<1x!tpu.dma_semaphore, #tpu.memory_space<semaphore_mem>> -> memref<!tpu.dma_semaphore, #tpu.memory_space<semaphore_mem>>
            %dma_wait3A_305 = arith.constant 0 : i32
            %dma_wait3A_306 = tpu.memref_slice %arg4[%mul3A_297, %dma_wait3A_305] : memref<25088x128xf32, #tpu.memory_space<hbm>> -> memref<256x128xf32, #tpu.memory_space<hbm>>
            %dma_wait3A_307 = arith.constant 0 : i32
            %dma_wait3A_308 = arith.constant 0 : i32
            %dma_wait3A_309 = tpu.memref_slice %run_scoped3A_18[%rem3A_295, %dma_wait3A_307, %dma_wait3A_308] : memref<2x256x128xf32, #tpu.memory_space<vmem>> -> memref<1x256x128xf32, #tpu.memory_space<vmem>>
            %dma_wait3A_310 = tpu.memref_squeeze %dma_wait3A_309 : memref<1x256x128xf32, #tpu.memory_space<vmem>> -> memref<256x128xf32, #tpu.memory_space<vmem>>
            tpu.wait_dma2 semaphore(%dma_wait3A_304 : memref<!tpu.dma_semaphore, #tpu.memory_space<semaphore_mem>>) src(%dma_wait3A_310 : memref<256x128xf32, #tpu.memory_space<vmem>>) dst(%dma_wait3A_306 : memref<256x128xf32, #tpu.memory_space<hbm>>)
            "tpu.trace_stop"() : () -> ()
          } else {
          }
          %and3A_275 = arith.constant true
          %and3A_276 = arith.andi %and3A_271, %and3A_275 : i1
          %add3A_277 = arith.constant 1 : i32
          %add3A_278 = arith.addi %while3A_146, %add3A_277 : i32
          %select_n3A_279 = arith.select %and3A_276, %add3A_278, %while3A_146 : i32
          %ne3A_280 = arith.cmpi ne, %add3A_155, %add3A_173 : i32
          %or3A_281 = arith.constant false
          %or3A_282 = arith.ori %or3A_281, %ne3A_280 : i1
          %or3A_283 = arith.ori %or3A_282, %eq3A_154 : i1
          %add3A_284 = arith.constant 1 : i32
          %add3A_285 = arith.addi %while3A_144, %add3A_284 : i32
          %select_n3A_286 = arith.select %or3A_283, %add3A_285, %while3A_144 : i32
          %add3A_287 = arith.constant 1 : i32
          %add3A_288 = arith.addi %while3A_147, %add3A_287 : i32
          %select_n3A_289 = arith.constant true
          %select_n3A_290 = arith.select %select_n3A_289, %add3A_288, %while3A_147 : i32
          %eq3A_291 = arith.cmpi eq, %select_n3A_290, %select_n3A : i32
          %select_n3A_292 = arith.constant 0 : i32
          %select_n3A_293 = arith.select %eq3A_291, %select_n3A_292, %select_n3A_290 : i32
          scf.yield %select_n3A_195, %select_n3A_286, %select_n3A_252, %select_n3A_279, %select_n3A_293 : i32, i32, i32, i32, i32
        }
        %sub3A_91 = arith.constant 1 : i32
        %sub3A_92 = arith.subi %while3A_90#4, %sub3A_91 : i32
        %select_n3A_93 = arith.constant true
        %select_n3A_94 = arith.select %select_n3A_93, %sub3A_92, %while3A_90#4 : i32
        %eq3A_95 = arith.constant -1 : i32
        %eq3A_96 = arith.cmpi eq, %select_n3A_94, %eq3A_95 : i32
        %sub3A_97 = arith.constant 1 : i32
        %sub3A_98 = arith.subi %select_n3A, %sub3A_97 : i32
        %select_n3A_99 = arith.select %eq3A_96, %sub3A_98, %select_n3A_94 : i32
        %sub3A_100 = arith.constant 1 : i32
        %sub3A_101 = arith.subi %mul3A_16, %sub3A_100 : i32
        %mul3A_102 = arith.constant 1 : i32
        %mul3A_103 = arith.muli %mul3A_102, %select_n3A : i32
        %eq3A_104 = arith.constant 0 : i32
        %eq3A_105 = arith.cmpi eq, %sub3A_101, %eq3A_104 : i32
        %sub3A_106 = arith.constant 1 : i32
        %sub3A_107 = arith.subi %mul3A_103, %sub3A_106 : i32
        %eq3A_108 = arith.cmpi eq, %sub3A_101, %sub3A_107 : i32
        %add3A_109 = arith.addi %select_n3A_99, %select_n3A_14 : i32
        %sub3A_110 = arith.constant 1 : i32
        %sub3A_111 = arith.subi %select_n3A_99, %sub3A_110 : i32
        %select_n3A_112 = arith.constant true
        %select_n3A_113 = arith.select %select_n3A_112, %sub3A_111, %select_n3A_99 : i32
        %eq3A_114 = arith.constant -1 : i32
        %eq3A_115 = arith.cmpi eq, %select_n3A_113, %eq3A_114 : i32
        %sub3A_116 = arith.constant 1 : i32
        %sub3A_117 = arith.subi %select_n3A, %sub3A_116 : i32
        %select_n3A_118 = arith.select %eq3A_115, %sub3A_117, %select_n3A_113 : i32
        %add3A_119 = arith.addi %select_n3A_118, %select_n3A_14 : i32
        %add3A_120 = arith.constant 1 : i32
        %add3A_121 = arith.addi %select_n3A_99, %add3A_120 : i32
        %select_n3A_122 = arith.constant true
        %select_n3A_123 = arith.select %select_n3A_122, %add3A_121, %select_n3A_99 : i32
        %eq3A_124 = arith.cmpi eq, %select_n3A_123, %select_n3A : i32
        %select_n3A_125 = arith.constant 0 : i32
        %select_n3A_126 = arith.select %eq3A_124, %select_n3A_125, %select_n3A_123 : i32
        %add3A_127 = arith.addi %select_n3A_126, %select_n3A_14 : i32
        %add3A_128 = arith.constant 1 : i32
        %add3A_129 = arith.addi %select_n3A_126, %add3A_128 : i32
        %select_n3A_130 = arith.constant true
        %select_n3A_131 = arith.select %select_n3A_130, %add3A_129, %select_n3A_126 : i32
        %eq3A_132 = arith.cmpi eq, %select_n3A_131, %select_n3A : i32
        %select_n3A_133 = arith.constant 0 : i32
        %select_n3A_134 = arith.select %eq3A_132, %select_n3A_133, %select_n3A_131 : i32
        %add3A_135 = arith.addi %select_n3A_134, %select_n3A_14 : i32
        %convert_element_type3A_136 = arith.extui %eq3A_108 : i1 to i32
        %cond3A_137 = arith.constant 0 : i32
        %cond3A_138 = arith.cmpi ne, %convert_element_type3A_136, %cond3A_137 : i32
        scf.if %cond3A_138 {
        } else {
        }
        %convert_element_type3A_139 = arith.extui %eq3A_108 : i1 to i32
        %cond3A_140 = arith.constant 0 : i32
        %cond3A_141 = arith.cmpi ne, %convert_element_type3A_139, %cond3A_140 : i32
        scf.if %cond3A_141 {
          "tpu.trace_start"() <{level = 10 : i32, message = "ep_finalize"}> : () -> ()
          %rem3A_142 = arith.constant 2 : i32
          %rem3A_143 = arith.remui %while3A_90#3, %rem3A_142 : i32
          %mul3A_144 = arith.constant 256 : i32
          %mul3A_145 = arith.muli %mul3A_144, %add3A_109 : i32
          %dma_wait3A = arith.constant 0 : i32
          %dma_wait3A_146 = arith.constant 0 : i32
          %dma_wait3A_147 = tpu.memref_slice %run_scoped3A_18[%rem3A_143, %dma_wait3A, %dma_wait3A_146] : memref<2x256x128xf32, #tpu.memory_space<vmem>> -> memref<1x256x128xf32, #tpu.memory_space<vmem>>
          %dma_wait3A_148 = tpu.memref_squeeze %dma_wait3A_147 : memref<1x256x128xf32, #tpu.memory_space<vmem>> -> memref<256x128xf32, #tpu.memory_space<vmem>>
          %dma_wait3A_149 = arith.constant 0 : i32
          %dma_wait3A_150 = tpu.memref_slice %arg4[%mul3A_145, %dma_wait3A_149] : memref<25088x128xf32, #tpu.memory_space<hbm>> -> memref<256x128xf32, #tpu.memory_space<hbm>>
          %dma_wait3A_151 = tpu.memref_slice %run_scoped3A_19[%rem3A_143] : memref<2x!tpu.dma_semaphore, #tpu.memory_space<semaphore_mem>> -> memref<1x!tpu.dma_semaphore, #tpu.memory_space<semaphore_mem>>
          %dma_wait3A_152 = tpu.memref_squeeze %dma_wait3A_151 : memref<1x!tpu.dma_semaphore, #tpu.memory_space<semaphore_mem>> -> memref<!tpu.dma_semaphore, #tpu.memory_space<semaphore_mem>>
          %dma_wait3A_153 = arith.constant 0 : i32
          %dma_wait3A_154 = tpu.memref_slice %arg4[%mul3A_145, %dma_wait3A_153] : memref<25088x128xf32, #tpu.memory_space<hbm>> -> memref<256x128xf32, #tpu.memory_space<hbm>>
          %dma_wait3A_155 = arith.constant 0 : i32
          %dma_wait3A_156 = arith.constant 0 : i32
          %dma_wait3A_157 = tpu.memref_slice %run_scoped3A_18[%rem3A_143, %dma_wait3A_155, %dma_wait3A_156] : memref<2x256x128xf32, #tpu.memory_space<vmem>> -> memref<1x256x128xf32, #tpu.memory_space<vmem>>
          %dma_wait3A_158 = tpu.memref_squeeze %dma_wait3A_157 : memref<1x256x128xf32, #tpu.memory_space<vmem>> -> memref<256x128xf32, #tpu.memory_space<vmem>>
          tpu.wait_dma2 semaphore(%dma_wait3A_152 : memref<!tpu.dma_semaphore, #tpu.memory_space<semaphore_mem>>) src(%dma_wait3A_158 : memref<256x128xf32, #tpu.memory_space<vmem>>) dst(%dma_wait3A_154 : memref<256x128xf32, #tpu.memory_space<hbm>>)
          "tpu.trace_stop"() : () -> ()
        } else {
        }
      } else {
      }
      tpu.yield
    }) : () -> ()
    return
  }
}

module attributes {stable_mosaic.version = 14 : i64} {
  func.func @body(%arg0: i32, %arg1: memref<1x113x113x12xf32, #tpu.memory_space<vmem>>, %arg2: memref<48x64xf32, #tpu.memory_space<vmem>>, %arg3: memref<1x64xf32, #tpu.memory_space<vmem>>, %arg4: memref<1x57x57x256xf32, #tpu.memory_space<vmem>>) attributes {dimension_semantics = [#tpu.dimension_semantics<arbitrary>], iteration_bounds = array<i64: 8>, scalar_prefetch = 0 : i64, scratch_operands = 0 : i64, tpu.core_type = #tpu.core_type<tc>, window_params = [{transform_indices = @transform_0, window_bounds = array<i64: 1, 113, 113, 12>}, {pipeline_mode = #tpu.pipeline_mode<synchronous>, transform_indices = @transform_1, window_bounds = array<i64: 48, 64>}, {pipeline_mode = #tpu.pipeline_mode<synchronous>, transform_indices = @transform_2, window_bounds = array<i64: 1, 64>}, {transform_indices = @transform_3, window_bounds = array<i64: 1, 57, 57, 256>}]} {
    %get3A = arith.constant 0 : index
    %get3A_0 = arith.constant 0 : index
    %get3A_1 = arith.constant 0 : index
    %get3A_2 = arith.constant 0 : index
    %get3A_3 = vector.load %arg1[%get3A, %get3A_0, %get3A_1, %get3A_2] : memref<1x113x113x12xf32, #tpu.memory_space<vmem>>, vector<1x112x112x12xf32>
    %get3A_4 = vector.shape_cast %get3A_3 : vector<1x112x112x12xf32> to vector<112x112x12xf32>
    %reshape3A = vector.shape_cast %get3A_4 : vector<112x112x12xf32> to vector<12544x12xf32>
    %get3A_5 = arith.constant 0 : index
    %get3A_6 = arith.constant 0 : index
    %get3A_7 = vector.load %arg2[%get3A_5, %get3A_6] : memref<48x64xf32, #tpu.memory_space<vmem>>, vector<12x64xf32>
    %dot_general3A = arith.constant dense<0.000000e+00> : vector<12544x64xf32>
    %dot_general3A_8 = tpu.matmul %reshape3A, %get3A_7, %dot_general3A {dimension_numbers = #tpu.dot_dimension_numbers<[1], [0], [0], [1], [0, 0, 1, 1], [], []>, transpose_lhs_hint = false} : vector<12544x12xf32>, vector<12x64xf32>, vector<12544x64xf32> -> vector<12544x64xf32>
    %get3A_9 = arith.constant 0 : index
    %get3A_10 = arith.constant 0 : index
    %get3A_11 = arith.constant 1 : index
    %get3A_12 = arith.constant 0 : index
    %get3A_13 = vector.load %arg1[%get3A_9, %get3A_10, %get3A_11, %get3A_12] : memref<1x113x113x12xf32, #tpu.memory_space<vmem>>, vector<1x112x112x12xf32>
    %get3A_14 = vector.shape_cast %get3A_13 : vector<1x112x112x12xf32> to vector<112x112x12xf32>
    %reshape3A_15 = vector.shape_cast %get3A_14 : vector<112x112x12xf32> to vector<12544x12xf32>
    %get3A_16 = arith.constant 12 : index
    %get3A_17 = arith.constant 0 : index
    %get3A_18 = vector.load %arg2[%get3A_16, %get3A_17] : memref<48x64xf32, #tpu.memory_space<vmem>>, vector<12x64xf32>
    %dot_general3A_19 = arith.constant dense<0.000000e+00> : vector<12544x64xf32>
    %dot_general3A_20 = tpu.matmul %reshape3A_15, %get3A_18, %dot_general3A_19 {dimension_numbers = #tpu.dot_dimension_numbers<[1], [0], [0], [1], [0, 0, 1, 1], [], []>, transpose_lhs_hint = false} : vector<12544x12xf32>, vector<12x64xf32>, vector<12544x64xf32> -> vector<12544x64xf32>
    %add3A = arith.addf %dot_general3A_8, %dot_general3A_20 : vector<12544x64xf32>
    %get3A_21 = arith.constant 0 : index
    %get3A_22 = arith.constant 1 : index
    %get3A_23 = arith.constant 0 : index
    %get3A_24 = arith.constant 0 : index
    %get3A_25 = vector.load %arg1[%get3A_21, %get3A_22, %get3A_23, %get3A_24] : memref<1x113x113x12xf32, #tpu.memory_space<vmem>>, vector<1x112x112x12xf32>
    %get3A_26 = vector.shape_cast %get3A_25 : vector<1x112x112x12xf32> to vector<112x112x12xf32>
    %reshape3A_27 = vector.shape_cast %get3A_26 : vector<112x112x12xf32> to vector<12544x12xf32>
    %get3A_28 = arith.constant 24 : index
    %get3A_29 = arith.constant 0 : index
    %get3A_30 = vector.load %arg2[%get3A_28, %get3A_29] : memref<48x64xf32, #tpu.memory_space<vmem>>, vector<12x64xf32>
    %dot_general3A_31 = arith.constant dense<0.000000e+00> : vector<12544x64xf32>
    %dot_general3A_32 = tpu.matmul %reshape3A_27, %get3A_30, %dot_general3A_31 {dimension_numbers = #tpu.dot_dimension_numbers<[1], [0], [0], [1], [0, 0, 1, 1], [], []>, transpose_lhs_hint = false} : vector<12544x12xf32>, vector<12x64xf32>, vector<12544x64xf32> -> vector<12544x64xf32>
    %add3A_33 = arith.addf %add3A, %dot_general3A_32 : vector<12544x64xf32>
    %get3A_34 = arith.constant 0 : index
    %get3A_35 = arith.constant 1 : index
    %get3A_36 = arith.constant 1 : index
    %get3A_37 = arith.constant 0 : index
    %get3A_38 = vector.load %arg1[%get3A_34, %get3A_35, %get3A_36, %get3A_37] : memref<1x113x113x12xf32, #tpu.memory_space<vmem>>, vector<1x112x112x12xf32>
    %get3A_39 = vector.shape_cast %get3A_38 : vector<1x112x112x12xf32> to vector<112x112x12xf32>
    %reshape3A_40 = vector.shape_cast %get3A_39 : vector<112x112x12xf32> to vector<12544x12xf32>
    %get3A_41 = arith.constant 36 : index
    %get3A_42 = arith.constant 0 : index
    %get3A_43 = vector.load %arg2[%get3A_41, %get3A_42] : memref<48x64xf32, #tpu.memory_space<vmem>>, vector<12x64xf32>
    %dot_general3A_44 = arith.constant dense<0.000000e+00> : vector<12544x64xf32>
    %dot_general3A_45 = tpu.matmul %reshape3A_40, %get3A_43, %dot_general3A_44 {dimension_numbers = #tpu.dot_dimension_numbers<[1], [0], [0], [1], [0, 0, 1, 1], [], []>, transpose_lhs_hint = false} : vector<12544x12xf32>, vector<12x64xf32>, vector<12544x64xf32> -> vector<12544x64xf32>
    %add3A_46 = arith.addf %add3A_33, %dot_general3A_45 : vector<12544x64xf32>
    %get3A_47 = arith.constant 0 : index
    %get3A_48 = arith.constant 0 : index
    %get3A_49 = vector.load %arg3[%get3A_47, %get3A_48] : memref<1x64xf32, #tpu.memory_space<vmem>>, vector<1x64xf32>
    %add3A_50 = vector.broadcast %get3A_49 : vector<1x64xf32> to vector<12544x64xf32>
    %add3A_51 = arith.addf %add3A_46, %add3A_50 : vector<12544x64xf32>
    %max3A = arith.constant 0.000000e+00 : f32
    %max3A_52 = vector.broadcast %max3A : f32 to vector<12544x64xf32>
    %max3A_53 = arith.maximumf %add3A_51, %max3A_52 : vector<12544x64xf32>
    %reshape3A_54 = vector.shape_cast %max3A_53 : vector<12544x64xf32> to vector<56x2x56x2x64xf32>
    %broadcast_in_dim3A = arith.constant 0.000000e+00 : f32
    %broadcast_in_dim3A_55 = vector.broadcast %broadcast_in_dim3A : f32 to vector<1x57x57x256xf32>
    %swap3A = arith.constant 0 : index
    %swap3A_56 = arith.constant 0 : index
    %swap3A_57 = arith.constant 0 : index
    %swap3A_58 = arith.constant 0 : index
    %swap3A_59 = vector.load %arg4[%swap3A, %swap3A_56, %swap3A_57, %swap3A_58] : memref<1x57x57x256xf32, #tpu.memory_space<vmem>>, vector<1x57x57x256xf32>
    tpu.vector_store %arg4[%swap3A, %swap3A_56, %swap3A_57, %swap3A_58], %broadcast_in_dim3A_55 {strides = array<i32>} : memref<1x57x57x256xf32, #tpu.memory_space<vmem>>, vector<1x57x57x256xf32>,
    %slice3A = vector.extract_strided_slice %reshape3A_54 {offsets = [0, 1, 0, 1, 0], sizes = [56, 1, 56, 1, 64], strides = [1, 1, 1, 1, 1]} : vector<56x2x56x2x64xf32> to vector<56x1x56x1x64xf32>
    %squeeze3A = vector.shape_cast %slice3A : vector<56x1x56x1x64xf32> to vector<56x56x64xf32>
    %swap3A_60 = arith.constant 0 : index
    %swap3A_61 = arith.constant 1 : index
    %swap3A_62 = arith.constant 1 : index
    %swap3A_63 = arith.constant 0 : index
    %swap3A_64 = vector.load %arg4[%swap3A_60, %swap3A_61, %swap3A_62, %swap3A_63] : memref<1x57x57x256xf32, #tpu.memory_space<vmem>>, vector<1x56x56x64xf32>
    %swap3A_65 = vector.shape_cast %swap3A_64 : vector<1x56x56x64xf32> to vector<56x56x64xf32>
    %swap3A_66 = vector.shape_cast %squeeze3A : vector<56x56x64xf32> to vector<1x56x56x64xf32>
    tpu.vector_store %arg4[%swap3A_60, %swap3A_61, %swap3A_62, %swap3A_63], %swap3A_66 {strides = array<i32>} : memref<1x57x57x256xf32, #tpu.memory_space<vmem>>, vector<1x56x56x64xf32>,
    %slice3A_67 = vector.extract_strided_slice %reshape3A_54 {offsets = [0, 1, 0, 0, 0], sizes = [56, 1, 56, 1, 64], strides = [1, 1, 1, 1, 1]} : vector<56x2x56x2x64xf32> to vector<56x1x56x1x64xf32>
    %squeeze3A_68 = vector.shape_cast %slice3A_67 : vector<56x1x56x1x64xf32> to vector<56x56x64xf32>
    %swap3A_69 = arith.constant 0 : index
    %swap3A_70 = arith.constant 1 : index
    %swap3A_71 = arith.constant 0 : index
    %swap3A_72 = arith.constant 64 : index
    %swap3A_73 = vector.load %arg4[%swap3A_69, %swap3A_70, %swap3A_71, %swap3A_72] : memref<1x57x57x256xf32, #tpu.memory_space<vmem>>, vector<1x56x56x64xf32>
    %swap3A_74 = vector.shape_cast %swap3A_73 : vector<1x56x56x64xf32> to vector<56x56x64xf32>
    %swap3A_75 = vector.shape_cast %squeeze3A_68 : vector<56x56x64xf32> to vector<1x56x56x64xf32>
    tpu.vector_store %arg4[%swap3A_69, %swap3A_70, %swap3A_71, %swap3A_72], %swap3A_75 {strides = array<i32>} : memref<1x57x57x256xf32, #tpu.memory_space<vmem>>, vector<1x56x56x64xf32>,
    %slice3A_76 = vector.extract_strided_slice %reshape3A_54 {offsets = [0, 0, 0, 1, 0], sizes = [56, 1, 56, 1, 64], strides = [1, 1, 1, 1, 1]} : vector<56x2x56x2x64xf32> to vector<56x1x56x1x64xf32>
    %squeeze3A_77 = vector.shape_cast %slice3A_76 : vector<56x1x56x1x64xf32> to vector<56x56x64xf32>
    %swap3A_78 = arith.constant 0 : index
    %swap3A_79 = arith.constant 0 : index
    %swap3A_80 = arith.constant 1 : index
    %swap3A_81 = arith.constant 128 : index
    %swap3A_82 = vector.load %arg4[%swap3A_78, %swap3A_79, %swap3A_80, %swap3A_81] : memref<1x57x57x256xf32, #tpu.memory_space<vmem>>, vector<1x56x56x64xf32>
    %swap3A_83 = vector.shape_cast %swap3A_82 : vector<1x56x56x64xf32> to vector<56x56x64xf32>
    %swap3A_84 = vector.shape_cast %squeeze3A_77 : vector<56x56x64xf32> to vector<1x56x56x64xf32>
    tpu.vector_store %arg4[%swap3A_78, %swap3A_79, %swap3A_80, %swap3A_81], %swap3A_84 {strides = array<i32>} : memref<1x57x57x256xf32, #tpu.memory_space<vmem>>, vector<1x56x56x64xf32>,
    %slice3A_85 = vector.extract_strided_slice %reshape3A_54 {offsets = [0, 0, 0, 0, 0], sizes = [56, 1, 56, 1, 64], strides = [1, 1, 1, 1, 1]} : vector<56x2x56x2x64xf32> to vector<56x1x56x1x64xf32>
    %squeeze3A_86 = vector.shape_cast %slice3A_85 : vector<56x1x56x1x64xf32> to vector<56x56x64xf32>
    %swap3A_87 = arith.constant 0 : index
    %swap3A_88 = arith.constant 0 : index
    %swap3A_89 = arith.constant 0 : index
    %swap3A_90 = arith.constant 192 : index
    %swap3A_91 = vector.load %arg4[%swap3A_87, %swap3A_88, %swap3A_89, %swap3A_90] : memref<1x57x57x256xf32, #tpu.memory_space<vmem>>, vector<1x56x56x64xf32>
    %swap3A_92 = vector.shape_cast %swap3A_91 : vector<1x56x56x64xf32> to vector<56x56x64xf32>
    %swap3A_93 = vector.shape_cast %squeeze3A_86 : vector<56x56x64xf32> to vector<1x56x56x64xf32>
    tpu.vector_store %arg4[%swap3A_87, %swap3A_88, %swap3A_89, %swap3A_90], %swap3A_93 {strides = array<i32>} : memref<1x57x57x256xf32, #tpu.memory_space<vmem>>, vector<1x56x56x64xf32>,
    return
  }
  func.func @transform_0(%arg0: i32) -> (i32, i32, i32, i32) {
    %c0_i32 = arith.constant 0 : i32
    %c0_i32_0 = arith.constant 0 : i32
    %c0_i32_1 = arith.constant 0 : i32
    %c0_i32_2 = arith.constant 0 : i32
    return %arg0, %c0_i32, %c0_i32_0, %c0_i32_1 : i32, i32, i32, i32
  }
  func.func @transform_1(%arg0: i32) -> (i32, i32) {
    %c0_i32 = arith.constant 0 : i32
    %c0_i32_0 = arith.constant 0 : i32
    %c0_i32_1 = arith.constant 0 : i32
    return %c0_i32, %c0_i32_0 : i32, i32
  }
  func.func @transform_2(%arg0: i32) -> (i32, i32) {
    %c0_i32 = arith.constant 0 : i32
    %c0_i32_0 = arith.constant 0 : i32
    %c0_i32_1 = arith.constant 0 : i32
    return %c0_i32, %c0_i32_0 : i32, i32
  }
  func.func @transform_3(%arg0: i32) -> (i32, i32, i32, i32) {
    %c0_i32 = arith.constant 0 : i32
    %c0_i32_0 = arith.constant 0 : i32
    %c0_i32_1 = arith.constant 0 : i32
    %c0_i32_2 = arith.constant 0 : i32
    return %arg0, %c0_i32, %c0_i32_0, %c0_i32_1 : i32, i32, i32, i32
  }
}

module attributes {stable_mosaic.version = 14 : i64} {
  func.func @body(%arg0: i32, %arg1: memref<1x57x57x256xf32, #tpu.memory_space<vmem>>, %arg2: memref<1024x128xf32, #tpu.memory_space<vmem>>, %arg3: memref<1x128xf32, #tpu.memory_space<vmem>>, %arg4: memref<1x58x58x128xf32, #tpu.memory_space<vmem>>) attributes {dimension_semantics = [#tpu.dimension_semantics<arbitrary>], iteration_bounds = array<i64: 8>, scalar_prefetch = 0 : i64, scratch_operands = 0 : i64, tpu.core_type = #tpu.core_type<tc>, window_params = [{transform_indices = @transform_0, window_bounds = array<i64: 1, 57, 57, 256>}, {pipeline_mode = #tpu.pipeline_mode<synchronous>, transform_indices = @transform_1, window_bounds = array<i64: 1024, 128>}, {pipeline_mode = #tpu.pipeline_mode<synchronous>, transform_indices = @transform_2, window_bounds = array<i64: 1, 128>}, {transform_indices = @transform_3, window_bounds = array<i64: 1, 58, 58, 128>}]} {
    %get3A = arith.constant 0 : index
    %get3A_0 = arith.constant 0 : index
    %get3A_1 = arith.constant 0 : index
    %get3A_2 = arith.constant 0 : index
    %get3A_3 = vector.load %arg1[%get3A, %get3A_0, %get3A_1, %get3A_2] : memref<1x57x57x256xf32, #tpu.memory_space<vmem>>, vector<1x56x56x256xf32>
    %get3A_4 = vector.shape_cast %get3A_3 : vector<1x56x56x256xf32> to vector<56x56x256xf32>
    %reshape3A = vector.shape_cast %get3A_4 : vector<56x56x256xf32> to vector<3136x256xf32>
    %get3A_5 = arith.constant 0 : index
    %get3A_6 = arith.constant 0 : index
    %get3A_7 = vector.load %arg2[%get3A_5, %get3A_6] : memref<1024x128xf32, #tpu.memory_space<vmem>>, vector<256x128xf32>
    %dot_general3A = arith.constant dense<0.000000e+00> : vector<3136x128xf32>
    %dot_general3A_8 = tpu.matmul %reshape3A, %get3A_7, %dot_general3A {dimension_numbers = #tpu.dot_dimension_numbers<[1], [0], [0], [1], [0, 0, 1, 1], [], []>, transpose_lhs_hint = false} : vector<3136x256xf32>, vector<256x128xf32>, vector<3136x128xf32> -> vector<3136x128xf32>
    %get3A_9 = arith.constant 0 : index
    %get3A_10 = arith.constant 0 : index
    %get3A_11 = arith.constant 1 : index
    %get3A_12 = arith.constant 0 : index
    %get3A_13 = vector.load %arg1[%get3A_9, %get3A_10, %get3A_11, %get3A_12] : memref<1x57x57x256xf32, #tpu.memory_space<vmem>>, vector<1x56x56x256xf32>
    %get3A_14 = vector.shape_cast %get3A_13 : vector<1x56x56x256xf32> to vector<56x56x256xf32>
    %reshape3A_15 = vector.shape_cast %get3A_14 : vector<56x56x256xf32> to vector<3136x256xf32>
    %get3A_16 = arith.constant 256 : index
    %get3A_17 = arith.constant 0 : index
    %get3A_18 = vector.load %arg2[%get3A_16, %get3A_17] : memref<1024x128xf32, #tpu.memory_space<vmem>>, vector<256x128xf32>
    %dot_general3A_19 = arith.constant dense<0.000000e+00> : vector<3136x128xf32>
    %dot_general3A_20 = tpu.matmul %reshape3A_15, %get3A_18, %dot_general3A_19 {dimension_numbers = #tpu.dot_dimension_numbers<[1], [0], [0], [1], [0, 0, 1, 1], [], []>, transpose_lhs_hint = false} : vector<3136x256xf32>, vector<256x128xf32>, vector<3136x128xf32> -> vector<3136x128xf32>
    %add3A = arith.addf %dot_general3A_8, %dot_general3A_20 : vector<3136x128xf32>
    %get3A_21 = arith.constant 0 : index
    %get3A_22 = arith.constant 1 : index
    %get3A_23 = arith.constant 0 : index
    %get3A_24 = arith.constant 0 : index
    %get3A_25 = vector.load %arg1[%get3A_21, %get3A_22, %get3A_23, %get3A_24] : memref<1x57x57x256xf32, #tpu.memory_space<vmem>>, vector<1x56x56x256xf32>
    %get3A_26 = vector.shape_cast %get3A_25 : vector<1x56x56x256xf32> to vector<56x56x256xf32>
    %reshape3A_27 = vector.shape_cast %get3A_26 : vector<56x56x256xf32> to vector<3136x256xf32>
    %get3A_28 = arith.constant 512 : index
    %get3A_29 = arith.constant 0 : index
    %get3A_30 = vector.load %arg2[%get3A_28, %get3A_29] : memref<1024x128xf32, #tpu.memory_space<vmem>>, vector<256x128xf32>
    %dot_general3A_31 = arith.constant dense<0.000000e+00> : vector<3136x128xf32>
    %dot_general3A_32 = tpu.matmul %reshape3A_27, %get3A_30, %dot_general3A_31 {dimension_numbers = #tpu.dot_dimension_numbers<[1], [0], [0], [1], [0, 0, 1, 1], [], []>, transpose_lhs_hint = false} : vector<3136x256xf32>, vector<256x128xf32>, vector<3136x128xf32> -> vector<3136x128xf32>
    %add3A_33 = arith.addf %add3A, %dot_general3A_32 : vector<3136x128xf32>
    %get3A_34 = arith.constant 0 : index
    %get3A_35 = arith.constant 1 : index
    %get3A_36 = arith.constant 1 : index
    %get3A_37 = arith.constant 0 : index
    %get3A_38 = vector.load %arg1[%get3A_34, %get3A_35, %get3A_36, %get3A_37] : memref<1x57x57x256xf32, #tpu.memory_space<vmem>>, vector<1x56x56x256xf32>
    %get3A_39 = vector.shape_cast %get3A_38 : vector<1x56x56x256xf32> to vector<56x56x256xf32>
    %reshape3A_40 = vector.shape_cast %get3A_39 : vector<56x56x256xf32> to vector<3136x256xf32>
    %get3A_41 = arith.constant 768 : index
    %get3A_42 = arith.constant 0 : index
    %get3A_43 = vector.load %arg2[%get3A_41, %get3A_42] : memref<1024x128xf32, #tpu.memory_space<vmem>>, vector<256x128xf32>
    %dot_general3A_44 = arith.constant dense<0.000000e+00> : vector<3136x128xf32>
    %dot_general3A_45 = tpu.matmul %reshape3A_40, %get3A_43, %dot_general3A_44 {dimension_numbers = #tpu.dot_dimension_numbers<[1], [0], [0], [1], [0, 0, 1, 1], [], []>, transpose_lhs_hint = false} : vector<3136x256xf32>, vector<256x128xf32>, vector<3136x128xf32> -> vector<3136x128xf32>
    %add3A_46 = arith.addf %add3A_33, %dot_general3A_45 : vector<3136x128xf32>
    %get3A_47 = arith.constant 0 : index
    %get3A_48 = arith.constant 0 : index
    %get3A_49 = vector.load %arg3[%get3A_47, %get3A_48] : memref<1x128xf32, #tpu.memory_space<vmem>>, vector<1x128xf32>
    %add3A_50 = vector.broadcast %get3A_49 : vector<1x128xf32> to vector<3136x128xf32>
    %add3A_51 = arith.addf %add3A_46, %add3A_50 : vector<3136x128xf32>
    %max3A = arith.constant 0.000000e+00 : f32
    %max3A_52 = vector.broadcast %max3A : f32 to vector<3136x128xf32>
    %max3A_53 = arith.maximumf %add3A_51, %max3A_52 : vector<3136x128xf32>
    %broadcast_in_dim3A = arith.constant 0.000000e+00 : f32
    %broadcast_in_dim3A_54 = vector.broadcast %broadcast_in_dim3A : f32 to vector<1x58x58x128xf32>
    %swap3A = arith.constant 0 : index
    %swap3A_55 = arith.constant 0 : index
    %swap3A_56 = arith.constant 0 : index
    %swap3A_57 = arith.constant 0 : index
    %swap3A_58 = vector.load %arg4[%swap3A, %swap3A_55, %swap3A_56, %swap3A_57] : memref<1x58x58x128xf32, #tpu.memory_space<vmem>>, vector<1x58x58x128xf32>
    tpu.vector_store %arg4[%swap3A, %swap3A_55, %swap3A_56, %swap3A_57], %broadcast_in_dim3A_54 {strides = array<i32>} : memref<1x58x58x128xf32, #tpu.memory_space<vmem>>, vector<1x58x58x128xf32>,
    %reshape3A_59 = vector.shape_cast %max3A_53 : vector<3136x128xf32> to vector<56x56x128xf32>
    %swap3A_60 = arith.constant 0 : index
    %swap3A_61 = arith.constant 1 : index
    %swap3A_62 = arith.constant 1 : index
    %swap3A_63 = arith.constant 0 : index
    %swap3A_64 = vector.load %arg4[%swap3A_60, %swap3A_61, %swap3A_62, %swap3A_63] : memref<1x58x58x128xf32, #tpu.memory_space<vmem>>, vector<1x56x56x128xf32>
    %swap3A_65 = vector.shape_cast %swap3A_64 : vector<1x56x56x128xf32> to vector<56x56x128xf32>
    %swap3A_66 = vector.shape_cast %reshape3A_59 : vector<56x56x128xf32> to vector<1x56x56x128xf32>
    tpu.vector_store %arg4[%swap3A_60, %swap3A_61, %swap3A_62, %swap3A_63], %swap3A_66 {strides = array<i32>} : memref<1x58x58x128xf32, #tpu.memory_space<vmem>>, vector<1x56x56x128xf32>,
    return
  }
  func.func @transform_0(%arg0: i32) -> (i32, i32, i32, i32) {
    %c0_i32 = arith.constant 0 : i32
    %c0_i32_0 = arith.constant 0 : i32
    %c0_i32_1 = arith.constant 0 : i32
    %c0_i32_2 = arith.constant 0 : i32
    return %arg0, %c0_i32, %c0_i32_0, %c0_i32_1 : i32, i32, i32, i32
  }
  func.func @transform_1(%arg0: i32) -> (i32, i32) {
    %c0_i32 = arith.constant 0 : i32
    %c0_i32_0 = arith.constant 0 : i32
    %c0_i32_1 = arith.constant 0 : i32
    return %c0_i32, %c0_i32_0 : i32, i32
  }
  func.func @transform_2(%arg0: i32) -> (i32, i32) {
    %c0_i32 = arith.constant 0 : i32
    %c0_i32_0 = arith.constant 0 : i32
    %c0_i32_1 = arith.constant 0 : i32
    return %c0_i32, %c0_i32_0 : i32, i32
  }
  func.func @transform_3(%arg0: i32) -> (i32, i32, i32, i32) {
    %c0_i32 = arith.constant 0 : i32
    %c0_i32_0 = arith.constant 0 : i32
    %c0_i32_1 = arith.constant 0 : i32
    %c0_i32_2 = arith.constant 0 : i32
    return %arg0, %c0_i32, %c0_i32_0, %c0_i32_1 : i32, i32, i32, i32
  }
}

module attributes {stable_mosaic.version = 14 : i64} {
  func.func @body(%arg0: i32, %arg1: memref<1x58x58x128xf32, #tpu.memory_space<vmem>>, %arg2: memref<1152x128xf32, #tpu.memory_space<vmem>>, %arg3: memref<1x128xf32, #tpu.memory_space<vmem>>, %arg4: memref<128x64xf32, #tpu.memory_space<vmem>>, %arg5: memref<1x64xf32, #tpu.memory_space<vmem>>, %arg6: memref<1x56x56x64xf32, #tpu.memory_space<vmem>>) attributes {dimension_semantics = [#tpu.dimension_semantics<arbitrary>], iteration_bounds = array<i64: 8>, scalar_prefetch = 0 : i64, scratch_operands = 0 : i64, tpu.core_type = #tpu.core_type<tc>, window_params = [{transform_indices = @transform_0, window_bounds = array<i64: 1, 58, 58, 128>}, {pipeline_mode = #tpu.pipeline_mode<synchronous>, transform_indices = @transform_1, window_bounds = array<i64: 1152, 128>}, {pipeline_mode = #tpu.pipeline_mode<synchronous>, transform_indices = @transform_2, window_bounds = array<i64: 1, 128>}, {pipeline_mode = #tpu.pipeline_mode<synchronous>, transform_indices = @transform_3, window_bounds = array<i64: 128, 64>}, {pipeline_mode = #tpu.pipeline_mode<synchronous>, transform_indices = @transform_4, window_bounds = array<i64: 1, 64>}, {transform_indices = @transform_5, window_bounds = array<i64: 1, 56, 56, 64>}]} {
    %get3A = arith.constant 0 : index
    %get3A_0 = arith.constant 0 : index
    %get3A_1 = arith.constant 0 : index
    %get3A_2 = arith.constant 0 : index
    %get3A_3 = vector.load %arg1[%get3A, %get3A_0, %get3A_1, %get3A_2] : memref<1x58x58x128xf32, #tpu.memory_space<vmem>>, vector<1x56x56x128xf32>
    %get3A_4 = vector.shape_cast %get3A_3 : vector<1x56x56x128xf32> to vector<56x56x128xf32>
    %reshape3A = vector.shape_cast %get3A_4 : vector<56x56x128xf32> to vector<3136x128xf32>
    %get3A_5 = arith.constant 0 : index
    %get3A_6 = arith.constant 0 : index
    %get3A_7 = vector.load %arg2[%get3A_5, %get3A_6] : memref<1152x128xf32, #tpu.memory_space<vmem>>, vector<128x128xf32>
    %dot_general3A = arith.constant dense<0.000000e+00> : vector<3136x128xf32>
    %dot_general3A_8 = tpu.matmul %reshape3A, %get3A_7, %dot_general3A {dimension_numbers = #tpu.dot_dimension_numbers<[1], [0], [0], [1], [0, 0, 1, 1], [], []>, transpose_lhs_hint = false} : vector<3136x128xf32>, vector<128x128xf32>, vector<3136x128xf32> -> vector<3136x128xf32>
    %get3A_9 = arith.constant 0 : index
    %get3A_10 = arith.constant 0 : index
    %get3A_11 = arith.constant 1 : index
    %get3A_12 = arith.constant 0 : index
    %get3A_13 = vector.load %arg1[%get3A_9, %get3A_10, %get3A_11, %get3A_12] : memref<1x58x58x128xf32, #tpu.memory_space<vmem>>, vector<1x56x56x128xf32>
    %get3A_14 = vector.shape_cast %get3A_13 : vector<1x56x56x128xf32> to vector<56x56x128xf32>
    %reshape3A_15 = vector.shape_cast %get3A_14 : vector<56x56x128xf32> to vector<3136x128xf32>
    %get3A_16 = arith.constant 128 : index
    %get3A_17 = arith.constant 0 : index
    %get3A_18 = vector.load %arg2[%get3A_16, %get3A_17] : memref<1152x128xf32, #tpu.memory_space<vmem>>, vector<128x128xf32>
    %dot_general3A_19 = arith.constant dense<0.000000e+00> : vector<3136x128xf32>
    %dot_general3A_20 = tpu.matmul %reshape3A_15, %get3A_18, %dot_general3A_19 {dimension_numbers = #tpu.dot_dimension_numbers<[1], [0], [0], [1], [0, 0, 1, 1], [], []>, transpose_lhs_hint = false} : vector<3136x128xf32>, vector<128x128xf32>, vector<3136x128xf32> -> vector<3136x128xf32>
    %add3A = arith.addf %dot_general3A_8, %dot_general3A_20 : vector<3136x128xf32>
    %get3A_21 = arith.constant 0 : index
    %get3A_22 = arith.constant 0 : index
    %get3A_23 = arith.constant 2 : index
    %get3A_24 = arith.constant 0 : index
    %get3A_25 = vector.load %arg1[%get3A_21, %get3A_22, %get3A_23, %get3A_24] : memref<1x58x58x128xf32, #tpu.memory_space<vmem>>, vector<1x56x56x128xf32>
    %get3A_26 = vector.shape_cast %get3A_25 : vector<1x56x56x128xf32> to vector<56x56x128xf32>
    %reshape3A_27 = vector.shape_cast %get3A_26 : vector<56x56x128xf32> to vector<3136x128xf32>
    %get3A_28 = arith.constant 256 : index
    %get3A_29 = arith.constant 0 : index
    %get3A_30 = vector.load %arg2[%get3A_28, %get3A_29] : memref<1152x128xf32, #tpu.memory_space<vmem>>, vector<128x128xf32>
    %dot_general3A_31 = arith.constant dense<0.000000e+00> : vector<3136x128xf32>
    %dot_general3A_32 = tpu.matmul %reshape3A_27, %get3A_30, %dot_general3A_31 {dimension_numbers = #tpu.dot_dimension_numbers<[1], [0], [0], [1], [0, 0, 1, 1], [], []>, transpose_lhs_hint = false} : vector<3136x128xf32>, vector<128x128xf32>, vector<3136x128xf32> -> vector<3136x128xf32>
    %add3A_33 = arith.addf %add3A, %dot_general3A_32 : vector<3136x128xf32>
    %get3A_34 = arith.constant 0 : index
    %get3A_35 = arith.constant 1 : index
    %get3A_36 = arith.constant 0 : index
    %get3A_37 = arith.constant 0 : index
    %get3A_38 = vector.load %arg1[%get3A_34, %get3A_35, %get3A_36, %get3A_37] : memref<1x58x58x128xf32, #tpu.memory_space<vmem>>, vector<1x56x56x128xf32>
    %get3A_39 = vector.shape_cast %get3A_38 : vector<1x56x56x128xf32> to vector<56x56x128xf32>
    %reshape3A_40 = vector.shape_cast %get3A_39 : vector<56x56x128xf32> to vector<3136x128xf32>
    %get3A_41 = arith.constant 384 : index
    %get3A_42 = arith.constant 0 : index
    %get3A_43 = vector.load %arg2[%get3A_41, %get3A_42] : memref<1152x128xf32, #tpu.memory_space<vmem>>, vector<128x128xf32>
    %dot_general3A_44 = arith.constant dense<0.000000e+00> : vector<3136x128xf32>
    %dot_general3A_45 = tpu.matmul %reshape3A_40, %get3A_43, %dot_general3A_44 {dimension_numbers = #tpu.dot_dimension_numbers<[1], [0], [0], [1], [0, 0, 1, 1], [], []>, transpose_lhs_hint = false} : vector<3136x128xf32>, vector<128x128xf32>, vector<3136x128xf32> -> vector<3136x128xf32>
    %add3A_46 = arith.addf %add3A_33, %dot_general3A_45 : vector<3136x128xf32>
    %get3A_47 = arith.constant 0 : index
    %get3A_48 = arith.constant 1 : index
    %get3A_49 = arith.constant 1 : index
    %get3A_50 = arith.constant 0 : index
    %get3A_51 = vector.load %arg1[%get3A_47, %get3A_48, %get3A_49, %get3A_50] : memref<1x58x58x128xf32, #tpu.memory_space<vmem>>, vector<1x56x56x128xf32>
    %get3A_52 = vector.shape_cast %get3A_51 : vector<1x56x56x128xf32> to vector<56x56x128xf32>
    %reshape3A_53 = vector.shape_cast %get3A_52 : vector<56x56x128xf32> to vector<3136x128xf32>
    %get3A_54 = arith.constant 512 : index
    %get3A_55 = arith.constant 0 : index
    %get3A_56 = vector.load %arg2[%get3A_54, %get3A_55] : memref<1152x128xf32, #tpu.memory_space<vmem>>, vector<128x128xf32>
    %dot_general3A_57 = arith.constant dense<0.000000e+00> : vector<3136x128xf32>
    %dot_general3A_58 = tpu.matmul %reshape3A_53, %get3A_56, %dot_general3A_57 {dimension_numbers = #tpu.dot_dimension_numbers<[1], [0], [0], [1], [0, 0, 1, 1], [], []>, transpose_lhs_hint = false} : vector<3136x128xf32>, vector<128x128xf32>, vector<3136x128xf32> -> vector<3136x128xf32>
    %add3A_59 = arith.addf %add3A_46, %dot_general3A_58 : vector<3136x128xf32>
    %get3A_60 = arith.constant 0 : index
    %get3A_61 = arith.constant 1 : index
    %get3A_62 = arith.constant 2 : index
    %get3A_63 = arith.constant 0 : index
    %get3A_64 = vector.load %arg1[%get3A_60, %get3A_61, %get3A_62, %get3A_63] : memref<1x58x58x128xf32, #tpu.memory_space<vmem>>, vector<1x56x56x128xf32>
    %get3A_65 = vector.shape_cast %get3A_64 : vector<1x56x56x128xf32> to vector<56x56x128xf32>
    %reshape3A_66 = vector.shape_cast %get3A_65 : vector<56x56x128xf32> to vector<3136x128xf32>
    %get3A_67 = arith.constant 640 : index
    %get3A_68 = arith.constant 0 : index
    %get3A_69 = vector.load %arg2[%get3A_67, %get3A_68] : memref<1152x128xf32, #tpu.memory_space<vmem>>, vector<128x128xf32>
    %dot_general3A_70 = arith.constant dense<0.000000e+00> : vector<3136x128xf32>
    %dot_general3A_71 = tpu.matmul %reshape3A_66, %get3A_69, %dot_general3A_70 {dimension_numbers = #tpu.dot_dimension_numbers<[1], [0], [0], [1], [0, 0, 1, 1], [], []>, transpose_lhs_hint = false} : vector<3136x128xf32>, vector<128x128xf32>, vector<3136x128xf32> -> vector<3136x128xf32>
    %add3A_72 = arith.addf %add3A_59, %dot_general3A_71 : vector<3136x128xf32>
    %get3A_73 = arith.constant 0 : index
    %get3A_74 = arith.constant 2 : index
    %get3A_75 = arith.constant 0 : index
    %get3A_76 = arith.constant 0 : index
    %get3A_77 = vector.load %arg1[%get3A_73, %get3A_74, %get3A_75, %get3A_76] : memref<1x58x58x128xf32, #tpu.memory_space<vmem>>, vector<1x56x56x128xf32>
    %get3A_78 = vector.shape_cast %get3A_77 : vector<1x56x56x128xf32> to vector<56x56x128xf32>
    %reshape3A_79 = vector.shape_cast %get3A_78 : vector<56x56x128xf32> to vector<3136x128xf32>
    %get3A_80 = arith.constant 768 : index
    %get3A_81 = arith.constant 0 : index
    %get3A_82 = vector.load %arg2[%get3A_80, %get3A_81] : memref<1152x128xf32, #tpu.memory_space<vmem>>, vector<128x128xf32>
    %dot_general3A_83 = arith.constant dense<0.000000e+00> : vector<3136x128xf32>
    %dot_general3A_84 = tpu.matmul %reshape3A_79, %get3A_82, %dot_general3A_83 {dimension_numbers = #tpu.dot_dimension_numbers<[1], [0], [0], [1], [0, 0, 1, 1], [], []>, transpose_lhs_hint = false} : vector<3136x128xf32>, vector<128x128xf32>, vector<3136x128xf32> -> vector<3136x128xf32>
    %add3A_85 = arith.addf %add3A_72, %dot_general3A_84 : vector<3136x128xf32>
    %get3A_86 = arith.constant 0 : index
    %get3A_87 = arith.constant 2 : index
    %get3A_88 = arith.constant 1 : index
    %get3A_89 = arith.constant 0 : index
    %get3A_90 = vector.load %arg1[%get3A_86, %get3A_87, %get3A_88, %get3A_89] : memref<1x58x58x128xf32, #tpu.memory_space<vmem>>, vector<1x56x56x128xf32>
    %get3A_91 = vector.shape_cast %get3A_90 : vector<1x56x56x128xf32> to vector<56x56x128xf32>
    %reshape3A_92 = vector.shape_cast %get3A_91 : vector<56x56x128xf32> to vector<3136x128xf32>
    %get3A_93 = arith.constant 896 : index
    %get3A_94 = arith.constant 0 : index
    %get3A_95 = vector.load %arg2[%get3A_93, %get3A_94] : memref<1152x128xf32, #tpu.memory_space<vmem>>, vector<128x128xf32>
    %dot_general3A_96 = arith.constant dense<0.000000e+00> : vector<3136x128xf32>
    %dot_general3A_97 = tpu.matmul %reshape3A_92, %get3A_95, %dot_general3A_96 {dimension_numbers = #tpu.dot_dimension_numbers<[1], [0], [0], [1], [0, 0, 1, 1], [], []>, transpose_lhs_hint = false} : vector<3136x128xf32>, vector<128x128xf32>, vector<3136x128xf32> -> vector<3136x128xf32>
    %add3A_98 = arith.addf %add3A_85, %dot_general3A_97 : vector<3136x128xf32>
    %get3A_99 = arith.constant 0 : index
    %get3A_100 = arith.constant 2 : index
    %get3A_101 = arith.constant 2 : index
    %get3A_102 = arith.constant 0 : index
    %get3A_103 = vector.load %arg1[%get3A_99, %get3A_100, %get3A_101, %get3A_102] : memref<1x58x58x128xf32, #tpu.memory_space<vmem>>, vector<1x56x56x128xf32>
    %get3A_104 = vector.shape_cast %get3A_103 : vector<1x56x56x128xf32> to vector<56x56x128xf32>
    %reshape3A_105 = vector.shape_cast %get3A_104 : vector<56x56x128xf32> to vector<3136x128xf32>
    %get3A_106 = arith.constant 1024 : index
    %get3A_107 = arith.constant 0 : index
    %get3A_108 = vector.load %arg2[%get3A_106, %get3A_107] : memref<1152x128xf32, #tpu.memory_space<vmem>>, vector<128x128xf32>
    %dot_general3A_109 = arith.constant dense<0.000000e+00> : vector<3136x128xf32>
    %dot_general3A_110 = tpu.matmul %reshape3A_105, %get3A_108, %dot_general3A_109 {dimension_numbers = #tpu.dot_dimension_numbers<[1], [0], [0], [1], [0, 0, 1, 1], [], []>, transpose_lhs_hint = false} : vector<3136x128xf32>, vector<128x128xf32>, vector<3136x128xf32> -> vector<3136x128xf32>
    %add3A_111 = arith.addf %add3A_98, %dot_general3A_110 : vector<3136x128xf32>
    %get3A_112 = arith.constant 0 : index
    %get3A_113 = arith.constant 0 : index
    %get3A_114 = vector.load %arg3[%get3A_112, %get3A_113] : memref<1x128xf32, #tpu.memory_space<vmem>>, vector<1x128xf32>
    %add3A_115 = vector.broadcast %get3A_114 : vector<1x128xf32> to vector<3136x128xf32>
    %add3A_116 = arith.addf %add3A_111, %add3A_115 : vector<3136x128xf32>
    %max3A = arith.constant 0.000000e+00 : f32
    %max3A_117 = vector.broadcast %max3A : f32 to vector<3136x128xf32>
    %max3A_118 = arith.maximumf %add3A_116, %max3A_117 : vector<3136x128xf32>
    %get3A_119 = arith.constant 0 : index
    %get3A_120 = arith.constant 0 : index
    %get3A_121 = vector.load %arg4[%get3A_119, %get3A_120] : memref<128x64xf32, #tpu.memory_space<vmem>>, vector<128x64xf32>
    %dot_general3A_122 = arith.constant dense<0.000000e+00> : vector<3136x64xf32>
    %dot_general3A_123 = tpu.matmul %max3A_118, %get3A_121, %dot_general3A_122 {dimension_numbers = #tpu.dot_dimension_numbers<[1], [0], [0], [1], [0, 0, 1, 1], [], []>, transpose_lhs_hint = false} : vector<3136x128xf32>, vector<128x64xf32>, vector<3136x64xf32> -> vector<3136x64xf32>
    %get3A_124 = arith.constant 0 : index
    %get3A_125 = arith.constant 0 : index
    %get3A_126 = vector.load %arg5[%get3A_124, %get3A_125] : memref<1x64xf32, #tpu.memory_space<vmem>>, vector<1x64xf32>
    %add3A_127 = vector.broadcast %get3A_126 : vector<1x64xf32> to vector<3136x64xf32>
    %add3A_128 = arith.addf %dot_general3A_123, %add3A_127 : vector<3136x64xf32>
    %reshape3A_129 = vector.shape_cast %add3A_128 : vector<3136x64xf32> to vector<56x56x64xf32>
    %swap3A = arith.constant 0 : index
    %swap3A_130 = arith.constant 0 : index
    %swap3A_131 = arith.constant 0 : index
    %swap3A_132 = arith.constant 0 : index
    %swap3A_133 = vector.load %arg6[%swap3A, %swap3A_130, %swap3A_131, %swap3A_132] : memref<1x56x56x64xf32, #tpu.memory_space<vmem>>, vector<1x56x56x64xf32>
    %swap3A_134 = vector.shape_cast %swap3A_133 : vector<1x56x56x64xf32> to vector<56x56x64xf32>
    %swap3A_135 = vector.shape_cast %reshape3A_129 : vector<56x56x64xf32> to vector<1x56x56x64xf32>
    tpu.vector_store %arg6[%swap3A, %swap3A_130, %swap3A_131, %swap3A_132], %swap3A_135 {strides = array<i32>} : memref<1x56x56x64xf32, #tpu.memory_space<vmem>>, vector<1x56x56x64xf32>,
    return
  }
  func.func @transform_0(%arg0: i32) -> (i32, i32, i32, i32) {
    %c0_i32 = arith.constant 0 : i32
    %c0_i32_0 = arith.constant 0 : i32
    %c0_i32_1 = arith.constant 0 : i32
    %c0_i32_2 = arith.constant 0 : i32
    return %arg0, %c0_i32, %c0_i32_0, %c0_i32_1 : i32, i32, i32, i32
  }
  func.func @transform_1(%arg0: i32) -> (i32, i32) {
    %c0_i32 = arith.constant 0 : i32
    %c0_i32_0 = arith.constant 0 : i32
    %c0_i32_1 = arith.constant 0 : i32
    return %c0_i32, %c0_i32_0 : i32, i32
  }
  func.func @transform_2(%arg0: i32) -> (i32, i32) {
    %c0_i32 = arith.constant 0 : i32
    %c0_i32_0 = arith.constant 0 : i32
    %c0_i32_1 = arith.constant 0 : i32
    return %c0_i32, %c0_i32_0 : i32, i32
  }
  func.func @transform_3(%arg0: i32) -> (i32, i32) {
    %c0_i32 = arith.constant 0 : i32
    %c0_i32_0 = arith.constant 0 : i32
    %c0_i32_1 = arith.constant 0 : i32
    return %c0_i32, %c0_i32_0 : i32, i32
  }
  func.func @transform_4(%arg0: i32) -> (i32, i32) {
    %c0_i32 = arith.constant 0 : i32
    %c0_i32_0 = arith.constant 0 : i32
    %c0_i32_1 = arith.constant 0 : i32
    return %c0_i32, %c0_i32_0 : i32, i32
  }
  func.func @transform_5(%arg0: i32) -> (i32, i32, i32, i32) {
    %c0_i32 = arith.constant 0 : i32
    %c0_i32_0 = arith.constant 0 : i32
    %c0_i32_1 = arith.constant 0 : i32
    %c0_i32_2 = arith.constant 0 : i32
    return %arg0, %c0_i32, %c0_i32_0, %c0_i32_1 : i32, i32, i32, i32
  }
}

module attributes {stable_mosaic.version = 14 : i64} {
  func.func @body(%arg0: i32, %arg1: memref<512x64xf32, #tpu.memory_space<vmem>>, %arg2: memref<64x1024xf32, #tpu.memory_space<vmem>>, %arg3: memref<1x1x512xi32, #tpu.memory_space<vmem>>, %arg4: memref<1x1xf32, #tpu.memory_space<vmem>>) attributes {dimension_semantics = [#tpu.dimension_semantics<arbitrary>], iteration_bounds = array<i64: 49>, scalar_prefetch = 0 : i64, scratch_operands = 0 : i64, tpu.core_type = #tpu.core_type<tc>, window_params = [{transform_indices = @transform_0, window_bounds = array<i64: 512, 64>}, {pipeline_mode = #tpu.pipeline_mode<synchronous>, transform_indices = @transform_1, window_bounds = array<i64: 64, 1024>}, {transform_indices = @transform_2, window_bounds = array<i64: 1, 1, 512>}, {pipeline_mode = #tpu.pipeline_mode<synchronous>, transform_indices = @transform_3, window_bounds = array<i64: 1, 1>}]} {
    %eq3A = arith.constant 0 : i32
    %eq3A_0 = arith.cmpi eq, %arg0, %eq3A : i32
    %convert_element_type3A = arith.extui %eq3A_0 : i1 to i32
    %cond3A = arith.constant 0 : i32
    %cond3A_1 = arith.cmpi ne, %convert_element_type3A, %cond3A : i32
    scf.if %cond3A_1 {
      %broadcast_in_dim3A_42 = arith.constant 0.000000e+00 : f32
      %broadcast_in_dim3A_43 = vector.broadcast %broadcast_in_dim3A_42 : f32 to vector<1x1xf32>
      %swap3A_44 = arith.constant 0 : index
      %swap3A_45 = arith.constant 0 : index
      %swap3A_46 = vector.load %arg4[%swap3A_44, %swap3A_45] : memref<1x1xf32, #tpu.memory_space<vmem>>, vector<1x1xf32>
      tpu.vector_store %arg4[%swap3A_44, %swap3A_45], %broadcast_in_dim3A_43 {strides = array<i32>} : memref<1x1xf32, #tpu.memory_space<vmem>>, vector<1x1xf32>,
    } else {
    }
    %get3A = arith.constant 0 : index
    %get3A_2 = arith.constant 0 : index
    %get3A_3 = vector.load %arg1[%get3A, %get3A_2] : memref<512x64xf32, #tpu.memory_space<vmem>>, vector<512x64xf32>
    %get3A_4 = arith.constant 0 : index
    %get3A_5 = arith.constant 0 : index
    %get3A_6 = vector.load %arg2[%get3A_4, %get3A_5] : memref<64x1024xf32, #tpu.memory_space<vmem>>, vector<64x1024xf32>
    %dot_general3A = arith.constant dense<0.000000e+00> : vector<512x1024xf32>
    %dot_general3A_7 = tpu.matmul %get3A_3, %get3A_6, %dot_general3A {dimension_numbers = #tpu.dot_dimension_numbers<[1], [0], [0], [1], [0, 0, 1, 1], [], []>, transpose_lhs_hint = false} : vector<512x64xf32>, vector<64x1024xf32>, vector<512x1024xf32> -> vector<512x1024xf32>
    %mul3A = arith.mulf %get3A_6, %get3A_6 : vector<64x1024xf32>
    %reduce_sum3A = arith.constant dense<0.000000e+00> : vector<1024xf32>
    %reduce_sum3A_8 = vector.multi_reduction <add>, %mul3A, %reduce_sum3A [0] : vector<64x1024xf32> to vector<1024xf32>
    %broadcast_in_dim3A = vector.shape_cast %reduce_sum3A_8 : vector<1024xf32> to vector<1x1024xf32>
    %mul3A_9 = arith.mulf %get3A_3, %get3A_3 : vector<512x64xf32>
    %reduce_sum3A_10 = arith.constant dense<0.000000e+00> : vector<512xf32>
    %reduce_sum3A_11 = vector.multi_reduction <add>, %mul3A_9, %reduce_sum3A_10 [1] : vector<512x64xf32> to vector<512xf32>
    %broadcast_in_dim3A_12 = vector.shape_cast %reduce_sum3A_11 : vector<512xf32> to vector<512x1xf32>
    %mul3A_13 = arith.constant 2.000000e+00 : f32
    %mul3A_14 = vector.broadcast %mul3A_13 : f32 to vector<512x1024xf32>
    %mul3A_15 = arith.mulf %mul3A_14, %dot_general3A_7 : vector<512x1024xf32>
    %sub3A = vector.broadcast %broadcast_in_dim3A_12 : vector<512x1xf32> to vector<512x1024xf32>
    %sub3A_16 = arith.subf %sub3A, %mul3A_15 : vector<512x1024xf32>
    %add3A = vector.broadcast %broadcast_in_dim3A : vector<1x1024xf32> to vector<512x1024xf32>
    %add3A_17 = arith.addf %sub3A_16, %add3A : vector<512x1024xf32>
    %reduce_min3A = arith.constant dense<0x7F800000> : vector<512xf32>
    %reduce_min3A_18 = vector.multi_reduction <minimumf>, %add3A_17, %reduce_min3A [1] : vector<512x1024xf32> to vector<512xf32>
    %broadcast_in_dim3A_19 = vector.shape_cast %reduce_min3A_18 : vector<512xf32> to vector<512x1xf32>
    %iota3A = tpu.iota {dimensions = array<i32: 1>} : vector<512x1024xi32>
    %eq3A_20 = vector.broadcast %broadcast_in_dim3A_19 : vector<512x1xf32> to vector<512x1024xf32>
    %eq3A_21 = arith.cmpf oeq, %add3A_17, %eq3A_20 : vector<512x1024xf32>
    %jit3A = arith.constant 1024 : i32
    %broadcast_in_dim3A_22 = vector.broadcast %jit3A : i32 to vector<512x1024xi32>
    %select_n3A = arith.select %eq3A_21, %iota3A, %broadcast_in_dim3A_22 : vector<512x1024xi1>, vector<512x1024xi32>
    %reduce_min3A_23 = arith.constant dense<2147483647> : vector<512xi32>
    %reduce_min3A_24 = vector.multi_reduction <minsi>, %select_n3A, %reduce_min3A_23 [1] : vector<512x1024xi32> to vector<512xi32>
    %swap3A = arith.constant 0 : index
    %swap3A_25 = arith.constant 0 : index
    %swap3A_26 = arith.constant 0 : index
    %swap3A_27 = vector.load %arg3[%swap3A, %swap3A_25, %swap3A_26] : memref<1x1x512xi32, #tpu.memory_space<vmem>>, vector<1x1x512xi32>
    %swap3A_28 = vector.shape_cast %swap3A_27 : vector<1x1x512xi32> to vector<512xi32>
    %swap3A_29 = vector.shape_cast %reduce_min3A_24 : vector<512xi32> to vector<1x1x512xi32>
    tpu.vector_store %arg3[%swap3A, %swap3A_25, %swap3A_26], %swap3A_29 {strides = array<i32>} : memref<1x1x512xi32, #tpu.memory_space<vmem>>, vector<1x1x512xi32>,
    %get3A_30 = arith.constant 0 : index
    %get3A_31 = arith.constant 0 : index
    %get3A_32 = vector.load %arg4[%get3A_30, %get3A_31] : memref<1x1xf32, #tpu.memory_space<vmem>>, vector<1x1xf32>
    %reduce_sum3A_33 = vector.shape_cast %broadcast_in_dim3A_19 : vector<512x1xf32> to vector<1x512x1xf32>
    %reduce_sum3A_34 = arith.constant dense<0.000000e+00> : vector<1xf32>
    %reduce_sum3A_35 = vector.multi_reduction <add>, %reduce_sum3A_33, %reduce_sum3A_34 [1, 2] : vector<1x512x1xf32> to vector<1xf32>
    %reduce_sum3A_36 = vector.shape_cast %reduce_sum3A_35 : vector<1xf32> to vector<1x1x1xf32>
    %reduce_sum3A_37 = vector.extract %reduce_sum3A_36[0, 0, 0] : f32 from vector<1x1x1xf32>
    %reshape3A = vector.broadcast %reduce_sum3A_37 : f32 to vector<1x1xf32>
    %add3A_38 = arith.addf %get3A_32, %reshape3A : vector<1x1xf32>
    %swap3A_39 = arith.constant 0 : index
    %swap3A_40 = arith.constant 0 : index
    %swap3A_41 = vector.load %arg4[%swap3A_39, %swap3A_40] : memref<1x1xf32, #tpu.memory_space<vmem>>, vector<1x1xf32>
    tpu.vector_store %arg4[%swap3A_39, %swap3A_40], %add3A_38 {strides = array<i32>} : memref<1x1xf32, #tpu.memory_space<vmem>>, vector<1x1xf32>,
    return
  }
  func.func @transform_0(%arg0: i32) -> (i32, i32) {
    %c0_i32 = arith.constant 0 : i32
    %c0_i32_0 = arith.constant 0 : i32
    return %arg0, %c0_i32 : i32, i32
  }
  func.func @transform_1(%arg0: i32) -> (i32, i32) {
    %c0_i32 = arith.constant 0 : i32
    %c0_i32_0 = arith.constant 0 : i32
    %c0_i32_1 = arith.constant 0 : i32
    return %c0_i32, %c0_i32_0 : i32, i32
  }
  func.func @transform_2(%arg0: i32) -> (i32, i32, i32) {
    %c0_i32 = arith.constant 0 : i32
    %c0_i32_0 = arith.constant 0 : i32
    %c0_i32_1 = arith.constant 0 : i32
    return %arg0, %c0_i32, %c0_i32_0 : i32, i32, i32
  }
  func.func @transform_3(%arg0: i32) -> (i32, i32) {
    %c0_i32 = arith.constant 0 : i32
    %c0_i32_0 = arith.constant 0 : i32
    %c0_i32_1 = arith.constant 0 : i32
    return %c0_i32, %c0_i32_0 : i32, i32
  }
}

module attributes {stable_mosaic.version = 14 : i64} {
  func.func @body(%arg0: i32, %arg1: memref<1x56x56x128xf32, #tpu.memory_space<vmem>>, %arg2: memref<1152x128xf32, #tpu.memory_space<vmem>>, %arg3: memref<1x128xf32, #tpu.memory_space<vmem>>, %arg4: memref<1x58x58x128xf32, #tpu.memory_space<vmem>>, %arg5: memref<58x58x128xf32, #tpu.memory_space<vmem>>) attributes {dimension_semantics = [#tpu.dimension_semantics<arbitrary>], iteration_bounds = array<i64: 8>, scalar_prefetch = 0 : i64, scratch_operands = 1 : i64, tpu.core_type = #tpu.core_type<tc>, window_params = [{transform_indices = @transform_0, window_bounds = array<i64: 1, 56, 56, 128>}, {pipeline_mode = #tpu.pipeline_mode<synchronous>, transform_indices = @transform_1, window_bounds = array<i64: 1152, 128>}, {pipeline_mode = #tpu.pipeline_mode<synchronous>, transform_indices = @transform_2, window_bounds = array<i64: 1, 128>}, {transform_indices = @transform_3, window_bounds = array<i64: 1, 58, 58, 128>}]} {
    %broadcast_in_dim3A = arith.constant 0.000000e+00 : f32
    %broadcast_in_dim3A_0 = vector.broadcast %broadcast_in_dim3A : f32 to vector<58x58x128xf32>
    %swap3A = arith.constant 0 : index
    %swap3A_1 = arith.constant 0 : index
    %swap3A_2 = arith.constant 0 : index
    %swap3A_3 = vector.load %arg5[%swap3A, %swap3A_1, %swap3A_2] : memref<58x58x128xf32, #tpu.memory_space<vmem>>, vector<58x58x128xf32>
    tpu.vector_store %arg5[%swap3A, %swap3A_1, %swap3A_2], %broadcast_in_dim3A_0 {strides = array<i32>} : memref<58x58x128xf32, #tpu.memory_space<vmem>>, vector<58x58x128xf32>,
    %get3A = arith.constant 0 : index
    %get3A_4 = arith.constant 0 : index
    %get3A_5 = arith.constant 0 : index
    %get3A_6 = arith.constant 0 : index
    %get3A_7 = vector.load %arg1[%get3A, %get3A_4, %get3A_5, %get3A_6] : memref<1x56x56x128xf32, #tpu.memory_space<vmem>>, vector<1x56x56x128xf32>
    %get3A_8 = vector.shape_cast %get3A_7 : vector<1x56x56x128xf32> to vector<56x56x128xf32>
    %swap3A_9 = arith.constant 1 : index
    %swap3A_10 = arith.constant 1 : index
    %swap3A_11 = arith.constant 0 : index
    %swap3A_12 = vector.load %arg5[%swap3A_9, %swap3A_10, %swap3A_11] : memref<58x58x128xf32, #tpu.memory_space<vmem>>, vector<56x56x128xf32>
    tpu.vector_store %arg5[%swap3A_9, %swap3A_10, %swap3A_11], %get3A_8 {strides = array<i32>} : memref<58x58x128xf32, #tpu.memory_space<vmem>>, vector<56x56x128xf32>,
    %get3A_13 = arith.constant 0 : index
    %get3A_14 = arith.constant 0 : index
    %get3A_15 = arith.constant 0 : index
    %get3A_16 = vector.load %arg5[%get3A_13, %get3A_14, %get3A_15] : memref<58x58x128xf32, #tpu.memory_space<vmem>>, vector<56x56x128xf32>
    %reshape3A = vector.shape_cast %get3A_16 : vector<56x56x128xf32> to vector<3136x128xf32>
    %get3A_17 = arith.constant 0 : index
    %get3A_18 = arith.constant 0 : index
    %get3A_19 = vector.load %arg2[%get3A_17, %get3A_18] : memref<1152x128xf32, #tpu.memory_space<vmem>>, vector<128x128xf32>
    %dot_general3A = arith.constant dense<0.000000e+00> : vector<3136x128xf32>
    %dot_general3A_20 = tpu.matmul %reshape3A, %get3A_19, %dot_general3A {dimension_numbers = #tpu.dot_dimension_numbers<[1], [0], [0], [1], [0, 0, 1, 1], [], []>, transpose_lhs_hint = false} : vector<3136x128xf32>, vector<128x128xf32>, vector<3136x128xf32> -> vector<3136x128xf32>
    %get3A_21 = arith.constant 0 : index
    %get3A_22 = arith.constant 1 : index
    %get3A_23 = arith.constant 0 : index
    %get3A_24 = vector.load %arg5[%get3A_21, %get3A_22, %get3A_23] : memref<58x58x128xf32, #tpu.memory_space<vmem>>, vector<56x56x128xf32>
    %reshape3A_25 = vector.shape_cast %get3A_24 : vector<56x56x128xf32> to vector<3136x128xf32>
    %get3A_26 = arith.constant 128 : index
    %get3A_27 = arith.constant 0 : index
    %get3A_28 = vector.load %arg2[%get3A_26, %get3A_27] : memref<1152x128xf32, #tpu.memory_space<vmem>>, vector<128x128xf32>
    %dot_general3A_29 = arith.constant dense<0.000000e+00> : vector<3136x128xf32>
    %dot_general3A_30 = tpu.matmul %reshape3A_25, %get3A_28, %dot_general3A_29 {dimension_numbers = #tpu.dot_dimension_numbers<[1], [0], [0], [1], [0, 0, 1, 1], [], []>, transpose_lhs_hint = false} : vector<3136x128xf32>, vector<128x128xf32>, vector<3136x128xf32> -> vector<3136x128xf32>
    %add3A = arith.addf %dot_general3A_20, %dot_general3A_30 : vector<3136x128xf32>
    %get3A_31 = arith.constant 0 : index
    %get3A_32 = arith.constant 2 : index
    %get3A_33 = arith.constant 0 : index
    %get3A_34 = vector.load %arg5[%get3A_31, %get3A_32, %get3A_33] : memref<58x58x128xf32, #tpu.memory_space<vmem>>, vector<56x56x128xf32>
    %reshape3A_35 = vector.shape_cast %get3A_34 : vector<56x56x128xf32> to vector<3136x128xf32>
    %get3A_36 = arith.constant 256 : index
    %get3A_37 = arith.constant 0 : index
    %get3A_38 = vector.load %arg2[%get3A_36, %get3A_37] : memref<1152x128xf32, #tpu.memory_space<vmem>>, vector<128x128xf32>
    %dot_general3A_39 = arith.constant dense<0.000000e+00> : vector<3136x128xf32>
    %dot_general3A_40 = tpu.matmul %reshape3A_35, %get3A_38, %dot_general3A_39 {dimension_numbers = #tpu.dot_dimension_numbers<[1], [0], [0], [1], [0, 0, 1, 1], [], []>, transpose_lhs_hint = false} : vector<3136x128xf32>, vector<128x128xf32>, vector<3136x128xf32> -> vector<3136x128xf32>
    %add3A_41 = arith.addf %add3A, %dot_general3A_40 : vector<3136x128xf32>
    %get3A_42 = arith.constant 1 : index
    %get3A_43 = arith.constant 0 : index
    %get3A_44 = arith.constant 0 : index
    %get3A_45 = vector.load %arg5[%get3A_42, %get3A_43, %get3A_44] : memref<58x58x128xf32, #tpu.memory_space<vmem>>, vector<56x56x128xf32>
    %reshape3A_46 = vector.shape_cast %get3A_45 : vector<56x56x128xf32> to vector<3136x128xf32>
    %get3A_47 = arith.constant 384 : index
    %get3A_48 = arith.constant 0 : index
    %get3A_49 = vector.load %arg2[%get3A_47, %get3A_48] : memref<1152x128xf32, #tpu.memory_space<vmem>>, vector<128x128xf32>
    %dot_general3A_50 = arith.constant dense<0.000000e+00> : vector<3136x128xf32>
    %dot_general3A_51 = tpu.matmul %reshape3A_46, %get3A_49, %dot_general3A_50 {dimension_numbers = #tpu.dot_dimension_numbers<[1], [0], [0], [1], [0, 0, 1, 1], [], []>, transpose_lhs_hint = false} : vector<3136x128xf32>, vector<128x128xf32>, vector<3136x128xf32> -> vector<3136x128xf32>
    %add3A_52 = arith.addf %add3A_41, %dot_general3A_51 : vector<3136x128xf32>
    %get3A_53 = arith.constant 1 : index
    %get3A_54 = arith.constant 1 : index
    %get3A_55 = arith.constant 0 : index
    %get3A_56 = vector.load %arg5[%get3A_53, %get3A_54, %get3A_55] : memref<58x58x128xf32, #tpu.memory_space<vmem>>, vector<56x56x128xf32>
    %reshape3A_57 = vector.shape_cast %get3A_56 : vector<56x56x128xf32> to vector<3136x128xf32>
    %get3A_58 = arith.constant 512 : index
    %get3A_59 = arith.constant 0 : index
    %get3A_60 = vector.load %arg2[%get3A_58, %get3A_59] : memref<1152x128xf32, #tpu.memory_space<vmem>>, vector<128x128xf32>
    %dot_general3A_61 = arith.constant dense<0.000000e+00> : vector<3136x128xf32>
    %dot_general3A_62 = tpu.matmul %reshape3A_57, %get3A_60, %dot_general3A_61 {dimension_numbers = #tpu.dot_dimension_numbers<[1], [0], [0], [1], [0, 0, 1, 1], [], []>, transpose_lhs_hint = false} : vector<3136x128xf32>, vector<128x128xf32>, vector<3136x128xf32> -> vector<3136x128xf32>
    %add3A_63 = arith.addf %add3A_52, %dot_general3A_62 : vector<3136x128xf32>
    %get3A_64 = arith.constant 1 : index
    %get3A_65 = arith.constant 2 : index
    %get3A_66 = arith.constant 0 : index
    %get3A_67 = vector.load %arg5[%get3A_64, %get3A_65, %get3A_66] : memref<58x58x128xf32, #tpu.memory_space<vmem>>, vector<56x56x128xf32>
    %reshape3A_68 = vector.shape_cast %get3A_67 : vector<56x56x128xf32> to vector<3136x128xf32>
    %get3A_69 = arith.constant 640 : index
    %get3A_70 = arith.constant 0 : index
    %get3A_71 = vector.load %arg2[%get3A_69, %get3A_70] : memref<1152x128xf32, #tpu.memory_space<vmem>>, vector<128x128xf32>
    %dot_general3A_72 = arith.constant dense<0.000000e+00> : vector<3136x128xf32>
    %dot_general3A_73 = tpu.matmul %reshape3A_68, %get3A_71, %dot_general3A_72 {dimension_numbers = #tpu.dot_dimension_numbers<[1], [0], [0], [1], [0, 0, 1, 1], [], []>, transpose_lhs_hint = false} : vector<3136x128xf32>, vector<128x128xf32>, vector<3136x128xf32> -> vector<3136x128xf32>
    %add3A_74 = arith.addf %add3A_63, %dot_general3A_73 : vector<3136x128xf32>
    %get3A_75 = arith.constant 2 : index
    %get3A_76 = arith.constant 0 : index
    %get3A_77 = arith.constant 0 : index
    %get3A_78 = vector.load %arg5[%get3A_75, %get3A_76, %get3A_77] : memref<58x58x128xf32, #tpu.memory_space<vmem>>, vector<56x56x128xf32>
    %reshape3A_79 = vector.shape_cast %get3A_78 : vector<56x56x128xf32> to vector<3136x128xf32>
    %get3A_80 = arith.constant 768 : index
    %get3A_81 = arith.constant 0 : index
    %get3A_82 = vector.load %arg2[%get3A_80, %get3A_81] : memref<1152x128xf32, #tpu.memory_space<vmem>>, vector<128x128xf32>
    %dot_general3A_83 = arith.constant dense<0.000000e+00> : vector<3136x128xf32>
    %dot_general3A_84 = tpu.matmul %reshape3A_79, %get3A_82, %dot_general3A_83 {dimension_numbers = #tpu.dot_dimension_numbers<[1], [0], [0], [1], [0, 0, 1, 1], [], []>, transpose_lhs_hint = false} : vector<3136x128xf32>, vector<128x128xf32>, vector<3136x128xf32> -> vector<3136x128xf32>
    %add3A_85 = arith.addf %add3A_74, %dot_general3A_84 : vector<3136x128xf32>
    %get3A_86 = arith.constant 2 : index
    %get3A_87 = arith.constant 1 : index
    %get3A_88 = arith.constant 0 : index
    %get3A_89 = vector.load %arg5[%get3A_86, %get3A_87, %get3A_88] : memref<58x58x128xf32, #tpu.memory_space<vmem>>, vector<56x56x128xf32>
    %reshape3A_90 = vector.shape_cast %get3A_89 : vector<56x56x128xf32> to vector<3136x128xf32>
    %get3A_91 = arith.constant 896 : index
    %get3A_92 = arith.constant 0 : index
    %get3A_93 = vector.load %arg2[%get3A_91, %get3A_92] : memref<1152x128xf32, #tpu.memory_space<vmem>>, vector<128x128xf32>
    %dot_general3A_94 = arith.constant dense<0.000000e+00> : vector<3136x128xf32>
    %dot_general3A_95 = tpu.matmul %reshape3A_90, %get3A_93, %dot_general3A_94 {dimension_numbers = #tpu.dot_dimension_numbers<[1], [0], [0], [1], [0, 0, 1, 1], [], []>, transpose_lhs_hint = false} : vector<3136x128xf32>, vector<128x128xf32>, vector<3136x128xf32> -> vector<3136x128xf32>
    %add3A_96 = arith.addf %add3A_85, %dot_general3A_95 : vector<3136x128xf32>
    %get3A_97 = arith.constant 2 : index
    %get3A_98 = arith.constant 2 : index
    %get3A_99 = arith.constant 0 : index
    %get3A_100 = vector.load %arg5[%get3A_97, %get3A_98, %get3A_99] : memref<58x58x128xf32, #tpu.memory_space<vmem>>, vector<56x56x128xf32>
    %reshape3A_101 = vector.shape_cast %get3A_100 : vector<56x56x128xf32> to vector<3136x128xf32>
    %get3A_102 = arith.constant 1024 : index
    %get3A_103 = arith.constant 0 : index
    %get3A_104 = vector.load %arg2[%get3A_102, %get3A_103] : memref<1152x128xf32, #tpu.memory_space<vmem>>, vector<128x128xf32>
    %dot_general3A_105 = arith.constant dense<0.000000e+00> : vector<3136x128xf32>
    %dot_general3A_106 = tpu.matmul %reshape3A_101, %get3A_104, %dot_general3A_105 {dimension_numbers = #tpu.dot_dimension_numbers<[1], [0], [0], [1], [0, 0, 1, 1], [], []>, transpose_lhs_hint = false} : vector<3136x128xf32>, vector<128x128xf32>, vector<3136x128xf32> -> vector<3136x128xf32>
    %add3A_107 = arith.addf %add3A_96, %dot_general3A_106 : vector<3136x128xf32>
    %get3A_108 = arith.constant 0 : index
    %get3A_109 = arith.constant 0 : index
    %get3A_110 = vector.load %arg3[%get3A_108, %get3A_109] : memref<1x128xf32, #tpu.memory_space<vmem>>, vector<1x128xf32>
    %add3A_111 = vector.broadcast %get3A_110 : vector<1x128xf32> to vector<3136x128xf32>
    %add3A_112 = arith.addf %add3A_107, %add3A_111 : vector<3136x128xf32>
    %max3A = arith.constant 0.000000e+00 : f32
    %max3A_113 = vector.broadcast %max3A : f32 to vector<3136x128xf32>
    %max3A_114 = arith.maximumf %add3A_112, %max3A_113 : vector<3136x128xf32>
    %broadcast_in_dim3A_115 = arith.constant 0.000000e+00 : f32
    %broadcast_in_dim3A_116 = vector.broadcast %broadcast_in_dim3A_115 : f32 to vector<1x58x58x128xf32>
    %swap3A_117 = arith.constant 0 : index
    %swap3A_118 = arith.constant 0 : index
    %swap3A_119 = arith.constant 0 : index
    %swap3A_120 = arith.constant 0 : index
    %swap3A_121 = vector.load %arg4[%swap3A_117, %swap3A_118, %swap3A_119, %swap3A_120] : memref<1x58x58x128xf32, #tpu.memory_space<vmem>>, vector<1x58x58x128xf32>
    tpu.vector_store %arg4[%swap3A_117, %swap3A_118, %swap3A_119, %swap3A_120], %broadcast_in_dim3A_116 {strides = array<i32>} : memref<1x58x58x128xf32, #tpu.memory_space<vmem>>, vector<1x58x58x128xf32>,
    %reshape3A_122 = vector.shape_cast %max3A_114 : vector<3136x128xf32> to vector<56x56x128xf32>
    %swap3A_123 = arith.constant 0 : index
    %swap3A_124 = arith.constant 1 : index
    %swap3A_125 = arith.constant 1 : index
    %swap3A_126 = arith.constant 0 : index
    %swap3A_127 = vector.load %arg4[%swap3A_123, %swap3A_124, %swap3A_125, %swap3A_126] : memref<1x58x58x128xf32, #tpu.memory_space<vmem>>, vector<1x56x56x128xf32>
    %swap3A_128 = vector.shape_cast %swap3A_127 : vector<1x56x56x128xf32> to vector<56x56x128xf32>
    %swap3A_129 = vector.shape_cast %reshape3A_122 : vector<56x56x128xf32> to vector<1x56x56x128xf32>
    tpu.vector_store %arg4[%swap3A_123, %swap3A_124, %swap3A_125, %swap3A_126], %swap3A_129 {strides = array<i32>} : memref<1x58x58x128xf32, #tpu.memory_space<vmem>>, vector<1x56x56x128xf32>,
    return
  }
  func.func @transform_0(%arg0: i32) -> (i32, i32, i32, i32) {
    %c0_i32 = arith.constant 0 : i32
    %c0_i32_0 = arith.constant 0 : i32
    %c0_i32_1 = arith.constant 0 : i32
    %c0_i32_2 = arith.constant 0 : i32
    return %arg0, %c0_i32, %c0_i32_0, %c0_i32_1 : i32, i32, i32, i32
  }
  func.func @transform_1(%arg0: i32) -> (i32, i32) {
    %c0_i32 = arith.constant 0 : i32
    %c0_i32_0 = arith.constant 0 : i32
    %c0_i32_1 = arith.constant 0 : i32
    return %c0_i32, %c0_i32_0 : i32, i32
  }
  func.func @transform_2(%arg0: i32) -> (i32, i32) {
    %c0_i32 = arith.constant 0 : i32
    %c0_i32_0 = arith.constant 0 : i32
    %c0_i32_1 = arith.constant 0 : i32
    return %c0_i32, %c0_i32_0 : i32, i32
  }
  func.func @transform_3(%arg0: i32) -> (i32, i32, i32, i32) {
    %c0_i32 = arith.constant 0 : i32
    %c0_i32_0 = arith.constant 0 : i32
    %c0_i32_1 = arith.constant 0 : i32
    %c0_i32_2 = arith.constant 0 : i32
    return %arg0, %c0_i32, %c0_i32_0, %c0_i32_1 : i32, i32, i32, i32
  }
}

module attributes {stable_mosaic.version = 14 : i64} {
  func.func @body(%arg0: i32, %arg1: memref<1x58x58x128xf32, #tpu.memory_space<vmem>>, %arg2: memref<4x512x64xf32, #tpu.memory_space<vmem>>, %arg3: memref<1x64xf32, #tpu.memory_space<vmem>>, %arg4: memref<1x56x56x256xf32, #tpu.memory_space<vmem>>) attributes {dimension_semantics = [#tpu.dimension_semantics<arbitrary>], iteration_bounds = array<i64: 8>, scalar_prefetch = 0 : i64, scratch_operands = 0 : i64, tpu.core_type = #tpu.core_type<tc>, window_params = [{transform_indices = @transform_0, window_bounds = array<i64: 1, 58, 58, 128>}, {pipeline_mode = #tpu.pipeline_mode<synchronous>, transform_indices = @transform_1, window_bounds = array<i64: 4, 512, 64>}, {pipeline_mode = #tpu.pipeline_mode<synchronous>, transform_indices = @transform_2, window_bounds = array<i64: 1, 64>}, {transform_indices = @transform_3, window_bounds = array<i64: 1, 56, 56, 256>}]} {
    %get3A = arith.constant 0 : index
    %get3A_0 = arith.constant 0 : index
    %get3A_1 = arith.constant 0 : index
    %get3A_2 = arith.constant 0 : index
    %get3A_3 = vector.load %arg1[%get3A, %get3A_0, %get3A_1, %get3A_2] : memref<1x58x58x128xf32, #tpu.memory_space<vmem>>, vector<1x56x56x128xf32>
    %get3A_4 = vector.shape_cast %get3A_3 : vector<1x56x56x128xf32> to vector<56x56x128xf32>
    %reshape3A = vector.shape_cast %get3A_4 : vector<56x56x128xf32> to vector<3136x128xf32>
    %get3A_5 = arith.constant 0 : i32
    %get3A_6 = arith.constant 0 : i32
    %get3A_7 = arith.constant 0 : i32
    %get3A_8 = tpu.memref_slice %arg2[%get3A_5, %get3A_6, %get3A_7] : memref<4x512x64xf32, #tpu.memory_space<vmem>> -> memref<1x512x64xf32, #tpu.memory_space<vmem>>
    %get3A_9 = tpu.memref_squeeze %get3A_8 : memref<1x512x64xf32, #tpu.memory_space<vmem>> -> memref<512x64xf32, #tpu.memory_space<vmem>>
    %get3A_10 = arith.constant 0 : index
    %get3A_11 = arith.constant 0 : index
    %get3A_12 = vector.load %get3A_9[%get3A_10, %get3A_11] : memref<512x64xf32, #tpu.memory_space<vmem>>, vector<128x64xf32>
    %dot_general3A = arith.constant dense<0.000000e+00> : vector<3136x64xf32>
    %dot_general3A_13 = tpu.matmul %reshape3A, %get3A_12, %dot_general3A {dimension_numbers = #tpu.dot_dimension_numbers<[1], [0], [0], [1], [0, 0, 1, 1], [], []>, transpose_lhs_hint = false} : vector<3136x128xf32>, vector<128x64xf32>, vector<3136x64xf32> -> vector<3136x64xf32>
    %get3A_14 = arith.constant 0 : index
    %get3A_15 = arith.constant 0 : index
    %get3A_16 = arith.constant 1 : index
    %get3A_17 = arith.constant 0 : index
    %get3A_18 = vector.load %arg1[%get3A_14, %get3A_15, %get3A_16, %get3A_17] : memref<1x58x58x128xf32, #tpu.memory_space<vmem>>, vector<1x56x56x128xf32>
    %get3A_19 = vector.shape_cast %get3A_18 : vector<1x56x56x128xf32> to vector<56x56x128xf32>
    %reshape3A_20 = vector.shape_cast %get3A_19 : vector<56x56x128xf32> to vector<3136x128xf32>
    %get3A_21 = arith.constant 0 : i32
    %get3A_22 = arith.constant 0 : i32
    %get3A_23 = arith.constant 0 : i32
    %get3A_24 = tpu.memref_slice %arg2[%get3A_21, %get3A_22, %get3A_23] : memref<4x512x64xf32, #tpu.memory_space<vmem>> -> memref<1x512x64xf32, #tpu.memory_space<vmem>>
    %get3A_25 = tpu.memref_squeeze %get3A_24 : memref<1x512x64xf32, #tpu.memory_space<vmem>> -> memref<512x64xf32, #tpu.memory_space<vmem>>
    %get3A_26 = arith.constant 128 : index
    %get3A_27 = arith.constant 0 : index
    %get3A_28 = vector.load %get3A_25[%get3A_26, %get3A_27] : memref<512x64xf32, #tpu.memory_space<vmem>>, vector<128x64xf32>
    %dot_general3A_29 = arith.constant dense<0.000000e+00> : vector<3136x64xf32>
    %dot_general3A_30 = tpu.matmul %reshape3A_20, %get3A_28, %dot_general3A_29 {dimension_numbers = #tpu.dot_dimension_numbers<[1], [0], [0], [1], [0, 0, 1, 1], [], []>, transpose_lhs_hint = false} : vector<3136x128xf32>, vector<128x64xf32>, vector<3136x64xf32> -> vector<3136x64xf32>
    %add3A = arith.addf %dot_general3A_13, %dot_general3A_30 : vector<3136x64xf32>
    %get3A_31 = arith.constant 0 : index
    %get3A_32 = arith.constant 1 : index
    %get3A_33 = arith.constant 0 : index
    %get3A_34 = arith.constant 0 : index
    %get3A_35 = vector.load %arg1[%get3A_31, %get3A_32, %get3A_33, %get3A_34] : memref<1x58x58x128xf32, #tpu.memory_space<vmem>>, vector<1x56x56x128xf32>
    %get3A_36 = vector.shape_cast %get3A_35 : vector<1x56x56x128xf32> to vector<56x56x128xf32>
    %reshape3A_37 = vector.shape_cast %get3A_36 : vector<56x56x128xf32> to vector<3136x128xf32>
    %get3A_38 = arith.constant 0 : i32
    %get3A_39 = arith.constant 0 : i32
    %get3A_40 = arith.constant 0 : i32
    %get3A_41 = tpu.memref_slice %arg2[%get3A_38, %get3A_39, %get3A_40] : memref<4x512x64xf32, #tpu.memory_space<vmem>> -> memref<1x512x64xf32, #tpu.memory_space<vmem>>
    %get3A_42 = tpu.memref_squeeze %get3A_41 : memref<1x512x64xf32, #tpu.memory_space<vmem>> -> memref<512x64xf32, #tpu.memory_space<vmem>>
    %get3A_43 = arith.constant 256 : index
    %get3A_44 = arith.constant 0 : index
    %get3A_45 = vector.load %get3A_42[%get3A_43, %get3A_44] : memref<512x64xf32, #tpu.memory_space<vmem>>, vector<128x64xf32>
    %dot_general3A_46 = arith.constant dense<0.000000e+00> : vector<3136x64xf32>
    %dot_general3A_47 = tpu.matmul %reshape3A_37, %get3A_45, %dot_general3A_46 {dimension_numbers = #tpu.dot_dimension_numbers<[1], [0], [0], [1], [0, 0, 1, 1], [], []>, transpose_lhs_hint = false} : vector<3136x128xf32>, vector<128x64xf32>, vector<3136x64xf32> -> vector<3136x64xf32>
    %add3A_48 = arith.addf %add3A, %dot_general3A_47 : vector<3136x64xf32>
    %get3A_49 = arith.constant 0 : index
    %get3A_50 = arith.constant 1 : index
    %get3A_51 = arith.constant 1 : index
    %get3A_52 = arith.constant 0 : index
    %get3A_53 = vector.load %arg1[%get3A_49, %get3A_50, %get3A_51, %get3A_52] : memref<1x58x58x128xf32, #tpu.memory_space<vmem>>, vector<1x56x56x128xf32>
    %get3A_54 = vector.shape_cast %get3A_53 : vector<1x56x56x128xf32> to vector<56x56x128xf32>
    %reshape3A_55 = vector.shape_cast %get3A_54 : vector<56x56x128xf32> to vector<3136x128xf32>
    %get3A_56 = arith.constant 0 : i32
    %get3A_57 = arith.constant 0 : i32
    %get3A_58 = arith.constant 0 : i32
    %get3A_59 = tpu.memref_slice %arg2[%get3A_56, %get3A_57, %get3A_58] : memref<4x512x64xf32, #tpu.memory_space<vmem>> -> memref<1x512x64xf32, #tpu.memory_space<vmem>>
    %get3A_60 = tpu.memref_squeeze %get3A_59 : memref<1x512x64xf32, #tpu.memory_space<vmem>> -> memref<512x64xf32, #tpu.memory_space<vmem>>
    %get3A_61 = arith.constant 384 : index
    %get3A_62 = arith.constant 0 : index
    %get3A_63 = vector.load %get3A_60[%get3A_61, %get3A_62] : memref<512x64xf32, #tpu.memory_space<vmem>>, vector<128x64xf32>
    %dot_general3A_64 = arith.constant dense<0.000000e+00> : vector<3136x64xf32>
    %dot_general3A_65 = tpu.matmul %reshape3A_55, %get3A_63, %dot_general3A_64 {dimension_numbers = #tpu.dot_dimension_numbers<[1], [0], [0], [1], [0, 0, 1, 1], [], []>, transpose_lhs_hint = false} : vector<3136x128xf32>, vector<128x64xf32>, vector<3136x64xf32> -> vector<3136x64xf32>
    %add3A_66 = arith.addf %add3A_48, %dot_general3A_65 : vector<3136x64xf32>
    %get3A_67 = arith.constant 0 : index
    %get3A_68 = arith.constant 0 : index
    %get3A_69 = vector.load %arg3[%get3A_67, %get3A_68] : memref<1x64xf32, #tpu.memory_space<vmem>>, vector<1x64xf32>
    %add3A_70 = vector.broadcast %get3A_69 : vector<1x64xf32> to vector<3136x64xf32>
    %add3A_71 = arith.addf %add3A_66, %add3A_70 : vector<3136x64xf32>
    %max3A = arith.constant 0.000000e+00 : f32
    %max3A_72 = vector.broadcast %max3A : f32 to vector<3136x64xf32>
    %max3A_73 = arith.maximumf %add3A_71, %max3A_72 : vector<3136x64xf32>
    %reshape3A_74 = vector.shape_cast %max3A_73 : vector<3136x64xf32> to vector<56x56x64xf32>
    %swap3A = arith.constant 0 : index
    %swap3A_75 = arith.constant 0 : index
    %swap3A_76 = arith.constant 0 : index
    %swap3A_77 = arith.constant 0 : index
    %swap3A_78 = vector.load %arg4[%swap3A, %swap3A_75, %swap3A_76, %swap3A_77] : memref<1x56x56x256xf32, #tpu.memory_space<vmem>>, vector<1x56x56x64xf32>
    %swap3A_79 = vector.shape_cast %swap3A_78 : vector<1x56x56x64xf32> to vector<56x56x64xf32>
    %swap3A_80 = vector.shape_cast %reshape3A_74 : vector<56x56x64xf32> to vector<1x56x56x64xf32>
    tpu.vector_store %arg4[%swap3A, %swap3A_75, %swap3A_76, %swap3A_77], %swap3A_80 {strides = array<i32>} : memref<1x56x56x256xf32, #tpu.memory_space<vmem>>, vector<1x56x56x64xf32>,
    %get3A_81 = arith.constant 0 : index
    %get3A_82 = arith.constant 0 : index
    %get3A_83 = arith.constant 1 : index
    %get3A_84 = arith.constant 0 : index
    %get3A_85 = vector.load %arg1[%get3A_81, %get3A_82, %get3A_83, %get3A_84] : memref<1x58x58x128xf32, #tpu.memory_space<vmem>>, vector<1x56x56x128xf32>
    %get3A_86 = vector.shape_cast %get3A_85 : vector<1x56x56x128xf32> to vector<56x56x128xf32>
    %reshape3A_87 = vector.shape_cast %get3A_86 : vector<56x56x128xf32> to vector<3136x128xf32>
    %get3A_88 = arith.constant 1 : i32
    %get3A_89 = arith.constant 0 : i32
    %get3A_90 = arith.constant 0 : i32
    %get3A_91 = tpu.memref_slice %arg2[%get3A_88, %get3A_89, %get3A_90] : memref<4x512x64xf32, #tpu.memory_space<vmem>> -> memref<1x512x64xf32, #tpu.memory_space<vmem>>
    %get3A_92 = tpu.memref_squeeze %get3A_91 : memref<1x512x64xf32, #tpu.memory_space<vmem>> -> memref<512x64xf32, #tpu.memory_space<vmem>>
    %get3A_93 = arith.constant 0 : index
    %get3A_94 = arith.constant 0 : index
    %get3A_95 = vector.load %get3A_92[%get3A_93, %get3A_94] : memref<512x64xf32, #tpu.memory_space<vmem>>, vector<128x64xf32>
    %dot_general3A_96 = arith.constant dense<0.000000e+00> : vector<3136x64xf32>
    %dot_general3A_97 = tpu.matmul %reshape3A_87, %get3A_95, %dot_general3A_96 {dimension_numbers = #tpu.dot_dimension_numbers<[1], [0], [0], [1], [0, 0, 1, 1], [], []>, transpose_lhs_hint = false} : vector<3136x128xf32>, vector<128x64xf32>, vector<3136x64xf32> -> vector<3136x64xf32>
    %get3A_98 = arith.constant 0 : index
    %get3A_99 = arith.constant 0 : index
    %get3A_100 = arith.constant 2 : index
    %get3A_101 = arith.constant 0 : index
    %get3A_102 = vector.load %arg1[%get3A_98, %get3A_99, %get3A_100, %get3A_101] : memref<1x58x58x128xf32, #tpu.memory_space<vmem>>, vector<1x56x56x128xf32>
    %get3A_103 = vector.shape_cast %get3A_102 : vector<1x56x56x128xf32> to vector<56x56x128xf32>
    %reshape3A_104 = vector.shape_cast %get3A_103 : vector<56x56x128xf32> to vector<3136x128xf32>
    %get3A_105 = arith.constant 1 : i32
    %get3A_106 = arith.constant 0 : i32
    %get3A_107 = arith.constant 0 : i32
    %get3A_108 = tpu.memref_slice %arg2[%get3A_105, %get3A_106, %get3A_107] : memref<4x512x64xf32, #tpu.memory_space<vmem>> -> memref<1x512x64xf32, #tpu.memory_space<vmem>>
    %get3A_109 = tpu.memref_squeeze %get3A_108 : memref<1x512x64xf32, #tpu.memory_space<vmem>> -> memref<512x64xf32, #tpu.memory_space<vmem>>
    %get3A_110 = arith.constant 128 : index
    %get3A_111 = arith.constant 0 : index
    %get3A_112 = vector.load %get3A_109[%get3A_110, %get3A_111] : memref<512x64xf32, #tpu.memory_space<vmem>>, vector<128x64xf32>
    %dot_general3A_113 = arith.constant dense<0.000000e+00> : vector<3136x64xf32>
    %dot_general3A_114 = tpu.matmul %reshape3A_104, %get3A_112, %dot_general3A_113 {dimension_numbers = #tpu.dot_dimension_numbers<[1], [0], [0], [1], [0, 0, 1, 1], [], []>, transpose_lhs_hint = false} : vector<3136x128xf32>, vector<128x64xf32>, vector<3136x64xf32> -> vector<3136x64xf32>
    %add3A_115 = arith.addf %dot_general3A_97, %dot_general3A_114 : vector<3136x64xf32>
    %get3A_116 = arith.constant 0 : index
    %get3A_117 = arith.constant 1 : index
    %get3A_118 = arith.constant 1 : index
    %get3A_119 = arith.constant 0 : index
    %get3A_120 = vector.load %arg1[%get3A_116, %get3A_117, %get3A_118, %get3A_119] : memref<1x58x58x128xf32, #tpu.memory_space<vmem>>, vector<1x56x56x128xf32>
    %get3A_121 = vector.shape_cast %get3A_120 : vector<1x56x56x128xf32> to vector<56x56x128xf32>
    %reshape3A_122 = vector.shape_cast %get3A_121 : vector<56x56x128xf32> to vector<3136x128xf32>
    %get3A_123 = arith.constant 1 : i32
    %get3A_124 = arith.constant 0 : i32
    %get3A_125 = arith.constant 0 : i32
    %get3A_126 = tpu.memref_slice %arg2[%get3A_123, %get3A_124, %get3A_125] : memref<4x512x64xf32, #tpu.memory_space<vmem>> -> memref<1x512x64xf32, #tpu.memory_space<vmem>>
    %get3A_127 = tpu.memref_squeeze %get3A_126 : memref<1x512x64xf32, #tpu.memory_space<vmem>> -> memref<512x64xf32, #tpu.memory_space<vmem>>
    %get3A_128 = arith.constant 256 : index
    %get3A_129 = arith.constant 0 : index
    %get3A_130 = vector.load %get3A_127[%get3A_128, %get3A_129] : memref<512x64xf32, #tpu.memory_space<vmem>>, vector<128x64xf32>
    %dot_general3A_131 = arith.constant dense<0.000000e+00> : vector<3136x64xf32>
    %dot_general3A_132 = tpu.matmul %reshape3A_122, %get3A_130, %dot_general3A_131 {dimension_numbers = #tpu.dot_dimension_numbers<[1], [0], [0], [1], [0, 0, 1, 1], [], []>, transpose_lhs_hint = false} : vector<3136x128xf32>, vector<128x64xf32>, vector<3136x64xf32> -> vector<3136x64xf32>
    %add3A_133 = arith.addf %add3A_115, %dot_general3A_132 : vector<3136x64xf32>
    %get3A_134 = arith.constant 0 : index
    %get3A_135 = arith.constant 1 : index
    %get3A_136 = arith.constant 2 : index
    %get3A_137 = arith.constant 0 : index
    %get3A_138 = vector.load %arg1[%get3A_134, %get3A_135, %get3A_136, %get3A_137] : memref<1x58x58x128xf32, #tpu.memory_space<vmem>>, vector<1x56x56x128xf32>
    %get3A_139 = vector.shape_cast %get3A_138 : vector<1x56x56x128xf32> to vector<56x56x128xf32>
    %reshape3A_140 = vector.shape_cast %get3A_139 : vector<56x56x128xf32> to vector<3136x128xf32>
    %get3A_141 = arith.constant 1 : i32
    %get3A_142 = arith.constant 0 : i32
    %get3A_143 = arith.constant 0 : i32
    %get3A_144 = tpu.memref_slice %arg2[%get3A_141, %get3A_142, %get3A_143] : memref<4x512x64xf32, #tpu.memory_space<vmem>> -> memref<1x512x64xf32, #tpu.memory_space<vmem>>
    %get3A_145 = tpu.memref_squeeze %get3A_144 : memref<1x512x64xf32, #tpu.memory_space<vmem>> -> memref<512x64xf32, #tpu.memory_space<vmem>>
    %get3A_146 = arith.constant 384 : index
    %get3A_147 = arith.constant 0 : index
    %get3A_148 = vector.load %get3A_145[%get3A_146, %get3A_147] : memref<512x64xf32, #tpu.memory_space<vmem>>, vector<128x64xf32>
    %dot_general3A_149 = arith.constant dense<0.000000e+00> : vector<3136x64xf32>
    %dot_general3A_150 = tpu.matmul %reshape3A_140, %get3A_148, %dot_general3A_149 {dimension_numbers = #tpu.dot_dimension_numbers<[1], [0], [0], [1], [0, 0, 1, 1], [], []>, transpose_lhs_hint = false} : vector<3136x128xf32>, vector<128x64xf32>, vector<3136x64xf32> -> vector<3136x64xf32>
    %add3A_151 = arith.addf %add3A_133, %dot_general3A_150 : vector<3136x64xf32>
    %get3A_152 = arith.constant 0 : index
    %get3A_153 = arith.constant 0 : index
    %get3A_154 = vector.load %arg3[%get3A_152, %get3A_153] : memref<1x64xf32, #tpu.memory_space<vmem>>, vector<1x64xf32>
    %add3A_155 = vector.broadcast %get3A_154 : vector<1x64xf32> to vector<3136x64xf32>
    %add3A_156 = arith.addf %add3A_151, %add3A_155 : vector<3136x64xf32>
    %max3A_157 = arith.constant 0.000000e+00 : f32
    %max3A_158 = vector.broadcast %max3A_157 : f32 to vector<3136x64xf32>
    %max3A_159 = arith.maximumf %add3A_156, %max3A_158 : vector<3136x64xf32>
    %reshape3A_160 = vector.shape_cast %max3A_159 : vector<3136x64xf32> to vector<56x56x64xf32>
    %swap3A_161 = arith.constant 0 : index
    %swap3A_162 = arith.constant 0 : index
    %swap3A_163 = arith.constant 0 : index
    %swap3A_164 = arith.constant 64 : index
    %swap3A_165 = vector.load %arg4[%swap3A_161, %swap3A_162, %swap3A_163, %swap3A_164] : memref<1x56x56x256xf32, #tpu.memory_space<vmem>>, vector<1x56x56x64xf32>
    %swap3A_166 = vector.shape_cast %swap3A_165 : vector<1x56x56x64xf32> to vector<56x56x64xf32>
    %swap3A_167 = vector.shape_cast %reshape3A_160 : vector<56x56x64xf32> to vector<1x56x56x64xf32>
    tpu.vector_store %arg4[%swap3A_161, %swap3A_162, %swap3A_163, %swap3A_164], %swap3A_167 {strides = array<i32>} : memref<1x56x56x256xf32, #tpu.memory_space<vmem>>, vector<1x56x56x64xf32>,
    %get3A_168 = arith.constant 0 : index
    %get3A_169 = arith.constant 1 : index
    %get3A_170 = arith.constant 0 : index
    %get3A_171 = arith.constant 0 : index
    %get3A_172 = vector.load %arg1[%get3A_168, %get3A_169, %get3A_170, %get3A_171] : memref<1x58x58x128xf32, #tpu.memory_space<vmem>>, vector<1x56x56x128xf32>
    %get3A_173 = vector.shape_cast %get3A_172 : vector<1x56x56x128xf32> to vector<56x56x128xf32>
    %reshape3A_174 = vector.shape_cast %get3A_173 : vector<56x56x128xf32> to vector<3136x128xf32>
    %get3A_175 = arith.constant 2 : i32
    %get3A_176 = arith.constant 0 : i32
    %get3A_177 = arith.constant 0 : i32
    %get3A_178 = tpu.memref_slice %arg2[%get3A_175, %get3A_176, %get3A_177] : memref<4x512x64xf32, #tpu.memory_space<vmem>> -> memref<1x512x64xf32, #tpu.memory_space<vmem>>
    %get3A_179 = tpu.memref_squeeze %get3A_178 : memref<1x512x64xf32, #tpu.memory_space<vmem>> -> memref<512x64xf32, #tpu.memory_space<vmem>>
    %get3A_180 = arith.constant 0 : index
    %get3A_181 = arith.constant 0 : index
    %get3A_182 = vector.load %get3A_179[%get3A_180, %get3A_181] : memref<512x64xf32, #tpu.memory_space<vmem>>, vector<128x64xf32>
    %dot_general3A_183 = arith.constant dense<0.000000e+00> : vector<3136x64xf32>
    %dot_general3A_184 = tpu.matmul %reshape3A_174, %get3A_182, %dot_general3A_183 {dimension_numbers = #tpu.dot_dimension_numbers<[1], [0], [0], [1], [0, 0, 1, 1], [], []>, transpose_lhs_hint = false} : vector<3136x128xf32>, vector<128x64xf32>, vector<3136x64xf32> -> vector<3136x64xf32>
    %get3A_185 = arith.constant 0 : index
    %get3A_186 = arith.constant 1 : index
    %get3A_187 = arith.constant 1 : index
    %get3A_188 = arith.constant 0 : index
    %get3A_189 = vector.load %arg1[%get3A_185, %get3A_186, %get3A_187, %get3A_188] : memref<1x58x58x128xf32, #tpu.memory_space<vmem>>, vector<1x56x56x128xf32>
    %get3A_190 = vector.shape_cast %get3A_189 : vector<1x56x56x128xf32> to vector<56x56x128xf32>
    %reshape3A_191 = vector.shape_cast %get3A_190 : vector<56x56x128xf32> to vector<3136x128xf32>
    %get3A_192 = arith.constant 2 : i32
    %get3A_193 = arith.constant 0 : i32
    %get3A_194 = arith.constant 0 : i32
    %get3A_195 = tpu.memref_slice %arg2[%get3A_192, %get3A_193, %get3A_194] : memref<4x512x64xf32, #tpu.memory_space<vmem>> -> memref<1x512x64xf32, #tpu.memory_space<vmem>>
    %get3A_196 = tpu.memref_squeeze %get3A_195 : memref<1x512x64xf32, #tpu.memory_space<vmem>> -> memref<512x64xf32, #tpu.memory_space<vmem>>
    %get3A_197 = arith.constant 128 : index
    %get3A_198 = arith.constant 0 : index
    %get3A_199 = vector.load %get3A_196[%get3A_197, %get3A_198] : memref<512x64xf32, #tpu.memory_space<vmem>>, vector<128x64xf32>
    %dot_general3A_200 = arith.constant dense<0.000000e+00> : vector<3136x64xf32>
    %dot_general3A_201 = tpu.matmul %reshape3A_191, %get3A_199, %dot_general3A_200 {dimension_numbers = #tpu.dot_dimension_numbers<[1], [0], [0], [1], [0, 0, 1, 1], [], []>, transpose_lhs_hint = false} : vector<3136x128xf32>, vector<128x64xf32>, vector<3136x64xf32> -> vector<3136x64xf32>
    %add3A_202 = arith.addf %dot_general3A_184, %dot_general3A_201 : vector<3136x64xf32>
    %get3A_203 = arith.constant 0 : index
    %get3A_204 = arith.constant 2 : index
    %get3A_205 = arith.constant 0 : index
    %get3A_206 = arith.constant 0 : index
    %get3A_207 = vector.load %arg1[%get3A_203, %get3A_204, %get3A_205, %get3A_206] : memref<1x58x58x128xf32, #tpu.memory_space<vmem>>, vector<1x56x56x128xf32>
    %get3A_208 = vector.shape_cast %get3A_207 : vector<1x56x56x128xf32> to vector<56x56x128xf32>
    %reshape3A_209 = vector.shape_cast %get3A_208 : vector<56x56x128xf32> to vector<3136x128xf32>
    %get3A_210 = arith.constant 2 : i32
    %get3A_211 = arith.constant 0 : i32
    %get3A_212 = arith.constant 0 : i32
    %get3A_213 = tpu.memref_slice %arg2[%get3A_210, %get3A_211, %get3A_212] : memref<4x512x64xf32, #tpu.memory_space<vmem>> -> memref<1x512x64xf32, #tpu.memory_space<vmem>>
    %get3A_214 = tpu.memref_squeeze %get3A_213 : memref<1x512x64xf32, #tpu.memory_space<vmem>> -> memref<512x64xf32, #tpu.memory_space<vmem>>
    %get3A_215 = arith.constant 256 : index
    %get3A_216 = arith.constant 0 : index
    %get3A_217 = vector.load %get3A_214[%get3A_215, %get3A_216] : memref<512x64xf32, #tpu.memory_space<vmem>>, vector<128x64xf32>
    %dot_general3A_218 = arith.constant dense<0.000000e+00> : vector<3136x64xf32>
    %dot_general3A_219 = tpu.matmul %reshape3A_209, %get3A_217, %dot_general3A_218 {dimension_numbers = #tpu.dot_dimension_numbers<[1], [0], [0], [1], [0, 0, 1, 1], [], []>, transpose_lhs_hint = false} : vector<3136x128xf32>, vector<128x64xf32>, vector<3136x64xf32> -> vector<3136x64xf32>
    %add3A_220 = arith.addf %add3A_202, %dot_general3A_219 : vector<3136x64xf32>
    %get3A_221 = arith.constant 0 : index
    %get3A_222 = arith.constant 2 : index
    %get3A_223 = arith.constant 1 : index
    %get3A_224 = arith.constant 0 : index
    %get3A_225 = vector.load %arg1[%get3A_221, %get3A_222, %get3A_223, %get3A_224] : memref<1x58x58x128xf32, #tpu.memory_space<vmem>>, vector<1x56x56x128xf32>
    %get3A_226 = vector.shape_cast %get3A_225 : vector<1x56x56x128xf32> to vector<56x56x128xf32>
    %reshape3A_227 = vector.shape_cast %get3A_226 : vector<56x56x128xf32> to vector<3136x128xf32>
    %get3A_228 = arith.constant 2 : i32
    %get3A_229 = arith.constant 0 : i32
    %get3A_230 = arith.constant 0 : i32
    %get3A_231 = tpu.memref_slice %arg2[%get3A_228, %get3A_229, %get3A_230] : memref<4x512x64xf32, #tpu.memory_space<vmem>> -> memref<1x512x64xf32, #tpu.memory_space<vmem>>
    %get3A_232 = tpu.memref_squeeze %get3A_231 : memref<1x512x64xf32, #tpu.memory_space<vmem>> -> memref<512x64xf32, #tpu.memory_space<vmem>>
    %get3A_233 = arith.constant 384 : index
    %get3A_234 = arith.constant 0 : index
    %get3A_235 = vector.load %get3A_232[%get3A_233, %get3A_234] : memref<512x64xf32, #tpu.memory_space<vmem>>, vector<128x64xf32>
    %dot_general3A_236 = arith.constant dense<0.000000e+00> : vector<3136x64xf32>
    %dot_general3A_237 = tpu.matmul %reshape3A_227, %get3A_235, %dot_general3A_236 {dimension_numbers = #tpu.dot_dimension_numbers<[1], [0], [0], [1], [0, 0, 1, 1], [], []>, transpose_lhs_hint = false} : vector<3136x128xf32>, vector<128x64xf32>, vector<3136x64xf32> -> vector<3136x64xf32>
    %add3A_238 = arith.addf %add3A_220, %dot_general3A_237 : vector<3136x64xf32>
    %get3A_239 = arith.constant 0 : index
    %get3A_240 = arith.constant 0 : index
    %get3A_241 = vector.load %arg3[%get3A_239, %get3A_240] : memref<1x64xf32, #tpu.memory_space<vmem>>, vector<1x64xf32>
    %add3A_242 = vector.broadcast %get3A_241 : vector<1x64xf32> to vector<3136x64xf32>
    %add3A_243 = arith.addf %add3A_238, %add3A_242 : vector<3136x64xf32>
    %max3A_244 = arith.constant 0.000000e+00 : f32
    %max3A_245 = vector.broadcast %max3A_244 : f32 to vector<3136x64xf32>
    %max3A_246 = arith.maximumf %add3A_243, %max3A_245 : vector<3136x64xf32>
    %reshape3A_247 = vector.shape_cast %max3A_246 : vector<3136x64xf32> to vector<56x56x64xf32>
    %swap3A_248 = arith.constant 0 : index
    %swap3A_249 = arith.constant 0 : index
    %swap3A_250 = arith.constant 0 : index
    %swap3A_251 = arith.constant 128 : index
    %swap3A_252 = vector.load %arg4[%swap3A_248, %swap3A_249, %swap3A_250, %swap3A_251] : memref<1x56x56x256xf32, #tpu.memory_space<vmem>>, vector<1x56x56x64xf32>
    %swap3A_253 = vector.shape_cast %swap3A_252 : vector<1x56x56x64xf32> to vector<56x56x64xf32>
    %swap3A_254 = vector.shape_cast %reshape3A_247 : vector<56x56x64xf32> to vector<1x56x56x64xf32>
    tpu.vector_store %arg4[%swap3A_248, %swap3A_249, %swap3A_250, %swap3A_251], %swap3A_254 {strides = array<i32>} : memref<1x56x56x256xf32, #tpu.memory_space<vmem>>, vector<1x56x56x64xf32>,
    %get3A_255 = arith.constant 0 : index
    %get3A_256 = arith.constant 1 : index
    %get3A_257 = arith.constant 1 : index
    %get3A_258 = arith.constant 0 : index
    %get3A_259 = vector.load %arg1[%get3A_255, %get3A_256, %get3A_257, %get3A_258] : memref<1x58x58x128xf32, #tpu.memory_space<vmem>>, vector<1x56x56x128xf32>
    %get3A_260 = vector.shape_cast %get3A_259 : vector<1x56x56x128xf32> to vector<56x56x128xf32>
    %reshape3A_261 = vector.shape_cast %get3A_260 : vector<56x56x128xf32> to vector<3136x128xf32>
    %get3A_262 = arith.constant 3 : i32
    %get3A_263 = arith.constant 0 : i32
    %get3A_264 = arith.constant 0 : i32
    %get3A_265 = tpu.memref_slice %arg2[%get3A_262, %get3A_263, %get3A_264] : memref<4x512x64xf32, #tpu.memory_space<vmem>> -> memref<1x512x64xf32, #tpu.memory_space<vmem>>
    %get3A_266 = tpu.memref_squeeze %get3A_265 : memref<1x512x64xf32, #tpu.memory_space<vmem>> -> memref<512x64xf32, #tpu.memory_space<vmem>>
    %get3A_267 = arith.constant 0 : index
    %get3A_268 = arith.constant 0 : index
    %get3A_269 = vector.load %get3A_266[%get3A_267, %get3A_268] : memref<512x64xf32, #tpu.memory_space<vmem>>, vector<128x64xf32>
    %dot_general3A_270 = arith.constant dense<0.000000e+00> : vector<3136x64xf32>
    %dot_general3A_271 = tpu.matmul %reshape3A_261, %get3A_269, %dot_general3A_270 {dimension_numbers = #tpu.dot_dimension_numbers<[1], [0], [0], [1], [0, 0, 1, 1], [], []>, transpose_lhs_hint = false} : vector<3136x128xf32>, vector<128x64xf32>, vector<3136x64xf32> -> vector<3136x64xf32>
    %get3A_272 = arith.constant 0 : index
    %get3A_273 = arith.constant 1 : index
    %get3A_274 = arith.constant 2 : index
    %get3A_275 = arith.constant 0 : index
    %get3A_276 = vector.load %arg1[%get3A_272, %get3A_273, %get3A_274, %get3A_275] : memref<1x58x58x128xf32, #tpu.memory_space<vmem>>, vector<1x56x56x128xf32>
    %get3A_277 = vector.shape_cast %get3A_276 : vector<1x56x56x128xf32> to vector<56x56x128xf32>
    %reshape3A_278 = vector.shape_cast %get3A_277 : vector<56x56x128xf32> to vector<3136x128xf32>
    %get3A_279 = arith.constant 3 : i32
    %get3A_280 = arith.constant 0 : i32
    %get3A_281 = arith.constant 0 : i32
    %get3A_282 = tpu.memref_slice %arg2[%get3A_279, %get3A_280, %get3A_281] : memref<4x512x64xf32, #tpu.memory_space<vmem>> -> memref<1x512x64xf32, #tpu.memory_space<vmem>>
    %get3A_283 = tpu.memref_squeeze %get3A_282 : memref<1x512x64xf32, #tpu.memory_space<vmem>> -> memref<512x64xf32, #tpu.memory_space<vmem>>
    %get3A_284 = arith.constant 128 : index
    %get3A_285 = arith.constant 0 : index
    %get3A_286 = vector.load %get3A_283[%get3A_284, %get3A_285] : memref<512x64xf32, #tpu.memory_space<vmem>>, vector<128x64xf32>
    %dot_general3A_287 = arith.constant dense<0.000000e+00> : vector<3136x64xf32>
    %dot_general3A_288 = tpu.matmul %reshape3A_278, %get3A_286, %dot_general3A_287 {dimension_numbers = #tpu.dot_dimension_numbers<[1], [0], [0], [1], [0, 0, 1, 1], [], []>, transpose_lhs_hint = false} : vector<3136x128xf32>, vector<128x64xf32>, vector<3136x64xf32> -> vector<3136x64xf32>
    %add3A_289 = arith.addf %dot_general3A_271, %dot_general3A_288 : vector<3136x64xf32>
    %get3A_290 = arith.constant 0 : index
    %get3A_291 = arith.constant 2 : index
    %get3A_292 = arith.constant 1 : index
    %get3A_293 = arith.constant 0 : index
    %get3A_294 = vector.load %arg1[%get3A_290, %get3A_291, %get3A_292, %get3A_293] : memref<1x58x58x128xf32, #tpu.memory_space<vmem>>, vector<1x56x56x128xf32>
    %get3A_295 = vector.shape_cast %get3A_294 : vector<1x56x56x128xf32> to vector<56x56x128xf32>
    %reshape3A_296 = vector.shape_cast %get3A_295 : vector<56x56x128xf32> to vector<3136x128xf32>
    %get3A_297 = arith.constant 3 : i32
    %get3A_298 = arith.constant 0 : i32
    %get3A_299 = arith.constant 0 : i32
    %get3A_300 = tpu.memref_slice %arg2[%get3A_297, %get3A_298, %get3A_299] : memref<4x512x64xf32, #tpu.memory_space<vmem>> -> memref<1x512x64xf32, #tpu.memory_space<vmem>>
    %get3A_301 = tpu.memref_squeeze %get3A_300 : memref<1x512x64xf32, #tpu.memory_space<vmem>> -> memref<512x64xf32, #tpu.memory_space<vmem>>
    %get3A_302 = arith.constant 256 : index
    %get3A_303 = arith.constant 0 : index
    %get3A_304 = vector.load %get3A_301[%get3A_302, %get3A_303] : memref<512x64xf32, #tpu.memory_space<vmem>>, vector<128x64xf32>
    %dot_general3A_305 = arith.constant dense<0.000000e+00> : vector<3136x64xf32>
    %dot_general3A_306 = tpu.matmul %reshape3A_296, %get3A_304, %dot_general3A_305 {dimension_numbers = #tpu.dot_dimension_numbers<[1], [0], [0], [1], [0, 0, 1, 1], [], []>, transpose_lhs_hint = false} : vector<3136x128xf32>, vector<128x64xf32>, vector<3136x64xf32> -> vector<3136x64xf32>
    %add3A_307 = arith.addf %add3A_289, %dot_general3A_306 : vector<3136x64xf32>
    %get3A_308 = arith.constant 0 : index
    %get3A_309 = arith.constant 2 : index
    %get3A_310 = arith.constant 2 : index
    %get3A_311 = arith.constant 0 : index
    %get3A_312 = vector.load %arg1[%get3A_308, %get3A_309, %get3A_310, %get3A_311] : memref<1x58x58x128xf32, #tpu.memory_space<vmem>>, vector<1x56x56x128xf32>
    %get3A_313 = vector.shape_cast %get3A_312 : vector<1x56x56x128xf32> to vector<56x56x128xf32>
    %reshape3A_314 = vector.shape_cast %get3A_313 : vector<56x56x128xf32> to vector<3136x128xf32>
    %get3A_315 = arith.constant 3 : i32
    %get3A_316 = arith.constant 0 : i32
    %get3A_317 = arith.constant 0 : i32
    %get3A_318 = tpu.memref_slice %arg2[%get3A_315, %get3A_316, %get3A_317] : memref<4x512x64xf32, #tpu.memory_space<vmem>> -> memref<1x512x64xf32, #tpu.memory_space<vmem>>
    %get3A_319 = tpu.memref_squeeze %get3A_318 : memref<1x512x64xf32, #tpu.memory_space<vmem>> -> memref<512x64xf32, #tpu.memory_space<vmem>>
    %get3A_320 = arith.constant 384 : index
    %get3A_321 = arith.constant 0 : index
    %get3A_322 = vector.load %get3A_319[%get3A_320, %get3A_321] : memref<512x64xf32, #tpu.memory_space<vmem>>, vector<128x64xf32>
    %dot_general3A_323 = arith.constant dense<0.000000e+00> : vector<3136x64xf32>
    %dot_general3A_324 = tpu.matmul %reshape3A_314, %get3A_322, %dot_general3A_323 {dimension_numbers = #tpu.dot_dimension_numbers<[1], [0], [0], [1], [0, 0, 1, 1], [], []>, transpose_lhs_hint = false} : vector<3136x128xf32>, vector<128x64xf32>, vector<3136x64xf32> -> vector<3136x64xf32>
    %add3A_325 = arith.addf %add3A_307, %dot_general3A_324 : vector<3136x64xf32>
    %get3A_326 = arith.constant 0 : index
    %get3A_327 = arith.constant 0 : index
    %get3A_328 = vector.load %arg3[%get3A_326, %get3A_327] : memref<1x64xf32, #tpu.memory_space<vmem>>, vector<1x64xf32>
    %add3A_329 = vector.broadcast %get3A_328 : vector<1x64xf32> to vector<3136x64xf32>
    %add3A_330 = arith.addf %add3A_325, %add3A_329 : vector<3136x64xf32>
    %max3A_331 = arith.constant 0.000000e+00 : f32
    %max3A_332 = vector.broadcast %max3A_331 : f32 to vector<3136x64xf32>
    %max3A_333 = arith.maximumf %add3A_330, %max3A_332 : vector<3136x64xf32>
    %reshape3A_334 = vector.shape_cast %max3A_333 : vector<3136x64xf32> to vector<56x56x64xf32>
    %swap3A_335 = arith.constant 0 : index
    %swap3A_336 = arith.constant 0 : index
    %swap3A_337 = arith.constant 0 : index
    %swap3A_338 = arith.constant 192 : index
    %swap3A_339 = vector.load %arg4[%swap3A_335, %swap3A_336, %swap3A_337, %swap3A_338] : memref<1x56x56x256xf32, #tpu.memory_space<vmem>>, vector<1x56x56x64xf32>
    %swap3A_340 = vector.shape_cast %swap3A_339 : vector<1x56x56x64xf32> to vector<56x56x64xf32>
    %swap3A_341 = vector.shape_cast %reshape3A_334 : vector<56x56x64xf32> to vector<1x56x56x64xf32>
    tpu.vector_store %arg4[%swap3A_335, %swap3A_336, %swap3A_337, %swap3A_338], %swap3A_341 {strides = array<i32>} : memref<1x56x56x256xf32, #tpu.memory_space<vmem>>, vector<1x56x56x64xf32>,
    return
  }
  func.func @transform_0(%arg0: i32) -> (i32, i32, i32, i32) {
    %c0_i32 = arith.constant 0 : i32
    %c0_i32_0 = arith.constant 0 : i32
    %c0_i32_1 = arith.constant 0 : i32
    %c0_i32_2 = arith.constant 0 : i32
    return %arg0, %c0_i32, %c0_i32_0, %c0_i32_1 : i32, i32, i32, i32
  }
  func.func @transform_1(%arg0: i32) -> (i32, i32, i32) {
    %c0_i32 = arith.constant 0 : i32
    %c0_i32_0 = arith.constant 0 : i32
    %c0_i32_1 = arith.constant 0 : i32
    %c0_i32_2 = arith.constant 0 : i32
    return %c0_i32, %c0_i32_0, %c0_i32_1 : i32, i32, i32
  }
  func.func @transform_2(%arg0: i32) -> (i32, i32) {
    %c0_i32 = arith.constant 0 : i32
    %c0_i32_0 = arith.constant 0 : i32
    %c0_i32_1 = arith.constant 0 : i32
    return %c0_i32, %c0_i32_0 : i32, i32
  }
  func.func @transform_3(%arg0: i32) -> (i32, i32, i32, i32) {
    %c0_i32 = arith.constant 0 : i32
    %c0_i32_0 = arith.constant 0 : i32
    %c0_i32_1 = arith.constant 0 : i32
    %c0_i32_2 = arith.constant 0 : i32
    return %arg0, %c0_i32, %c0_i32_0, %c0_i32_1 : i32, i32, i32, i32
  }
}

module attributes {stable_mosaic.version = 14 : i64} {
  func.func @body(%arg0: i32, %arg1: i32, %arg2: memref<1x114x114x64xf32, #tpu.memory_space<vmem>>, %arg3: memref<4x256x3xf32, #tpu.memory_space<vmem>>, %arg4: memref<1x3xf32, #tpu.memory_space<vmem>>, %arg5: memref<1x28x112x12xf32, #tpu.memory_space<vmem>>, %arg6: memref<1x28x112x12xf32, #tpu.memory_space<vmem>>, %arg7: memref<1x1xf32, #tpu.memory_space<vmem>>) attributes {dimension_semantics = [#tpu.dimension_semantics<arbitrary>, #tpu.dimension_semantics<arbitrary>], iteration_bounds = array<i64: 8, 4>, scalar_prefetch = 0 : i64, scratch_operands = 0 : i64, tpu.core_type = #tpu.core_type<tc>, window_params = [{transform_indices = @transform_0, window_bounds = array<i64: 1, 114, 114, 64>}, {pipeline_mode = #tpu.pipeline_mode<synchronous>, transform_indices = @transform_1, window_bounds = array<i64: 4, 256, 3>}, {pipeline_mode = #tpu.pipeline_mode<synchronous>, transform_indices = @transform_2, window_bounds = array<i64: 1, 3>}, {transform_indices = @transform_3, window_bounds = array<i64: 1, 28, 112, 12>}, {transform_indices = @transform_4, window_bounds = array<i64: 1, 28, 112, 12>}, {pipeline_mode = #tpu.pipeline_mode<synchronous>, transform_indices = @transform_5, window_bounds = array<i64: 1, 1>}]} {
    %eq3A = arith.constant 0 : i32
    %eq3A_0 = arith.cmpi eq, %arg0, %eq3A : i32
    %eq3A_1 = arith.constant 0 : i32
    %eq3A_2 = arith.cmpi eq, %arg1, %eq3A_1 : i32
    %and3A = arith.andi %eq3A_0, %eq3A_2 : i1
    %convert_element_type3A = arith.extui %and3A : i1 to i32
    %cond3A = arith.constant 0 : i32
    %cond3A_3 = arith.cmpi ne, %convert_element_type3A, %cond3A : i32
    scf.if %cond3A_3 {
      %broadcast_in_dim3A = arith.constant 0.000000e+00 : f32
      %broadcast_in_dim3A_465 = vector.broadcast %broadcast_in_dim3A : f32 to vector<1x1xf32>
      %swap3A_466 = arith.constant 0 : index
      %swap3A_467 = arith.constant 0 : index
      %swap3A_468 = vector.load %arg7[%swap3A_466, %swap3A_467] : memref<1x1xf32, #tpu.memory_space<vmem>>, vector<1x1xf32>
      tpu.vector_store %arg7[%swap3A_466, %swap3A_467], %broadcast_in_dim3A_465 {strides = array<i32>} : memref<1x1xf32, #tpu.memory_space<vmem>>, vector<1x1xf32>,
    } else {
    }
    %mul3A = arith.constant 28 : i32
    %mul3A_4 = arith.muli %arg1, %mul3A : i32
    %add3A = arith.constant 0 : i32
    %add3A_5 = arith.addi %mul3A_4, %add3A : i32
    %add3A_6 = arith.constant 0 : i32
    %add3A_7 = arith.addi %add3A_5, %add3A_6 : i32
    %get3A = arith.constant 0 : index
    %get3A_8 = arith.index_cast %add3A_7 : i32 to index
    %get3A_9 = arith.constant 0 : index
    %get3A_10 = arith.constant 0 : index
    %get3A_11 = vector.load %arg2[%get3A, %get3A_8, %get3A_9, %get3A_10] : memref<1x114x114x64xf32, #tpu.memory_space<vmem>>, vector<1x28x112x64xf32>
    %get3A_12 = vector.shape_cast %get3A_11 : vector<1x28x112x64xf32> to vector<28x112x64xf32>
    %reshape3A = vector.shape_cast %get3A_12 : vector<28x112x64xf32> to vector<3136x64xf32>
    %get3A_13 = arith.constant 0 : i32
    %get3A_14 = arith.constant 0 : i32
    %get3A_15 = arith.constant 0 : i32
    %get3A_16 = tpu.memref_slice %arg3[%get3A_13, %get3A_14, %get3A_15] : memref<4x256x3xf32, #tpu.memory_space<vmem>> -> memref<1x256x3xf32, #tpu.memory_space<vmem>>
    %get3A_17 = tpu.memref_squeeze %get3A_16 : memref<1x256x3xf32, #tpu.memory_space<vmem>> -> memref<256x3xf32, #tpu.memory_space<vmem>>
    %get3A_18 = arith.constant 0 : index
    %get3A_19 = arith.constant 0 : index
    %get3A_20 = vector.load %get3A_17[%get3A_18, %get3A_19] : memref<256x3xf32, #tpu.memory_space<vmem>>, vector<64x3xf32>
    %dot_general3A = arith.constant dense<0.000000e+00> : vector<3136x3xf32>
    %dot_general3A_21 = tpu.matmul %reshape3A, %get3A_20, %dot_general3A {dimension_numbers = #tpu.dot_dimension_numbers<[1], [0], [0], [1], [0, 0, 1, 1], [], []>, transpose_lhs_hint = false} : vector<3136x64xf32>, vector<64x3xf32>, vector<3136x3xf32> -> vector<3136x3xf32>
    %add3A_22 = arith.constant 0 : i32
    %add3A_23 = arith.addi %mul3A_4, %add3A_22 : i32
    %add3A_24 = arith.constant 0 : i32
    %add3A_25 = arith.addi %add3A_23, %add3A_24 : i32
    %get3A_26 = arith.constant 0 : index
    %get3A_27 = arith.index_cast %add3A_25 : i32 to index
    %get3A_28 = arith.constant 1 : index
    %get3A_29 = arith.constant 0 : index
    %get3A_30 = vector.load %arg2[%get3A_26, %get3A_27, %get3A_28, %get3A_29] : memref<1x114x114x64xf32, #tpu.memory_space<vmem>>, vector<1x28x112x64xf32>
    %get3A_31 = vector.shape_cast %get3A_30 : vector<1x28x112x64xf32> to vector<28x112x64xf32>
    %reshape3A_32 = vector.shape_cast %get3A_31 : vector<28x112x64xf32> to vector<3136x64xf32>
    %get3A_33 = arith.constant 0 : i32
    %get3A_34 = arith.constant 0 : i32
    %get3A_35 = arith.constant 0 : i32
    %get3A_36 = tpu.memref_slice %arg3[%get3A_33, %get3A_34, %get3A_35] : memref<4x256x3xf32, #tpu.memory_space<vmem>> -> memref<1x256x3xf32, #tpu.memory_space<vmem>>
    %get3A_37 = tpu.memref_squeeze %get3A_36 : memref<1x256x3xf32, #tpu.memory_space<vmem>> -> memref<256x3xf32, #tpu.memory_space<vmem>>
    %get3A_38 = arith.constant 64 : index
    %get3A_39 = arith.constant 0 : index
    %get3A_40 = vector.load %get3A_37[%get3A_38, %get3A_39] : memref<256x3xf32, #tpu.memory_space<vmem>>, vector<64x3xf32>
    %dot_general3A_41 = arith.constant dense<0.000000e+00> : vector<3136x3xf32>
    %dot_general3A_42 = tpu.matmul %reshape3A_32, %get3A_40, %dot_general3A_41 {dimension_numbers = #tpu.dot_dimension_numbers<[1], [0], [0], [1], [0, 0, 1, 1], [], []>, transpose_lhs_hint = false} : vector<3136x64xf32>, vector<64x3xf32>, vector<3136x3xf32> -> vector<3136x3xf32>
    %add3A_43 = arith.addf %dot_general3A_21, %dot_general3A_42 : vector<3136x3xf32>
    %add3A_44 = arith.constant 1 : i32
    %add3A_45 = arith.addi %mul3A_4, %add3A_44 : i32
    %add3A_46 = arith.constant 0 : i32
    %add3A_47 = arith.addi %add3A_45, %add3A_46 : i32
    %get3A_48 = arith.constant 0 : index
    %get3A_49 = arith.index_cast %add3A_47 : i32 to index
    %get3A_50 = arith.constant 0 : index
    %get3A_51 = arith.constant 0 : index
    %get3A_52 = vector.load %arg2[%get3A_48, %get3A_49, %get3A_50, %get3A_51] : memref<1x114x114x64xf32, #tpu.memory_space<vmem>>, vector<1x28x112x64xf32>
    %get3A_53 = vector.shape_cast %get3A_52 : vector<1x28x112x64xf32> to vector<28x112x64xf32>
    %reshape3A_54 = vector.shape_cast %get3A_53 : vector<28x112x64xf32> to vector<3136x64xf32>
    %get3A_55 = arith.constant 0 : i32
    %get3A_56 = arith.constant 0 : i32
    %get3A_57 = arith.constant 0 : i32
    %get3A_58 = tpu.memref_slice %arg3[%get3A_55, %get3A_56, %get3A_57] : memref<4x256x3xf32, #tpu.memory_space<vmem>> -> memref<1x256x3xf32, #tpu.memory_space<vmem>>
    %get3A_59 = tpu.memref_squeeze %get3A_58 : memref<1x256x3xf32, #tpu.memory_space<vmem>> -> memref<256x3xf32, #tpu.memory_space<vmem>>
    %get3A_60 = arith.constant 128 : index
    %get3A_61 = arith.constant 0 : index
    %get3A_62 = vector.load %get3A_59[%get3A_60, %get3A_61] : memref<256x3xf32, #tpu.memory_space<vmem>>, vector<64x3xf32>
    %dot_general3A_63 = arith.constant dense<0.000000e+00> : vector<3136x3xf32>
    %dot_general3A_64 = tpu.matmul %reshape3A_54, %get3A_62, %dot_general3A_63 {dimension_numbers = #tpu.dot_dimension_numbers<[1], [0], [0], [1], [0, 0, 1, 1], [], []>, transpose_lhs_hint = false} : vector<3136x64xf32>, vector<64x3xf32>, vector<3136x3xf32> -> vector<3136x3xf32>
    %add3A_65 = arith.addf %add3A_43, %dot_general3A_64 : vector<3136x3xf32>
    %add3A_66 = arith.constant 1 : i32
    %add3A_67 = arith.addi %mul3A_4, %add3A_66 : i32
    %add3A_68 = arith.constant 0 : i32
    %add3A_69 = arith.addi %add3A_67, %add3A_68 : i32
    %get3A_70 = arith.constant 0 : index
    %get3A_71 = arith.index_cast %add3A_69 : i32 to index
    %get3A_72 = arith.constant 1 : index
    %get3A_73 = arith.constant 0 : index
    %get3A_74 = vector.load %arg2[%get3A_70, %get3A_71, %get3A_72, %get3A_73] : memref<1x114x114x64xf32, #tpu.memory_space<vmem>>, vector<1x28x112x64xf32>
    %get3A_75 = vector.shape_cast %get3A_74 : vector<1x28x112x64xf32> to vector<28x112x64xf32>
    %reshape3A_76 = vector.shape_cast %get3A_75 : vector<28x112x64xf32> to vector<3136x64xf32>
    %get3A_77 = arith.constant 0 : i32
    %get3A_78 = arith.constant 0 : i32
    %get3A_79 = arith.constant 0 : i32
    %get3A_80 = tpu.memref_slice %arg3[%get3A_77, %get3A_78, %get3A_79] : memref<4x256x3xf32, #tpu.memory_space<vmem>> -> memref<1x256x3xf32, #tpu.memory_space<vmem>>
    %get3A_81 = tpu.memref_squeeze %get3A_80 : memref<1x256x3xf32, #tpu.memory_space<vmem>> -> memref<256x3xf32, #tpu.memory_space<vmem>>
    %get3A_82 = arith.constant 192 : index
    %get3A_83 = arith.constant 0 : index
    %get3A_84 = vector.load %get3A_81[%get3A_82, %get3A_83] : memref<256x3xf32, #tpu.memory_space<vmem>>, vector<64x3xf32>
    %dot_general3A_85 = arith.constant dense<0.000000e+00> : vector<3136x3xf32>
    %dot_general3A_86 = tpu.matmul %reshape3A_76, %get3A_84, %dot_general3A_85 {dimension_numbers = #tpu.dot_dimension_numbers<[1], [0], [0], [1], [0, 0, 1, 1], [], []>, transpose_lhs_hint = false} : vector<3136x64xf32>, vector<64x3xf32>, vector<3136x3xf32> -> vector<3136x3xf32>
    %add3A_87 = arith.addf %add3A_65, %dot_general3A_86 : vector<3136x3xf32>
    %get3A_88 = arith.constant 0 : index
    %get3A_89 = arith.constant 0 : index
    %get3A_90 = vector.load %arg4[%get3A_88, %get3A_89] : memref<1x3xf32, #tpu.memory_space<vmem>>, vector<1x3xf32>
    %add3A_91 = vector.broadcast %get3A_90 : vector<1x3xf32> to vector<3136x3xf32>
    %add3A_92 = arith.addf %add3A_87, %add3A_91 : vector<3136x3xf32>
    %reshape3A_93 = vector.shape_cast %add3A_92 : vector<3136x3xf32> to vector<28x112x3xf32>
    %swap3A = arith.constant 0 : index
    %swap3A_94 = arith.constant 0 : index
    %swap3A_95 = arith.constant 0 : index
    %swap3A_96 = arith.constant 0 : index
    %swap3A_97 = vector.load %arg6[%swap3A, %swap3A_94, %swap3A_95, %swap3A_96] : memref<1x28x112x12xf32, #tpu.memory_space<vmem>>, vector<1x28x112x3xf32>
    %swap3A_98 = vector.shape_cast %swap3A_97 : vector<1x28x112x3xf32> to vector<28x112x3xf32>
    %swap3A_99 = vector.shape_cast %reshape3A_93 : vector<28x112x3xf32> to vector<1x28x112x3xf32>
    tpu.vector_store %arg6[%swap3A, %swap3A_94, %swap3A_95, %swap3A_96], %swap3A_99 {strides = array<i32>} : memref<1x28x112x12xf32, #tpu.memory_space<vmem>>, vector<1x28x112x3xf32>,
    %get3A_100 = arith.constant 0 : index
    %get3A_101 = arith.constant 0 : index
    %get3A_102 = arith.constant 0 : index
    %get3A_103 = arith.constant 0 : index
    %get3A_104 = vector.load %arg5[%get3A_100, %get3A_101, %get3A_102, %get3A_103] : memref<1x28x112x12xf32, #tpu.memory_space<vmem>>, vector<1x28x112x3xf32>
    %get3A_105 = vector.shape_cast %get3A_104 : vector<1x28x112x3xf32> to vector<28x112x3xf32>
    %reshape3A_106 = vector.shape_cast %get3A_105 : vector<28x112x3xf32> to vector<3136x3xf32>
    %sub3A = arith.subf %add3A_92, %reshape3A_106 : vector<3136x3xf32>
    %mul3A_107 = arith.mulf %sub3A, %sub3A : vector<3136x3xf32>
    %reduce_sum3A = vector.shape_cast %mul3A_107 : vector<3136x3xf32> to vector<1x3136x3xf32>
    %reduce_sum3A_108 = arith.constant dense<0.000000e+00> : vector<1xf32>
    %reduce_sum3A_109 = vector.multi_reduction <add>, %reduce_sum3A, %reduce_sum3A_108 [1, 2] : vector<1x3136x3xf32> to vector<1xf32>
    %reduce_sum3A_110 = vector.shape_cast %reduce_sum3A_109 : vector<1xf32> to vector<1x1x1xf32>
    %reduce_sum3A_111 = vector.extract %reduce_sum3A_110[0, 0, 0] : f32 from vector<1x1x1xf32>
    %add3A_112 = arith.constant 0 : i32
    %add3A_113 = arith.addi %mul3A_4, %add3A_112 : i32
    %add3A_114 = arith.constant 0 : i32
    %add3A_115 = arith.addi %add3A_113, %add3A_114 : i32
    %get3A_116 = arith.constant 0 : index
    %get3A_117 = arith.index_cast %add3A_115 : i32 to index
    %get3A_118 = arith.constant 1 : index
    %get3A_119 = arith.constant 0 : index
    %get3A_120 = vector.load %arg2[%get3A_116, %get3A_117, %get3A_118, %get3A_119] : memref<1x114x114x64xf32, #tpu.memory_space<vmem>>, vector<1x28x112x64xf32>
    %get3A_121 = vector.shape_cast %get3A_120 : vector<1x28x112x64xf32> to vector<28x112x64xf32>
    %reshape3A_122 = vector.shape_cast %get3A_121 : vector<28x112x64xf32> to vector<3136x64xf32>
    %get3A_123 = arith.constant 1 : i32
    %get3A_124 = arith.constant 0 : i32
    %get3A_125 = arith.constant 0 : i32
    %get3A_126 = tpu.memref_slice %arg3[%get3A_123, %get3A_124, %get3A_125] : memref<4x256x3xf32, #tpu.memory_space<vmem>> -> memref<1x256x3xf32, #tpu.memory_space<vmem>>
    %get3A_127 = tpu.memref_squeeze %get3A_126 : memref<1x256x3xf32, #tpu.memory_space<vmem>> -> memref<256x3xf32, #tpu.memory_space<vmem>>
    %get3A_128 = arith.constant 0 : index
    %get3A_129 = arith.constant 0 : index
    %get3A_130 = vector.load %get3A_127[%get3A_128, %get3A_129] : memref<256x3xf32, #tpu.memory_space<vmem>>, vector<64x3xf32>
    %dot_general3A_131 = arith.constant dense<0.000000e+00> : vector<3136x3xf32>
    %dot_general3A_132 = tpu.matmul %reshape3A_122, %get3A_130, %dot_general3A_131 {dimension_numbers = #tpu.dot_dimension_numbers<[1], [0], [0], [1], [0, 0, 1, 1], [], []>, transpose_lhs_hint = false} : vector<3136x64xf32>, vector<64x3xf32>, vector<3136x3xf32> -> vector<3136x3xf32>
    %add3A_133 = arith.constant 0 : i32
    %add3A_134 = arith.addi %mul3A_4, %add3A_133 : i32
    %add3A_135 = arith.constant 0 : i32
    %add3A_136 = arith.addi %add3A_134, %add3A_135 : i32
    %get3A_137 = arith.constant 0 : index
    %get3A_138 = arith.index_cast %add3A_136 : i32 to index
    %get3A_139 = arith.constant 2 : index
    %get3A_140 = arith.constant 0 : index
    %get3A_141 = vector.load %arg2[%get3A_137, %get3A_138, %get3A_139, %get3A_140] : memref<1x114x114x64xf32, #tpu.memory_space<vmem>>, vector<1x28x112x64xf32>
    %get3A_142 = vector.shape_cast %get3A_141 : vector<1x28x112x64xf32> to vector<28x112x64xf32>
    %reshape3A_143 = vector.shape_cast %get3A_142 : vector<28x112x64xf32> to vector<3136x64xf32>
    %get3A_144 = arith.constant 1 : i32
    %get3A_145 = arith.constant 0 : i32
    %get3A_146 = arith.constant 0 : i32
    %get3A_147 = tpu.memref_slice %arg3[%get3A_144, %get3A_145, %get3A_146] : memref<4x256x3xf32, #tpu.memory_space<vmem>> -> memref<1x256x3xf32, #tpu.memory_space<vmem>>
    %get3A_148 = tpu.memref_squeeze %get3A_147 : memref<1x256x3xf32, #tpu.memory_space<vmem>> -> memref<256x3xf32, #tpu.memory_space<vmem>>
    %get3A_149 = arith.constant 64 : index
    %get3A_150 = arith.constant 0 : index
    %get3A_151 = vector.load %get3A_148[%get3A_149, %get3A_150] : memref<256x3xf32, #tpu.memory_space<vmem>>, vector<64x3xf32>
    %dot_general3A_152 = arith.constant dense<0.000000e+00> : vector<3136x3xf32>
    %dot_general3A_153 = tpu.matmul %reshape3A_143, %get3A_151, %dot_general3A_152 {dimension_numbers = #tpu.dot_dimension_numbers<[1], [0], [0], [1], [0, 0, 1, 1], [], []>, transpose_lhs_hint = false} : vector<3136x64xf32>, vector<64x3xf32>, vector<3136x3xf32> -> vector<3136x3xf32>
    %add3A_154 = arith.addf %dot_general3A_132, %dot_general3A_153 : vector<3136x3xf32>
    %add3A_155 = arith.constant 1 : i32
    %add3A_156 = arith.addi %mul3A_4, %add3A_155 : i32
    %add3A_157 = arith.constant 0 : i32
    %add3A_158 = arith.addi %add3A_156, %add3A_157 : i32
    %get3A_159 = arith.constant 0 : index
    %get3A_160 = arith.index_cast %add3A_158 : i32 to index
    %get3A_161 = arith.constant 1 : index
    %get3A_162 = arith.constant 0 : index
    %get3A_163 = vector.load %arg2[%get3A_159, %get3A_160, %get3A_161, %get3A_162] : memref<1x114x114x64xf32, #tpu.memory_space<vmem>>, vector<1x28x112x64xf32>
    %get3A_164 = vector.shape_cast %get3A_163 : vector<1x28x112x64xf32> to vector<28x112x64xf32>
    %reshape3A_165 = vector.shape_cast %get3A_164 : vector<28x112x64xf32> to vector<3136x64xf32>
    %get3A_166 = arith.constant 1 : i32
    %get3A_167 = arith.constant 0 : i32
    %get3A_168 = arith.constant 0 : i32
    %get3A_169 = tpu.memref_slice %arg3[%get3A_166, %get3A_167, %get3A_168] : memref<4x256x3xf32, #tpu.memory_space<vmem>> -> memref<1x256x3xf32, #tpu.memory_space<vmem>>
    %get3A_170 = tpu.memref_squeeze %get3A_169 : memref<1x256x3xf32, #tpu.memory_space<vmem>> -> memref<256x3xf32, #tpu.memory_space<vmem>>
    %get3A_171 = arith.constant 128 : index
    %get3A_172 = arith.constant 0 : index
    %get3A_173 = vector.load %get3A_170[%get3A_171, %get3A_172] : memref<256x3xf32, #tpu.memory_space<vmem>>, vector<64x3xf32>
    %dot_general3A_174 = arith.constant dense<0.000000e+00> : vector<3136x3xf32>
    %dot_general3A_175 = tpu.matmul %reshape3A_165, %get3A_173, %dot_general3A_174 {dimension_numbers = #tpu.dot_dimension_numbers<[1], [0], [0], [1], [0, 0, 1, 1], [], []>, transpose_lhs_hint = false} : vector<3136x64xf32>, vector<64x3xf32>, vector<3136x3xf32> -> vector<3136x3xf32>
    %add3A_176 = arith.addf %add3A_154, %dot_general3A_175 : vector<3136x3xf32>
    %add3A_177 = arith.constant 1 : i32
    %add3A_178 = arith.addi %mul3A_4, %add3A_177 : i32
    %add3A_179 = arith.constant 0 : i32
    %add3A_180 = arith.addi %add3A_178, %add3A_179 : i32
    %get3A_181 = arith.constant 0 : index
    %get3A_182 = arith.index_cast %add3A_180 : i32 to index
    %get3A_183 = arith.constant 2 : index
    %get3A_184 = arith.constant 0 : index
    %get3A_185 = vector.load %arg2[%get3A_181, %get3A_182, %get3A_183, %get3A_184] : memref<1x114x114x64xf32, #tpu.memory_space<vmem>>, vector<1x28x112x64xf32>
    %get3A_186 = vector.shape_cast %get3A_185 : vector<1x28x112x64xf32> to vector<28x112x64xf32>
    %reshape3A_187 = vector.shape_cast %get3A_186 : vector<28x112x64xf32> to vector<3136x64xf32>
    %get3A_188 = arith.constant 1 : i32
    %get3A_189 = arith.constant 0 : i32
    %get3A_190 = arith.constant 0 : i32
    %get3A_191 = tpu.memref_slice %arg3[%get3A_188, %get3A_189, %get3A_190] : memref<4x256x3xf32, #tpu.memory_space<vmem>> -> memref<1x256x3xf32, #tpu.memory_space<vmem>>
    %get3A_192 = tpu.memref_squeeze %get3A_191 : memref<1x256x3xf32, #tpu.memory_space<vmem>> -> memref<256x3xf32, #tpu.memory_space<vmem>>
    %get3A_193 = arith.constant 192 : index
    %get3A_194 = arith.constant 0 : index
    %get3A_195 = vector.load %get3A_192[%get3A_193, %get3A_194] : memref<256x3xf32, #tpu.memory_space<vmem>>, vector<64x3xf32>
    %dot_general3A_196 = arith.constant dense<0.000000e+00> : vector<3136x3xf32>
    %dot_general3A_197 = tpu.matmul %reshape3A_187, %get3A_195, %dot_general3A_196 {dimension_numbers = #tpu.dot_dimension_numbers<[1], [0], [0], [1], [0, 0, 1, 1], [], []>, transpose_lhs_hint = false} : vector<3136x64xf32>, vector<64x3xf32>, vector<3136x3xf32> -> vector<3136x3xf32>
    %add3A_198 = arith.addf %add3A_176, %dot_general3A_197 : vector<3136x3xf32>
    %get3A_199 = arith.constant 0 : index
    %get3A_200 = arith.constant 0 : index
    %get3A_201 = vector.load %arg4[%get3A_199, %get3A_200] : memref<1x3xf32, #tpu.memory_space<vmem>>, vector<1x3xf32>
    %add3A_202 = vector.broadcast %get3A_201 : vector<1x3xf32> to vector<3136x3xf32>
    %add3A_203 = arith.addf %add3A_198, %add3A_202 : vector<3136x3xf32>
    %reshape3A_204 = vector.shape_cast %add3A_203 : vector<3136x3xf32> to vector<28x112x3xf32>
    %swap3A_205 = arith.constant 0 : index
    %swap3A_206 = arith.constant 0 : index
    %swap3A_207 = arith.constant 0 : index
    %swap3A_208 = arith.constant 3 : index
    %swap3A_209 = vector.load %arg6[%swap3A_205, %swap3A_206, %swap3A_207, %swap3A_208] : memref<1x28x112x12xf32, #tpu.memory_space<vmem>>, vector<1x28x112x3xf32>
    %swap3A_210 = vector.shape_cast %swap3A_209 : vector<1x28x112x3xf32> to vector<28x112x3xf32>
    %swap3A_211 = vector.shape_cast %reshape3A_204 : vector<28x112x3xf32> to vector<1x28x112x3xf32>
    tpu.vector_store %arg6[%swap3A_205, %swap3A_206, %swap3A_207, %swap3A_208], %swap3A_211 {strides = array<i32>} : memref<1x28x112x12xf32, #tpu.memory_space<vmem>>, vector<1x28x112x3xf32>,
    %get3A_212 = arith.constant 0 : index
    %get3A_213 = arith.constant 0 : index
    %get3A_214 = arith.constant 0 : index
    %get3A_215 = arith.constant 3 : index
    %get3A_216 = vector.load %arg5[%get3A_212, %get3A_213, %get3A_214, %get3A_215] : memref<1x28x112x12xf32, #tpu.memory_space<vmem>>, vector<1x28x112x3xf32>
    %get3A_217 = vector.shape_cast %get3A_216 : vector<1x28x112x3xf32> to vector<28x112x3xf32>
    %reshape3A_218 = vector.shape_cast %get3A_217 : vector<28x112x3xf32> to vector<3136x3xf32>
    %sub3A_219 = arith.subf %add3A_203, %reshape3A_218 : vector<3136x3xf32>
    %mul3A_220 = arith.mulf %sub3A_219, %sub3A_219 : vector<3136x3xf32>
    %reduce_sum3A_221 = vector.shape_cast %mul3A_220 : vector<3136x3xf32> to vector<1x3136x3xf32>
    %reduce_sum3A_222 = arith.constant dense<0.000000e+00> : vector<1xf32>
    %reduce_sum3A_223 = vector.multi_reduction <add>, %reduce_sum3A_221, %reduce_sum3A_222 [1, 2] : vector<1x3136x3xf32> to vector<1xf32>
    %reduce_sum3A_224 = vector.shape_cast %reduce_sum3A_223 : vector<1xf32> to vector<1x1x1xf32>
    %reduce_sum3A_225 = vector.extract %reduce_sum3A_224[0, 0, 0] : f32 from vector<1x1x1xf32>
    %add3A_226 = arith.addf %reduce_sum3A_111, %reduce_sum3A_225 : f32
    %add3A_227 = arith.constant 0 : i32
    %add3A_228 = arith.addi %mul3A_4, %add3A_227 : i32
    %add3A_229 = arith.constant 1 : i32
    %add3A_230 = arith.addi %add3A_228, %add3A_229 : i32
    %get3A_231 = arith.constant 0 : index
    %get3A_232 = arith.index_cast %add3A_230 : i32 to index
    %get3A_233 = arith.constant 0 : index
    %get3A_234 = arith.constant 0 : index
    %get3A_235 = vector.load %arg2[%get3A_231, %get3A_232, %get3A_233, %get3A_234] : memref<1x114x114x64xf32, #tpu.memory_space<vmem>>, vector<1x28x112x64xf32>
    %get3A_236 = vector.shape_cast %get3A_235 : vector<1x28x112x64xf32> to vector<28x112x64xf32>
    %reshape3A_237 = vector.shape_cast %get3A_236 : vector<28x112x64xf32> to vector<3136x64xf32>
    %get3A_238 = arith.constant 2 : i32
    %get3A_239 = arith.constant 0 : i32
    %get3A_240 = arith.constant 0 : i32
    %get3A_241 = tpu.memref_slice %arg3[%get3A_238, %get3A_239, %get3A_240] : memref<4x256x3xf32, #tpu.memory_space<vmem>> -> memref<1x256x3xf32, #tpu.memory_space<vmem>>
    %get3A_242 = tpu.memref_squeeze %get3A_241 : memref<1x256x3xf32, #tpu.memory_space<vmem>> -> memref<256x3xf32, #tpu.memory_space<vmem>>
    %get3A_243 = arith.constant 0 : index
    %get3A_244 = arith.constant 0 : index
    %get3A_245 = vector.load %get3A_242[%get3A_243, %get3A_244] : memref<256x3xf32, #tpu.memory_space<vmem>>, vector<64x3xf32>
    %dot_general3A_246 = arith.constant dense<0.000000e+00> : vector<3136x3xf32>
    %dot_general3A_247 = tpu.matmul %reshape3A_237, %get3A_245, %dot_general3A_246 {dimension_numbers = #tpu.dot_dimension_numbers<[1], [0], [0], [1], [0, 0, 1, 1], [], []>, transpose_lhs_hint = false} : vector<3136x64xf32>, vector<64x3xf32>, vector<3136x3xf32> -> vector<3136x3xf32>
    %add3A_248 = arith.constant 0 : i32
    %add3A_249 = arith.addi %mul3A_4, %add3A_248 : i32
    %add3A_250 = arith.constant 1 : i32
    %add3A_251 = arith.addi %add3A_249, %add3A_250 : i32
    %get3A_252 = arith.constant 0 : index
    %get3A_253 = arith.index_cast %add3A_251 : i32 to index
    %get3A_254 = arith.constant 1 : index
    %get3A_255 = arith.constant 0 : index
    %get3A_256 = vector.load %arg2[%get3A_252, %get3A_253, %get3A_254, %get3A_255] : memref<1x114x114x64xf32, #tpu.memory_space<vmem>>, vector<1x28x112x64xf32>
    %get3A_257 = vector.shape_cast %get3A_256 : vector<1x28x112x64xf32> to vector<28x112x64xf32>
    %reshape3A_258 = vector.shape_cast %get3A_257 : vector<28x112x64xf32> to vector<3136x64xf32>
    %get3A_259 = arith.constant 2 : i32
    %get3A_260 = arith.constant 0 : i32
    %get3A_261 = arith.constant 0 : i32
    %get3A_262 = tpu.memref_slice %arg3[%get3A_259, %get3A_260, %get3A_261] : memref<4x256x3xf32, #tpu.memory_space<vmem>> -> memref<1x256x3xf32, #tpu.memory_space<vmem>>
    %get3A_263 = tpu.memref_squeeze %get3A_262 : memref<1x256x3xf32, #tpu.memory_space<vmem>> -> memref<256x3xf32, #tpu.memory_space<vmem>>
    %get3A_264 = arith.constant 64 : index
    %get3A_265 = arith.constant 0 : index
    %get3A_266 = vector.load %get3A_263[%get3A_264, %get3A_265] : memref<256x3xf32, #tpu.memory_space<vmem>>, vector<64x3xf32>
    %dot_general3A_267 = arith.constant dense<0.000000e+00> : vector<3136x3xf32>
    %dot_general3A_268 = tpu.matmul %reshape3A_258, %get3A_266, %dot_general3A_267 {dimension_numbers = #tpu.dot_dimension_numbers<[1], [0], [0], [1], [0, 0, 1, 1], [], []>, transpose_lhs_hint = false} : vector<3136x64xf32>, vector<64x3xf32>, vector<3136x3xf32> -> vector<3136x3xf32>
    %add3A_269 = arith.addf %dot_general3A_247, %dot_general3A_268 : vector<3136x3xf32>
    %add3A_270 = arith.constant 1 : i32
    %add3A_271 = arith.addi %mul3A_4, %add3A_270 : i32
    %add3A_272 = arith.constant 1 : i32
    %add3A_273 = arith.addi %add3A_271, %add3A_272 : i32
    %get3A_274 = arith.constant 0 : index
    %get3A_275 = arith.index_cast %add3A_273 : i32 to index
    %get3A_276 = arith.constant 0 : index
    %get3A_277 = arith.constant 0 : index
    %get3A_278 = vector.load %arg2[%get3A_274, %get3A_275, %get3A_276, %get3A_277] : memref<1x114x114x64xf32, #tpu.memory_space<vmem>>, vector<1x28x112x64xf32>
    %get3A_279 = vector.shape_cast %get3A_278 : vector<1x28x112x64xf32> to vector<28x112x64xf32>
    %reshape3A_280 = vector.shape_cast %get3A_279 : vector<28x112x64xf32> to vector<3136x64xf32>
    %get3A_281 = arith.constant 2 : i32
    %get3A_282 = arith.constant 0 : i32
    %get3A_283 = arith.constant 0 : i32
    %get3A_284 = tpu.memref_slice %arg3[%get3A_281, %get3A_282, %get3A_283] : memref<4x256x3xf32, #tpu.memory_space<vmem>> -> memref<1x256x3xf32, #tpu.memory_space<vmem>>
    %get3A_285 = tpu.memref_squeeze %get3A_284 : memref<1x256x3xf32, #tpu.memory_space<vmem>> -> memref<256x3xf32, #tpu.memory_space<vmem>>
    %get3A_286 = arith.constant 128 : index
    %get3A_287 = arith.constant 0 : index
    %get3A_288 = vector.load %get3A_285[%get3A_286, %get3A_287] : memref<256x3xf32, #tpu.memory_space<vmem>>, vector<64x3xf32>
    %dot_general3A_289 = arith.constant dense<0.000000e+00> : vector<3136x3xf32>
    %dot_general3A_290 = tpu.matmul %reshape3A_280, %get3A_288, %dot_general3A_289 {dimension_numbers = #tpu.dot_dimension_numbers<[1], [0], [0], [1], [0, 0, 1, 1], [], []>, transpose_lhs_hint = false} : vector<3136x64xf32>, vector<64x3xf32>, vector<3136x3xf32> -> vector<3136x3xf32>
    %add3A_291 = arith.addf %add3A_269, %dot_general3A_290 : vector<3136x3xf32>
    %add3A_292 = arith.constant 1 : i32
    %add3A_293 = arith.addi %mul3A_4, %add3A_292 : i32
    %add3A_294 = arith.constant 1 : i32
    %add3A_295 = arith.addi %add3A_293, %add3A_294 : i32
    %get3A_296 = arith.constant 0 : index
    %get3A_297 = arith.index_cast %add3A_295 : i32 to index
    %get3A_298 = arith.constant 1 : index
    %get3A_299 = arith.constant 0 : index
    %get3A_300 = vector.load %arg2[%get3A_296, %get3A_297, %get3A_298, %get3A_299] : memref<1x114x114x64xf32, #tpu.memory_space<vmem>>, vector<1x28x112x64xf32>
    %get3A_301 = vector.shape_cast %get3A_300 : vector<1x28x112x64xf32> to vector<28x112x64xf32>
    %reshape3A_302 = vector.shape_cast %get3A_301 : vector<28x112x64xf32> to vector<3136x64xf32>
    %get3A_303 = arith.constant 2 : i32
    %get3A_304 = arith.constant 0 : i32
    %get3A_305 = arith.constant 0 : i32
    %get3A_306 = tpu.memref_slice %arg3[%get3A_303, %get3A_304, %get3A_305] : memref<4x256x3xf32, #tpu.memory_space<vmem>> -> memref<1x256x3xf32, #tpu.memory_space<vmem>>
    %get3A_307 = tpu.memref_squeeze %get3A_306 : memref<1x256x3xf32, #tpu.memory_space<vmem>> -> memref<256x3xf32, #tpu.memory_space<vmem>>
    %get3A_308 = arith.constant 192 : index
    %get3A_309 = arith.constant 0 : index
    %get3A_310 = vector.load %get3A_307[%get3A_308, %get3A_309] : memref<256x3xf32, #tpu.memory_space<vmem>>, vector<64x3xf32>
    %dot_general3A_311 = arith.constant dense<0.000000e+00> : vector<3136x3xf32>
    %dot_general3A_312 = tpu.matmul %reshape3A_302, %get3A_310, %dot_general3A_311 {dimension_numbers = #tpu.dot_dimension_numbers<[1], [0], [0], [1], [0, 0, 1, 1], [], []>, transpose_lhs_hint = false} : vector<3136x64xf32>, vector<64x3xf32>, vector<3136x3xf32> -> vector<3136x3xf32>
    %add3A_313 = arith.addf %add3A_291, %dot_general3A_312 : vector<3136x3xf32>
    %get3A_314 = arith.constant 0 : index
    %get3A_315 = arith.constant 0 : index
    %get3A_316 = vector.load %arg4[%get3A_314, %get3A_315] : memref<1x3xf32, #tpu.memory_space<vmem>>, vector<1x3xf32>
    %add3A_317 = vector.broadcast %get3A_316 : vector<1x3xf32> to vector<3136x3xf32>
    %add3A_318 = arith.addf %add3A_313, %add3A_317 : vector<3136x3xf32>
    %reshape3A_319 = vector.shape_cast %add3A_318 : vector<3136x3xf32> to vector<28x112x3xf32>
    %swap3A_320 = arith.constant 0 : index
    %swap3A_321 = arith.constant 0 : index
    %swap3A_322 = arith.constant 0 : index
    %swap3A_323 = arith.constant 6 : index
    %swap3A_324 = vector.load %arg6[%swap3A_320, %swap3A_321, %swap3A_322, %swap3A_323] : memref<1x28x112x12xf32, #tpu.memory_space<vmem>>, vector<1x28x112x3xf32>
    %swap3A_325 = vector.shape_cast %swap3A_324 : vector<1x28x112x3xf32> to vector<28x112x3xf32>
    %swap3A_326 = vector.shape_cast %reshape3A_319 : vector<28x112x3xf32> to vector<1x28x112x3xf32>
    tpu.vector_store %arg6[%swap3A_320, %swap3A_321, %swap3A_322, %swap3A_323], %swap3A_326 {strides = array<i32>} : memref<1x28x112x12xf32, #tpu.memory_space<vmem>>, vector<1x28x112x3xf32>,
    %get3A_327 = arith.constant 0 : index
    %get3A_328 = arith.constant 0 : index
    %get3A_329 = arith.constant 0 : index
    %get3A_330 = arith.constant 6 : index
    %get3A_331 = vector.load %arg5[%get3A_327, %get3A_328, %get3A_329, %get3A_330] : memref<1x28x112x12xf32, #tpu.memory_space<vmem>>, vector<1x28x112x3xf32>
    %get3A_332 = vector.shape_cast %get3A_331 : vector<1x28x112x3xf32> to vector<28x112x3xf32>
    %reshape3A_333 = vector.shape_cast %get3A_332 : vector<28x112x3xf32> to vector<3136x3xf32>
    %sub3A_334 = arith.subf %add3A_318, %reshape3A_333 : vector<3136x3xf32>
    %mul3A_335 = arith.mulf %sub3A_334, %sub3A_334 : vector<3136x3xf32>
    %reduce_sum3A_336 = vector.shape_cast %mul3A_335 : vector<3136x3xf32> to vector<1x3136x3xf32>
    %reduce_sum3A_337 = arith.constant dense<0.000000e+00> : vector<1xf32>
    %reduce_sum3A_338 = vector.multi_reduction <add>, %reduce_sum3A_336, %reduce_sum3A_337 [1, 2] : vector<1x3136x3xf32> to vector<1xf32>
    %reduce_sum3A_339 = vector.shape_cast %reduce_sum3A_338 : vector<1xf32> to vector<1x1x1xf32>
    %reduce_sum3A_340 = vector.extract %reduce_sum3A_339[0, 0, 0] : f32 from vector<1x1x1xf32>
    %add3A_341 = arith.addf %add3A_226, %reduce_sum3A_340 : f32
    %add3A_342 = arith.constant 0 : i32
    %add3A_343 = arith.addi %mul3A_4, %add3A_342 : i32
    %add3A_344 = arith.constant 1 : i32
    %add3A_345 = arith.addi %add3A_343, %add3A_344 : i32
    %get3A_346 = arith.constant 0 : index
    %get3A_347 = arith.index_cast %add3A_345 : i32 to index
    %get3A_348 = arith.constant 1 : index
    %get3A_349 = arith.constant 0 : index
    %get3A_350 = vector.load %arg2[%get3A_346, %get3A_347, %get3A_348, %get3A_349] : memref<1x114x114x64xf32, #tpu.memory_space<vmem>>, vector<1x28x112x64xf32>
    %get3A_351 = vector.shape_cast %get3A_350 : vector<1x28x112x64xf32> to vector<28x112x64xf32>
    %reshape3A_352 = vector.shape_cast %get3A_351 : vector<28x112x64xf32> to vector<3136x64xf32>
    %get3A_353 = arith.constant 3 : i32
    %get3A_354 = arith.constant 0 : i32
    %get3A_355 = arith.constant 0 : i32
    %get3A_356 = tpu.memref_slice %arg3[%get3A_353, %get3A_354, %get3A_355] : memref<4x256x3xf32, #tpu.memory_space<vmem>> -> memref<1x256x3xf32, #tpu.memory_space<vmem>>
    %get3A_357 = tpu.memref_squeeze %get3A_356 : memref<1x256x3xf32, #tpu.memory_space<vmem>> -> memref<256x3xf32, #tpu.memory_space<vmem>>
    %get3A_358 = arith.constant 0 : index
    %get3A_359 = arith.constant 0 : index
    %get3A_360 = vector.load %get3A_357[%get3A_358, %get3A_359] : memref<256x3xf32, #tpu.memory_space<vmem>>, vector<64x3xf32>
    %dot_general3A_361 = arith.constant dense<0.000000e+00> : vector<3136x3xf32>
    %dot_general3A_362 = tpu.matmul %reshape3A_352, %get3A_360, %dot_general3A_361 {dimension_numbers = #tpu.dot_dimension_numbers<[1], [0], [0], [1], [0, 0, 1, 1], [], []>, transpose_lhs_hint = false} : vector<3136x64xf32>, vector<64x3xf32>, vector<3136x3xf32> -> vector<3136x3xf32>
    %add3A_363 = arith.constant 0 : i32
    %add3A_364 = arith.addi %mul3A_4, %add3A_363 : i32
    %add3A_365 = arith.constant 1 : i32
    %add3A_366 = arith.addi %add3A_364, %add3A_365 : i32
    %get3A_367 = arith.constant 0 : index
    %get3A_368 = arith.index_cast %add3A_366 : i32 to index
    %get3A_369 = arith.constant 2 : index
    %get3A_370 = arith.constant 0 : index
    %get3A_371 = vector.load %arg2[%get3A_367, %get3A_368, %get3A_369, %get3A_370] : memref<1x114x114x64xf32, #tpu.memory_space<vmem>>, vector<1x28x112x64xf32>
    %get3A_372 = vector.shape_cast %get3A_371 : vector<1x28x112x64xf32> to vector<28x112x64xf32>
    %reshape3A_373 = vector.shape_cast %get3A_372 : vector<28x112x64xf32> to vector<3136x64xf32>
    %get3A_374 = arith.constant 3 : i32
    %get3A_375 = arith.constant 0 : i32
    %get3A_376 = arith.constant 0 : i32
    %get3A_377 = tpu.memref_slice %arg3[%get3A_374, %get3A_375, %get3A_376] : memref<4x256x3xf32, #tpu.memory_space<vmem>> -> memref<1x256x3xf32, #tpu.memory_space<vmem>>
    %get3A_378 = tpu.memref_squeeze %get3A_377 : memref<1x256x3xf32, #tpu.memory_space<vmem>> -> memref<256x3xf32, #tpu.memory_space<vmem>>
    %get3A_379 = arith.constant 64 : index
    %get3A_380 = arith.constant 0 : index
    %get3A_381 = vector.load %get3A_378[%get3A_379, %get3A_380] : memref<256x3xf32, #tpu.memory_space<vmem>>, vector<64x3xf32>
    %dot_general3A_382 = arith.constant dense<0.000000e+00> : vector<3136x3xf32>
    %dot_general3A_383 = tpu.matmul %reshape3A_373, %get3A_381, %dot_general3A_382 {dimension_numbers = #tpu.dot_dimension_numbers<[1], [0], [0], [1], [0, 0, 1, 1], [], []>, transpose_lhs_hint = false} : vector<3136x64xf32>, vector<64x3xf32>, vector<3136x3xf32> -> vector<3136x3xf32>
    %add3A_384 = arith.addf %dot_general3A_362, %dot_general3A_383 : vector<3136x3xf32>
    %add3A_385 = arith.constant 1 : i32
    %add3A_386 = arith.addi %mul3A_4, %add3A_385 : i32
    %add3A_387 = arith.constant 1 : i32
    %add3A_388 = arith.addi %add3A_386, %add3A_387 : i32
    %get3A_389 = arith.constant 0 : index
    %get3A_390 = arith.index_cast %add3A_388 : i32 to index
    %get3A_391 = arith.constant 1 : index
    %get3A_392 = arith.constant 0 : index
    %get3A_393 = vector.load %arg2[%get3A_389, %get3A_390, %get3A_391, %get3A_392] : memref<1x114x114x64xf32, #tpu.memory_space<vmem>>, vector<1x28x112x64xf32>
    %get3A_394 = vector.shape_cast %get3A_393 : vector<1x28x112x64xf32> to vector<28x112x64xf32>
    %reshape3A_395 = vector.shape_cast %get3A_394 : vector<28x112x64xf32> to vector<3136x64xf32>
    %get3A_396 = arith.constant 3 : i32
    %get3A_397 = arith.constant 0 : i32
    %get3A_398 = arith.constant 0 : i32
    %get3A_399 = tpu.memref_slice %arg3[%get3A_396, %get3A_397, %get3A_398] : memref<4x256x3xf32, #tpu.memory_space<vmem>> -> memref<1x256x3xf32, #tpu.memory_space<vmem>>
    %get3A_400 = tpu.memref_squeeze %get3A_399 : memref<1x256x3xf32, #tpu.memory_space<vmem>> -> memref<256x3xf32, #tpu.memory_space<vmem>>
    %get3A_401 = arith.constant 128 : index
    %get3A_402 = arith.constant 0 : index
    %get3A_403 = vector.load %get3A_400[%get3A_401, %get3A_402] : memref<256x3xf32, #tpu.memory_space<vmem>>, vector<64x3xf32>
    %dot_general3A_404 = arith.constant dense<0.000000e+00> : vector<3136x3xf32>
    %dot_general3A_405 = tpu.matmul %reshape3A_395, %get3A_403, %dot_general3A_404 {dimension_numbers = #tpu.dot_dimension_numbers<[1], [0], [0], [1], [0, 0, 1, 1], [], []>, transpose_lhs_hint = false} : vector<3136x64xf32>, vector<64x3xf32>, vector<3136x3xf32> -> vector<3136x3xf32>
    %add3A_406 = arith.addf %add3A_384, %dot_general3A_405 : vector<3136x3xf32>
    %add3A_407 = arith.constant 1 : i32
    %add3A_408 = arith.addi %mul3A_4, %add3A_407 : i32
    %add3A_409 = arith.constant 1 : i32
    %add3A_410 = arith.addi %add3A_408, %add3A_409 : i32
    %get3A_411 = arith.constant 0 : index
    %get3A_412 = arith.index_cast %add3A_410 : i32 to index
    %get3A_413 = arith.constant 2 : index
    %get3A_414 = arith.constant 0 : index
    %get3A_415 = vector.load %arg2[%get3A_411, %get3A_412, %get3A_413, %get3A_414] : memref<1x114x114x64xf32, #tpu.memory_space<vmem>>, vector<1x28x112x64xf32>
    %get3A_416 = vector.shape_cast %get3A_415 : vector<1x28x112x64xf32> to vector<28x112x64xf32>
    %reshape3A_417 = vector.shape_cast %get3A_416 : vector<28x112x64xf32> to vector<3136x64xf32>
    %get3A_418 = arith.constant 3 : i32
    %get3A_419 = arith.constant 0 : i32
    %get3A_420 = arith.constant 0 : i32
    %get3A_421 = tpu.memref_slice %arg3[%get3A_418, %get3A_419, %get3A_420] : memref<4x256x3xf32, #tpu.memory_space<vmem>> -> memref<1x256x3xf32, #tpu.memory_space<vmem>>
    %get3A_422 = tpu.memref_squeeze %get3A_421 : memref<1x256x3xf32, #tpu.memory_space<vmem>> -> memref<256x3xf32, #tpu.memory_space<vmem>>
    %get3A_423 = arith.constant 192 : index
    %get3A_424 = arith.constant 0 : index
    %get3A_425 = vector.load %get3A_422[%get3A_423, %get3A_424] : memref<256x3xf32, #tpu.memory_space<vmem>>, vector<64x3xf32>
    %dot_general3A_426 = arith.constant dense<0.000000e+00> : vector<3136x3xf32>
    %dot_general3A_427 = tpu.matmul %reshape3A_417, %get3A_425, %dot_general3A_426 {dimension_numbers = #tpu.dot_dimension_numbers<[1], [0], [0], [1], [0, 0, 1, 1], [], []>, transpose_lhs_hint = false} : vector<3136x64xf32>, vector<64x3xf32>, vector<3136x3xf32> -> vector<3136x3xf32>
    %add3A_428 = arith.addf %add3A_406, %dot_general3A_427 : vector<3136x3xf32>
    %get3A_429 = arith.constant 0 : index
    %get3A_430 = arith.constant 0 : index
    %get3A_431 = vector.load %arg4[%get3A_429, %get3A_430] : memref<1x3xf32, #tpu.memory_space<vmem>>, vector<1x3xf32>
    %add3A_432 = vector.broadcast %get3A_431 : vector<1x3xf32> to vector<3136x3xf32>
    %add3A_433 = arith.addf %add3A_428, %add3A_432 : vector<3136x3xf32>
    %reshape3A_434 = vector.shape_cast %add3A_433 : vector<3136x3xf32> to vector<28x112x3xf32>
    %swap3A_435 = arith.constant 0 : index
    %swap3A_436 = arith.constant 0 : index
    %swap3A_437 = arith.constant 0 : index
    %swap3A_438 = arith.constant 9 : index
    %swap3A_439 = vector.load %arg6[%swap3A_435, %swap3A_436, %swap3A_437, %swap3A_438] : memref<1x28x112x12xf32, #tpu.memory_space<vmem>>, vector<1x28x112x3xf32>
    %swap3A_440 = vector.shape_cast %swap3A_439 : vector<1x28x112x3xf32> to vector<28x112x3xf32>
    %swap3A_441 = vector.shape_cast %reshape3A_434 : vector<28x112x3xf32> to vector<1x28x112x3xf32>
    tpu.vector_store %arg6[%swap3A_435, %swap3A_436, %swap3A_437, %swap3A_438], %swap3A_441 {strides = array<i32>} : memref<1x28x112x12xf32, #tpu.memory_space<vmem>>, vector<1x28x112x3xf32>,
    %get3A_442 = arith.constant 0 : index
    %get3A_443 = arith.constant 0 : index
    %get3A_444 = arith.constant 0 : index
    %get3A_445 = arith.constant 9 : index
    %get3A_446 = vector.load %arg5[%get3A_442, %get3A_443, %get3A_444, %get3A_445] : memref<1x28x112x12xf32, #tpu.memory_space<vmem>>, vector<1x28x112x3xf32>
    %get3A_447 = vector.shape_cast %get3A_446 : vector<1x28x112x3xf32> to vector<28x112x3xf32>
    %reshape3A_448 = vector.shape_cast %get3A_447 : vector<28x112x3xf32> to vector<3136x3xf32>
    %sub3A_449 = arith.subf %add3A_433, %reshape3A_448 : vector<3136x3xf32>
    %mul3A_450 = arith.mulf %sub3A_449, %sub3A_449 : vector<3136x3xf32>
    %reduce_sum3A_451 = vector.shape_cast %mul3A_450 : vector<3136x3xf32> to vector<1x3136x3xf32>
    %reduce_sum3A_452 = arith.constant dense<0.000000e+00> : vector<1xf32>
    %reduce_sum3A_453 = vector.multi_reduction <add>, %reduce_sum3A_451, %reduce_sum3A_452 [1, 2] : vector<1x3136x3xf32> to vector<1xf32>
    %reduce_sum3A_454 = vector.shape_cast %reduce_sum3A_453 : vector<1xf32> to vector<1x1x1xf32>
    %reduce_sum3A_455 = vector.extract %reduce_sum3A_454[0, 0, 0] : f32 from vector<1x1x1xf32>
    %add3A_456 = arith.addf %add3A_341, %reduce_sum3A_455 : f32
    %get3A_457 = arith.constant 0 : index
    %get3A_458 = arith.constant 0 : index
    %get3A_459 = vector.load %arg7[%get3A_457, %get3A_458] : memref<1x1xf32, #tpu.memory_space<vmem>>, vector<1x1xf32>
    %reshape3A_460 = vector.broadcast %add3A_456 : f32 to vector<1x1xf32>
    %add3A_461 = arith.addf %get3A_459, %reshape3A_460 : vector<1x1xf32>
    %swap3A_462 = arith.constant 0 : index
    %swap3A_463 = arith.constant 0 : index
    %swap3A_464 = vector.load %arg7[%swap3A_462, %swap3A_463] : memref<1x1xf32, #tpu.memory_space<vmem>>, vector<1x1xf32>
    tpu.vector_store %arg7[%swap3A_462, %swap3A_463], %add3A_461 {strides = array<i32>} : memref<1x1xf32, #tpu.memory_space<vmem>>, vector<1x1xf32>,
    return
  }
  func.func @transform_0(%arg0: i32, %arg1: i32) -> (i32, i32, i32, i32) {
    %c0_i32 = arith.constant 0 : i32
    %c0_i32_0 = arith.constant 0 : i32
    %c0_i32_1 = arith.constant 0 : i32
    %c0_i32_2 = arith.constant 0 : i32
    return %arg0, %c0_i32, %c0_i32_0, %c0_i32_1 : i32, i32, i32, i32
  }
  func.func @transform_1(%arg0: i32, %arg1: i32) -> (i32, i32, i32) {
    %c0_i32 = arith.constant 0 : i32
    %c0_i32_0 = arith.constant 0 : i32
    %c0_i32_1 = arith.constant 0 : i32
    %c0_i32_2 = arith.constant 0 : i32
    return %c0_i32, %c0_i32_0, %c0_i32_1 : i32, i32, i32
  }
  func.func @transform_2(%arg0: i32, %arg1: i32) -> (i32, i32) {
    %c0_i32 = arith.constant 0 : i32
    %c0_i32_0 = arith.constant 0 : i32
    %c0_i32_1 = arith.constant 0 : i32
    return %c0_i32, %c0_i32_0 : i32, i32
  }
  func.func @transform_3(%arg0: i32, %arg1: i32) -> (i32, i32, i32, i32) {
    %c0_i32 = arith.constant 0 : i32
    %c0_i32_0 = arith.constant 0 : i32
    %c0_i32_1 = arith.constant 0 : i32
    return %arg0, %arg1, %c0_i32, %c0_i32_0 : i32, i32, i32, i32
  }
  func.func @transform_4(%arg0: i32, %arg1: i32) -> (i32, i32, i32, i32) {
    %c0_i32 = arith.constant 0 : i32
    %c0_i32_0 = arith.constant 0 : i32
    %c0_i32_1 = arith.constant 0 : i32
    return %arg0, %arg1, %c0_i32, %c0_i32_0 : i32, i32, i32, i32
  }
  func.func @transform_5(%arg0: i32, %arg1: i32) -> (i32, i32) {
    %c0_i32 = arith.constant 0 : i32
    %c0_i32_0 = arith.constant 0 : i32
    %c0_i32_1 = arith.constant 0 : i32
    return %c0_i32, %c0_i32_0 : i32, i32
  }
}

</mosaic_0001>

<sc_bundles>
// kernel: kernel.10.cloned.1.call-start
scs
__scs_entry_jumppad:
0x0: {  	(pc) =	sbr.rel $0x88, $3  }
0x1: {  	(tag) =	ssettag $0x0;
	lr =	simm.s32 $0x1  }
0x2: {  	[smem:$0x3F91] =	sst lr;
	_ =	strace $0xD0000000  }
0x3: {  	_ = 	snop  }
0x4: {  	_ = 	snop  }
0x5: {  	_ = 	snop  }
0x6: {  	_ = 	snop  }
0x7: {  	_ = 	snop  }
__scs_overlays_trampoline_lowered:
0x8: {  	[smem:$0x3FA0] =	sst s0  }
0x9: {  	[smem:$0x3FA1] =	sst s1  }
0xa: {  	[smem:$0x3FA2] =	sst s2  }
0xb: {  	[smem:$0x3FA3] =	sst s3  }
0xc: {  	[smem:$0x3FA4] =	sst s4  }
0xd: {  	[smem:$0x3FA5] =	sst s5  }
0xe: {  	[smem:$0x3FA6] =	sst s6  }
0xf: {  	[smem:$0x3FA7] =	sst s7  }
0x10: {  	[smem:$0x3FA8] =	sst s8  }
0x11: {  	[smem:$0x3FA9] =	sst s9;
	s0 =	simm.s32 @!p0 $0x0  }
0x12: {  	s1 =	sld [smem:$0x3F8F];
	s0 =	simm.s32 @p0 $0x1  }
0x13: {  	[smem:$0x3FAA] =	sst s0;
	s0 =	simm.s32 @!p1 $0x0  }
0x14: {  	s2 =	sld [smem:$0x3F8E];
	s0 =	simm.s32 @p1 $0x1  }
0x15: {  	[smem:$0x3FAB] =	sst s0;
	s0 =	simm.s32 @!p2 $0x0  }
0x16: {  	s3 =	sld [smem:$0x3FDB];
	s0 =	simm.s32 @p2 $0x1  }
0x17: {  	s4 =	simm.s32 $0x1BF5;
	[smem:$0x3FAD] =	sst s0  }
0x18: {  	s0 =	sld [smem:$0x3F90];
	_ =	swait.ge [sflag:s4], $0x0  }
0x19: {  	s7 =	sld [smem:$0x3F91]  }
0x1a: {  	s8 =	sadd.s32 $0xFFFFE003, lr  }
0x1b: {  	s9 =	sadd.s32 $0xFFFFFEF7, lr;
	s5 =	simm.s32 $0xFFFFFFFF;
	p2 =	slt.u32 s8, $0xFFFFF086  }
0x1c: {  	p1 =	slt.u32 s9, $0xF7A;
	s5 =	simm.s32 @!p2 $0x0  }
0x1d: {  	s5 =	simm.s32 @p1 $0x1;
	p0 =	seq.s32 s7, s2  }
0x1e: {  	s7 =	smul.u32 @!p0 $0xF7A, s2;
	p2 =	seq.s32 @!p0 s5, $0x0  }
0x1f: {  	s9 =	smul.u32 $0xF7A, s1;
	s8 =	simm.s32 @!p0 $0x1BF5;
	p2 =	por !p2, p0  }
0x20: {  	[sflag:s8] =	ssyncset.s32 @!p0 $0xFFFFF086;
	s6 =	sadd.s32 @!p0 s3, s7;
	s7 =	simm.s32 @!p0 $0x108  }
0x21: {  	s3 =	sadd.s32 s3, s9;
	s6 =	sadd.s32 @!p0 $0x88, s6;
	s7 =	simm.s32 @p2 $0x1082  }
0x22: {  	[simem:s7], [sflag:s8] =	dma.local @!p0 [hbm:s6], $0xF7A  }
0x23: {  	s9 =	sor.u32 $0xD0000000, s2;
	s6 =	simm.s32 $0x108;
	_ =	swait.ge @!p0 [sflag:s8], $0x0  }
0x24: {  	s3 =	sadd.s32 $0x88, s3;
	s6 =	simm.s32 @!p1 $0x1082;
	[sflag:s4] =	ssyncset.s32 $0xFFFFF086  }
0x25: {  	[simem:s6], [sflag:s4] =	dma.local [hbm:s3], $0xF7A  }
0x26: {  	[smem:$0x3F91] =	sst s1;
	(tag) =	ssettag s2;
	_ =	strace s9  }
0x27: {  	s1 =	sld [smem:$0x3FA1]  }
0x28: {  	s2 =	sld [smem:$0x3FA2]  }
0x29: {  	s4 =	sld [smem:$0x3FA4]  }
0x2a: {  	p0 =	seq.s32 s5, $0x0;
	s5 =	sld [smem:$0x3FA5]  }
0x2b: {  	s6 =	sld [smem:$0x3FA6]  }
0x2c: {  	s7 =	sld [smem:$0x3FA7]  }
0x2d: {  	s3 =	simm.s32 $0x108;
	s8 =	sld [smem:$0x3FA8]  }
0x2e: {  	s3 =	simm.s32 @!p0 $0x1082;
	s9 =	sld [smem:$0x3FA9]  }
0x2f: {  	lr =	sadd.s32 s0, s3;
	s0 =	sld [smem:$0x3FA0]  }
0x30: {  	s3 =	sld [smem:$0x3FA3]  }
0x31: {  	[smem:$0x3FAC] =	sst s10  }
0x32: {  	s10 =	sld [smem:$0x3FAA];
	_ =	sdelay $0x3  }
0x33: {  	p0 =	seq.s32 s10, $0x1;
	s10 =	sld [smem:$0x3FAC];
	_ =	sdelay $0x3  }
0x34: {  	[smem:$0x3FAC] =	sst s10  }
0x35: {  	s10 =	sld [smem:$0x3FAB];
	_ =	sdelay $0x3  }
0x36: {  	p1 =	seq.s32 s10, $0x1;
	s10 =	sld [smem:$0x3FAC];
	_ =	sdelay $0x3  }
0x37: {  	[smem:$0x3FAC] =	sst s10  }
0x38: {  	s10 =	sld [smem:$0x3FAD]  }
0x39: {  	_ = 	snop;
	(pc) =	sbr.ind lr, $3  }
0x3a: {  	_ = 	snop  }
0x3b: {  	_ = 	snop  }
0x3c: {  	p2 =	seq.s32 s10, $0x1;
	s10 =	sld [smem:$0x3FAC]  }
0x3d: {  	_ =	shalt  }
0x3e: {  	_ =	shalt  }
0x3f: {  	_ =	shalt  }
0x40: {  	_ =	shalt  }
0x41: {  	_ =	shalt  }
0x42: {  	_ =	shalt  }
0x43: {  	_ =	shalt  }
0x44: {  	_ =	shalt  }
0x45: {  	_ =	shalt  }
0x46: {  	_ =	shalt  }
0x47: {  	_ =	shalt  }
0x48: {  	_ =	shalt  }
0x49: {  	_ =	shalt  }
0x4a: {  	_ =	shalt  }
0x4b: {  	_ =	shalt  }
0x4c: {  	_ =	shalt  }
0x4d: {  	_ =	shalt  }
0x4e: {  	_ =	shalt  }
0x4f: {  	_ =	shalt  }
0x50: {  	_ =	shalt  }
0x51: {  	_ =	shalt  }
0x52: {  	_ =	shalt  }
0x53: {  	_ =	shalt  }
0x54: {  	_ =	shalt  }
0x55: {  	_ =	shalt  }
0x56: {  	_ =	shalt  }
0x57: {  	_ =	shalt  }
0x58: {  	_ =	shalt  }
0x59: {  	_ =	shalt  }
0x5a: {  	_ =	shalt  }
0x5b: {  	_ =	shalt  }
0x5c: {  	_ =	shalt  }
0x5d: {  	_ =	shalt  }
0x5e: {  	_ =	shalt  }
0x5f: {  	_ =	shalt  }
0x60: {  	_ =	shalt  }
0x61: {  	_ =	shalt  }
0x62: {  	_ =	shalt  }
0x63: {  	_ =	shalt  }
0x64: {  	_ =	shalt  }
0x65: {  	_ =	shalt  }
0x66: {  	_ =	shalt  }
0x67: {  	_ =	shalt  }
0x68: {  	_ =	shalt  }
0x69: {  	_ =	shalt  }
0x6a: {  	_ =	shalt  }
0x6b: {  	_ =	shalt  }
0x6c: {  	_ =	shalt  }
0x6d: {  	_ =	shalt  }
0x6e: {  	_ =	shalt  }
0x6f: {  	_ =	shalt  }
0x70: {  	_ =	shalt  }
0x71: {  	_ =	shalt  }
0x72: {  	_ =	shalt  }
0x73: {  	_ =	shalt  }
0x74: {  	_ =	shalt  }
0x75: {  	_ =	shalt  }
0x76: {  	_ =	shalt  }
0x77: {  	_ =	shalt  }
0x78: {  	_ =	shalt  }
0x79: {  	_ =	shalt  }
0x7a: {  	_ =	shalt  }
0x7b: {  	_ =	shalt  }
0x7c: {  	_ =	shalt  }
0x7d: {  	_ =	shalt  }
0x7e: {  	_ =	shalt  }
0x7f: {  	_ =	shalt  }
0x80: {  	_ =	shalt  }
0x81: {  	_ =	shalt  }
0x82: {  	_ =	shalt  }
0x83: {  	_ =	shalt  }
0x84: {  	_ =	shalt  }
0x85: {  	_ =	shalt  }
0x86: {  	_ =	shalt  }
0x87: {  	_ =	shalt  }
.Lfunc_end0:
.L_simem_size_0:
called_computation_lowered:
.L_overlay_start_0:
0x88: {  	s2 =	sld [smem:$0x3FD9]  }
0x89: {  	s3 =	sld [smem:$0x3FFE];
	_ =	sdelay $0x1  }
0x8a: {  	s1 =	srdreg.scid  }
0x8b: {  	s0 =	sand.u32 $0x1, s1  }
0x8c: {  	s14 =	sshll.u32 s0, $0xA;
	s2 =	sadd.s32 s3, s2  }
0x8d: {  	s2 =	sadd.s32 s2, s14  }
0x8e: {  	[smem:$0x3FB8] =	sst s2  }
0x8f: {  	_ = 	snop  }
0x90: {  	s2 =	sld [smem:$0x3FD0];
	_ =	sdelay $0x2  }
0x91: {  	s15 =	simm.s32 $0xA;
	s4 =	simm.s32 $0x10  }
0x92: {  	[smem:s4], [sflag:s15] =	dma.local [hbm:s2], $0x1  }
0x93: {  	_ =	swait.eq [sflag:s15], $0x1  }
0x94: {  	[sflag:s15] =	ssyncset.done $0x0  }
0x95: {  	[sflag:s15] =	ssyncadd.s32 $0xFFFFFFFF  }
0x96: {  	s16 =	sld [smem:$0x11];
	(tm) =	ssettm $0x1  }
0x97: {  	s17 =	sld [smem:$0x3FFB];
	_ =	sdelay $0x3  }
0x98: {  	_ =	strace s17  }
0x99: {  	s3 =	sld [smem:$0x3FFC];
	_ =	sdelay $0x3  }
0x9a: {  	_ =	strace s3  }
0x9b: {  	s3 =	sld [smem:$0x3FFD];
	_ =	sdelay $0x3  }
0x9c: {  	_ =	strace s3  }
0x9d: {  	_ =	strace $0x8FFFFFFF  }
0x9e: {  	s18 =	sld [smem:$0x3FDB];
	_ =	sdelay $0x1  }
0x9f: {  	s19 =	simm.s32 $_scs_section_size  }
0xa0: {  	s5 =	simm.s32 $_size__tile_overlayer_lowered;
	s6 =	simm.s32 $_tile_overlayer_lowered  }
0xa1: {  	s22 =	simm.s32 $0x1BFF;
	s21 =	sshll.u32 s6, $0x1;
	s3 =	sadd.s32 s19, s18  }
0xa2: {  	s7 =	simm.s32 $0x0;
	s20 =	sshll.u32 s5, $0x1;
	s5 =	sadd.s32 s21, s3  }
0xa3: {  	[timem:s7], [sflag:s22] =	dma.local [hbm:s5], s20  }
0xa4: {  	_ =	swait.ge [sflag:s22], s20  }
0xa5: {  	s4 =	ssub.s32 $0x0, s20;
	[sflag:s22] =	ssyncset.done $0x0  }
0xa6: {  	[sflag:s22] =	ssyncadd.s32 s4;
	_ =	sdelay $0x1  }
0xa7: {  	s23 =	simm.s32 $0x1B8B  }
0xa8: {  	_ =	swait.ge [sflag:s23], $0x1  }
0xa9: {  	[sflag:s23] =	ssyncset.done $0x0  }
0xaa: {  	s25 =	simm.s32 $0x1B8E;
	s24 =	sld [smem:$0x3FFE];
	[sflag:s23] =	ssyncadd.s32 $0xFFFFFFFF  }
0xab: {  	s26 =	simm.s32 $execute0_lowered;
	[smem:$0x3FD2] =	sst s25  }
0xac: {  	s5 =	sshll.u32 s26, $0x1;
	_ =	strace $0x80000046;
	[dreg:$0x1] =	wrdreg $0xFFFFFFFF  }
0xad: {  	s28 =	simm.s32 $_size_execute0_lowered;
	s3 =	sadd.s32 s3, s5;
	[dreg:$0x0] =	wrdreg $0x0  }
0xae: {  	s5 =	sshll.u32 s28, $0x1;
	[dreg:$0x2] =	wrdreg s3  }
0xaf: {  	[dreg:$0x3] =	wrdreg s5  }
0xb0: {  	[dreg:$0x4] =	wrdreg $0xC0  }
0xb1: {  	_ =	task [dreg:s7], $0x5FFFF  }
0xb2: {  	[dreg:$0x1] =	wrdreg $0xFFFFFFFF  }
0xb3: {  	[dreg:$0x0] =	wrdreg $0x60  }
0xb4: {  	[dreg:$0x2] =	wrdreg s16  }
0xb5: {  	[dreg:$0x3] =	wrdreg s24  }
0xb6: {  	[dreg:$0x4] =	wrdreg $0x9  }
0xb7: {  	_ =	task.clear_ibuf [dreg:s7], $0x5FFFF;
	_ =	strace $0x90000046  }
0xb8: {  	s29 =	simm.s32 $0x9;
	_ =	strace $0x8000004F  }
0xb9: {  	_ =	swait.ge [sflag:s29], $0x1  }
0xba: {  	[sflag:s29] =	ssyncadd.s32 $0xFFFFFFFF  }
0xbb: {  	_ =	strace $0x9000004F  }
0xbc: {  	_ =	sfence  }
0xbd: {  	s30 =	sld [smem:$0x0];
	_ =	sdelay $0x2  }
0xbe: {  	s31 =	sshll.u32 s1, $0xD;
	s1 =	sshrl.u32 s1, $0x2  }
0xbf: {  	s3 =	sand.u32 $0x4000, s31;
	s1 =	sadd.s32 s1, s30  }
0xc0: {  	s0 =	sor.u32 s3, s0;
	s1 =	sshll.u32 s1, $0x11  }
0xc1: {  	s0 =	sor.u32 s1, s0  }
0xc2: {  	s0 =	sadd.s32 $0x8F2B, s0  }
0xc3: {  	[sflag:s0] =	ssyncadd.remote.s32 $0x1  }
0xc4: {  	_ =	sfence.sel $0xFFFF  }
0xc5: {  	[dreg:$0x0] =	wrdreg $0xFFFFFFFF;
	(pc) =	sbr.abs _section_cstart, $3  }
0xc6: {  	[dreg:$0x1] =	wrdreg $0xFFFFFFFF  }
0xc7: {  	_ =	task.clear_ibuf [dreg:s7], $0x2FFFF;
	_ =	strace $0x9FFFFFFF  }
0xc8: {  	(tm) =	ssettm $0x7FFFFFFF  }
0xc9: {  	_ =	shalt  }
tec
execute0_lowered:
.L_overlay_start_1:
0x0: {  	(tag) =	ssettag $0x1  }
0x1: {  	s0 =	rddreg [dreg:$0x0];
	s1 =	srdreg.scid  }
0x2: {  	s4 =	rddreg [dreg:$0x1];
	s2 =	simm.s32 $0x0;
	s9 =	simm.s32 $0x1  }
0x3: {  	s10 =	simm.s32 $0x100;
	[dreg:$0x3] =	wrdreg s0;
	s5 =	sand.u32 $0x1, s1  }
0x4: {  	s1 =	stileid.u32;
	s0 =	rddreg [dreg:$0x2];
	s3 =	sshll.u32 s5, $0x4  }
0x5: {  	s11 =	simm.s32 $0x0;
	[smem:$0x7FF] =	sst s2;
	s3 =	sor.u32 s1, s3  }
0x6: {  	s7 =	sadd.s32 $0x4400, s4;
	s4 =	sadd.s32 $0x3600, s4;
	s6 =	smul.u32 $0x3, s3  }
0x7: {  	_ =	strace $0x80000047;
	[dreg:$0x5] =	wrdreg s7;
	s29 =	ssub.s32 $0x2, s5  }
0x8: {  	p0 =	slt.u32 s3, $0x2;
	s8 =	sshll.u32 s3, $0x2;
	s3 =	sadd.s32 $0x2, s6  }
0x9: {  	s5 =	simm.s32 $0x4;
	[dreg:$0x4] =	wrdreg s10;
	s3 =	smov.u32 @p0 s8  }
0xa: {  	s10 =	simm.s32 $0x5;
	s31 =	sshrl.u32 s29, $0x1;
	s30 =	sshll.u32 s3, $0x5  }
0xb: {  	s5 =	simm.s32 @!p0 $0x3;
	s8 =	ssub.s32 s29, s31;
	s7 =	sand.u32 $0x1FFFFFE0, s30  }
0xc: {  	s8 =	smax.u32 s8, $0x1;
	s6 =	sadd.s32 s4, s7;
	s7 =	sadd.s32 $0xFFFFFFFF, s5  }
.LBB2_1:
0xd: {  	_ =	strace $0x80000048;
	p2 =	sne.s32 s5, $0x1  }
.Ltmp0:
0xe: {  	p0 =	seq.s32 s5, $0x1;
	s13 =	simm.s32 $0x1;
	(pc) =	sbr.rel @!p2 .LBB2_2-.Ltmp0, $4  }
0xf: {  	[tilespmem:s2], [sflag:$0x1] =	stream.linear.gather [hbm4b:s6+s2], $0x100, $0x200038;
	[tilespmem:$0x10200] =	vst v63  }
0x10: {  	s12 =	simm.s32 $0x1;
	p1 =	por $0x1, $0x1;
	s13 =	simm.s32 @p0 $0x0  }
0x11: {  	p6 =	sgt.s32 s7, $0x0;
	p4 =	por p1, p1;
	p3 =	sne.s32 s13, $0x0  }
0x12: {  	_ =	strace $0x90000048;
	p5 =	por !p6, !p3;
	p6 =	por $0x0, $0x0  }
0x13: {  	p2 =	por !p5, !p5  }
0x14: {  	s21 =	sand.u32 $0x1, s2;
	s19 =	simm.s32 $0x2;
	s14 =	sadd.s32 @p2 s3, s13  }
0x15: {  	p1 =	por p3, p3;
	s15 =	sand.u32 @p2 $0x1, s9;
	s14 =	sshll.u32 @p2 s14, $0x5  }
0x16: {  	_ =	strace @p2 $0x80000049;
	s17 =	simm.s32 @p2 $0x0;
	s14 =	sand.u32 @p2 $0x1FFFFFE0, s14  }
0x17: {  	s16 =	sshll.u32 @p2 s15, $0x8;
	s15 =	sadd.s32 @p2 $0x1, s15;
	s14 =	sadd.s32 @p2 s4, s14  }
0x18: {  	[tilespmem:s16], [sflag:s15] =	stream.linear.gather @p2 [hbm4b:s14+s17], $0x100, $0x200038;
	[tilespmem:$0x10200] =	vst v63  }
0x19: {  	s30 =	simm.s32 $0x0;
	p6 =	por $0x0, $0x0;
	_ =	strace @p2 $0x90000049  }
0x1a: {  	p0 =	sne.s32 s5, $0x2;
	s29 =	sadd.s32 $0x1, s21;
	_ =	strace $0x8000004A  }
0x1b: {  	s24 =	sadd.s32 $0x0, s3;
	p5 =	sgt.s32 s7, $0x1;
	_ =	swait.ge [sflag:s29], $0x100  }
0x1c: {  	s23 =	simm.s32 $0x1;
	s22 =	sshll.u32 s21, $0xF;
	[sflag:s29] =	ssyncset.done $0x0  }
0x1d: {  	s22 =	sor.u32 $0x200, s22;
	s16 =	sand.u32 @!p4 $0x1, s2;
	[sflag:s29] =	ssyncadd.s32 $0xFFFFFF00  }
0x1e: {  	s15 =	simm.s32 $0x1;
	s17 =	sadd.s32 $0x1, s13;
	_ =	strace $0x9000004A  }
0x1f: {  	s14 =	sand.u32 $0x100, s30;
	s15 =	simm.s32 @!p2 $0x0;
	_ =	strace $0x8000004B  }
0x20: {  	p2 =	por p4, p4;
	p4 =	por p6, p6;
	s20 =	rddreg [dreg:$0x4]  }
0x21: {  	p3 =	seq.s32 s17, s5;
	p6 =	seq.s32 s7, $0x0;
	s31 =	rddreg [dreg:$0x3]  }
0x22: {  	[tilespmem:s22], [sflag:$0x5] =	stream.indirect.gather [hbm4b:s31+s20], $0x80, s14, s20, $0x2000b8;
	[tilespmem:$0x10200] =	vst v63  }
.Ltmp1:
0x23: {  	s18 =	sadd.s32 $0x1, s15;
	s17 =	simm.s32 @p3 $0x0;
	(pc) =	sbr.rel @!p0 .LBB2_4-.Ltmp1, $4  }
0x24: {  	p1 =	por p6, p1;
	p6 =	por $0x0, $0x0;
	_ =	swait.ge [sflag:s10], $0x8000  }
0x25: {  	s15 =	simm.s32 $0x0;
	p3 =	sne.s32 s13, s17;
	[sflag:s10] =	ssyncset.done $0x0  }
0x26: {  	s23 =	simm.s32 @!p6 $0x0;
	p5 =	por !p5, !p3;
	[sflag:s10] =	ssyncadd.s32 $0xFFFF8000  }
0x27: {  	s14 =	simm.s32 $0x0;
	s20 =	simm.s32 $0x0;
	_ =	strace $0x9000004B  }
.LBB2_5:
0x28: {  	_ =	strace @p1 $0x8000004C;
	s14 =	sadd.s32 s23, s14;
	s23 =	smov.u32 s12  }
0x29: {  	s12 =	smov.u32 s19;
	s19 =	sadd.s32 $0x1, s19;
	p0 =	por p3, p3  }
0x2a: {  	s29 =	sshll.u32 @p1 s24, $0xC;
	s21 =	sadd.s32 @p1 $0x3, s21;
	s25 =	simm.s32 @!p0 $0x0  }
0x2b: {  	s26 =	rddreg [dreg:$0x5];
	s29 =	sand.u32 @p1 $0x1FFFF000, s29;
	s25 =	simm.s32 @p0 $0x1  }
0x2c: {  	s26 =	sadd.s32 @p1 s26, s29;
	s29 =	simm.s32 @p1 $0x0;
	p0 =	sne.s32 s5, s19  }
0x2d: {  	[hbm4b:s26+s29] =	stream.linear.scatter @p1 [tilespmem:s22], [sflag:s21], $0x8000, $0x200038;
	[tilespmem:$0x10200] =	vst v63  }
0x2e: {  	s21 =	sadd.s32 @!p2 $0x3, s16;
	s16 =	simm.s32 @!p0 $0x0  }
0x2f: {  	s28 =	simm.s32 $0x1;
	[smem:$0x7FC] =	sst s25;
	s16 =	simm.s32 @p0 $0x1  }
0x30: {  	s28 =	simm.s32 @!p1 $0x0;
	_ =	strace @p1 $0x9000004C;
	[smem:$0x7FD] =	sst s16  }
0x31: {  	s20 =	sadd.s32 s28, s20;
	s25 =	sand.u32 @!p4 $0x1, s14;
	_ =	strace @!p2 $0x8000004D  }
0x32: {  	p1 =	por !p5, !p5;
	s16 =	smov.u32 s25;
	_ =	swait.ge @!p2 [sflag:s21], $0x8000  }
0x33: {  	s22 =	sand.u32 @p1 $0x1, s18;
	s25 =	sadd.s32 @p1 s3, s17;
	[sflag:s21] =	ssyncset.done @!p2 $0x0  }
0x34: {  	s26 =	sshll.u32 @p1 s22, $0x8;
	s25 =	sshll.u32 @p1 s25, $0x5;
	[sflag:s21] =	ssyncadd.s32 @!p2 $0xFFFF8000  }
0x35: {  	s21 =	sadd.s32 @p1 $0x1, s22;
	s22 =	sand.u32 @p1 $0x1FFFFFE0, s25;
	_ =	strace @!p2 $0x9000004D  }
0x36: {  	s25 =	simm.s32 @p1 $0x0;
	s22 =	sadd.s32 @p1 s4, s22;
	_ =	strace @p1 $0x80000049  }
0x37: {  	[tilespmem:s26], [sflag:s21] =	stream.linear.gather @p1 [hbm4b:s22+s25], $0x100, $0x200038;
	[tilespmem:$0x10200] =	vst v63  }
0x38: {  	s15 =	sadd.s32 s28, s15;
	s28 =	sand.u32 $0x1, s20;
	_ =	strace @p1 $0x90000049  }
0x39: {  	s28 =	sadd.s32 $0x1, s28;
	_ =	strace $0x8000004A  }
0x3a: {  	_ =	swait.ge [sflag:s28], $0x100  }
0x3b: {  	[sflag:s28] =	ssyncset.done $0x0  }
0x3c: {  	s21 =	simm.s32 $0x1;
	[sflag:s28] =	ssyncadd.s32 $0xFFFFFF00  }
0x3d: {  	s21 =	simm.s32 @!p1 $0x0;
	_ =	strace $0x9000004A  }
0x3e: {  	s18 =	sadd.s32 s21, s18;
	s21 =	sand.u32 $0x1, s15;
	_ =	strace $0x8000004B  }
0x3f: {  	s31 =	sshll.u32 s20, $0x8;
	s29 =	sshll.u32 s21, $0xF;
	s25 =	rddreg [dreg:$0x4]  }
0x40: {  	s31 =	sand.u32 $0x100, s31;
	s22 =	sor.u32 $0x200, s29;
	s26 =	rddreg [dreg:$0x3]  }
0x41: {  	[tilespmem:s22], [sflag:$0x5] =	stream.indirect.gather [hbm4b:s26+s25], $0x80, s31, s25, $0x2000b8;
	[tilespmem:$0x10200] =	vst v63  }
0x42: {  	_ =	swait.ge [sflag:s10], $0x8000  }
0x43: {  	[sflag:s10] =	ssyncset.done $0x0  }
0x44: {  	[sflag:s10] =	ssyncadd.s32 $0xFFFF8000  }
0x45: {  	s30 =	sadd.s32 $0x1, s17;
	_ =	strace $0x9000004B  }
0x46: {  	s24 =	sadd.s32 s3, s13;
	s13 =	smov.u32 s17;
	s31 =	sld [smem:$0x7FD]  }
0x47: {  	p0 =	sne.s32 s23, $0x0;
	s17 =	smov.u32 s30;
	p1 =	seq.s32 s30, s5  }
0x48: {  	s17 =	simm.s32 @p1 $0x0;
	p1 =	seq.s32 s7, s23;
	s23 =	simm.s32 $0x1  }
0x49: {  	s23 =	simm.s32 @!p0 $0x0;
	p0 =	seq.s32 s31, $0x1  }
.Ltmp2:
0x4a: {  	s30 =	sld [smem:$0x7FC];
	(pc) =	sbr.rel @p0 .LBB2_5-.Ltmp2, $4  }
0x4b: {  	p3 =	seq.s32 s12, $0x0  }
0x4c: {  	p6 =	por p3, p3;
	p5 =	slt.s32 s12, s7  }
0x4d: {  	p2 =	por p4, p4;
	p3 =	sne.s32 s13, s17;
	p4 =	seq.s32 s30, $0x1  }
0x4e: {  	p5 =	por !p5, !p3;
	p1 =	por p1, p4;
	p4 =	por p6, p6  }
0x4f: {  	p6 =	por $0x1, $0x1  }
.LBB2_7:
0x50: {  	p0 =	por !p1, !p6  }
0x51: {  	s25 =	simm.s32 $0x1;
	_ =	strace @!p0 $0x8000004C;
	s24 =	sshll.u32 @!p0 s24, $0xC  }
0x52: {  	p2 =	por p2, !p6;
	s19 =	rddreg [dreg:$0x5];
	s24 =	sand.u32 @!p0 $0x1FFFF000, s24  }
0x53: {  	s21 =	sadd.s32 @!p0 $0x3, s21;
	s19 =	sadd.s32 @!p0 s19, s24;
	s24 =	simm.s32 @!p0 $0x0  }
0x54: {  	[hbm4b:s19+s24] =	stream.linear.scatter @!p0 [tilespmem:s22], [sflag:s21], $0x8000, $0x200038;
	[tilespmem:$0x10200] =	vst v63  }
0x55: {  	p1 =	por !p5, !p5;
	s25 =	simm.s32 @p0 $0x0;
	_ =	strace @!p0 $0x9000004C  }
0x56: {  	s16 =	sadd.s32 @!p2 $0x3, s16;
	s17 =	sadd.s32 @p1 s3, s17;
	_ =	strace @!p2 $0x8000004D  }
0x57: {  	s18 =	sand.u32 @p1 $0x1, s18;
	s17 =	sshll.u32 @p1 s17, $0x5;
	_ =	swait.ge @!p2 [sflag:s16], $0x8000  }
0x58: {  	s17 =	sand.u32 @p1 $0x1FFFFFE0, s17;
	s19 =	sadd.s32 @p6 s25, s20;
	[sflag:s16] =	ssyncset.done @!p2 $0x0  }
0x59: {  	s20 =	simm.s32 $0x0;
	s17 =	sadd.s32 @p1 s4, s17;
	[sflag:s16] =	ssyncadd.s32 @!p2 $0xFFFF8000  }
0x5a: {  	s20 =	smov.u32 @p6 s19;
	s19 =	sshll.u32 @p1 s18, $0x8;
	_ =	strace @!p2 $0x9000004D  }
0x5b: {  	s16 =	sadd.s32 @p1 $0x1, s18;
	s18 =	simm.s32 @p1 $0x0;
	_ =	strace @p1 $0x80000049  }
0x5c: {  	[tilespmem:s19], [sflag:s16] =	stream.linear.gather @p1 [hbm4b:s17+s18], $0x100, $0x200038;
	[tilespmem:$0x10200] =	vst v63  }
0x5d: {  	s26 =	sand.u32 $0x1, s20;
	_ =	strace @p1 $0x90000049  }
0x5e: {  	s16 =	sadd.s32 $0x1, s26;
	_ =	strace $0x8000004A  }
0x5f: {  	_ =	swait.ge [sflag:s16], $0x100  }
0x60: {  	[sflag:s16] =	ssyncset.done $0x0  }
0x61: {  	s15 =	sadd.s32 @p6 s25, s15;
	[sflag:s16] =	ssyncadd.s32 $0xFFFFFF00;
	s16 =	simm.s32 $0x0  }
0x62: {  	_ =	strace $0x9000004A;
	s16 =	smov.u32 @p6 s15  }
0x63: {  	_ =	strace $0x8000004B;
	s16 =	sand.u32 $0x1, s16  }
0x64: {  	s30 =	sshll.u32 s20, $0x8;
	s28 =	rddreg [dreg:$0x4];
	s31 =	sshll.u32 s16, $0xF  }
0x65: {  	s18 =	sand.u32 $0x100, s30;
	s29 =	rddreg [dreg:$0x3];
	s19 =	sor.u32 $0x200, s31  }
0x66: {  	[tilespmem:s19], [sflag:$0x5] =	stream.indirect.gather [hbm4b:s29+s28], $0x80, s18, s28, $0x2000b8;
	[tilespmem:$0x10200] =	vst v63  }
0x67: {  	_ =	swait.ge [sflag:s10], $0x8000  }
0x68: {  	p3 =	por p3, p3;
	[sflag:s10] =	ssyncset.done $0x0  }
0x69: {  	p5 =	seq.s32 s7, s12;
	s13 =	sadd.s32 s3, s13;
	[sflag:s10] =	ssyncadd.s32 $0xFFFF8000  }
0x6a: {  	s14 =	sadd.s32 @p6 s23, s14;
	p1 =	por p5, p3;
	_ =	strace $0x9000004B  }
0x6b: {  	s17 =	simm.s32 $0x0;
	s13 =	sshll.u32 @p1 s13, $0xC;
	_ =	strace @p1 $0x8000004C  }
0x6c: {  	s17 =	smov.u32 @p6 s14;
	s13 =	sand.u32 @p1 $0x1FFFF000, s13;
	s15 =	rddreg [dreg:$0x5]  }
0x6d: {  	s14 =	sadd.s32 @p1 $0x3, s16;
	s13 =	sadd.s32 @p1 s15, s13;
	s15 =	simm.s32 @p1 $0x0  }
0x6e: {  	[hbm4b:s13+s15] =	stream.linear.scatter @p1 [tilespmem:s19], [sflag:s14], $0x8000, $0x200038;
	[tilespmem:$0x10200] =	vst v63  }
0x6f: {  	p0 =	por p4, p4;
	s13 =	sand.u32 @!p4 $0x1, s17;
	_ =	strace @p1 $0x9000004C  }
0x70: {  	s13 =	sadd.s32 @!p0 $0x3, s13;
	_ =	strace @!p0 $0x8000004D  }
0x71: {  	p1 =	sne.s32 s12, $0x0;
	s12 =	simm.s32 $0x1;
	_ =	swait.ge @!p0 [sflag:s13], $0x8000  }
0x72: {  	s12 =	simm.s32 @!p1 $0x0;
	[sflag:s13] =	ssyncset.done @!p0 $0x0  }
0x73: {  	s11 =	sadd.s32 $0x1, s11;
	s12 =	sadd.s32 s12, s17;
	[sflag:s13] =	ssyncadd.s32 @!p0 $0xFFFF8000  }
0x74: {  	s12 =	sand.u32 $0x1, s12;
	_ =	strace @!p0 $0x9000004D;
	p0 =	sne.s32 s11, s8  }
.Ltmp3:
0x75: {  	s12 =	sadd.s32 $0x3, s12;
	_ =	strace $0x8000004E;
	(pc) =	sbr.rel @p0 .LBB2_1-.Ltmp3, $4  }
.Ltmp4:
0x76: {  	_ =	swait.ge [sflag:s12], $0x8000;
	(pc) =	sbr.rel @!p0 .LBB2_8-.Ltmp4, $4  }
0x77: {  	[sflag:s12] =	ssyncset.done $0x0  }
0x78: {  	[sflag:s12] =	ssyncadd.s32 $0xFFFF8000  }
0x79: {  	_ =	strace $0x9000004E  }
0x7a: {  	_ = 	snop  }
.LBB2_2:
.Ltmp5:
0x7b: {  	(pc) =	sbr.rel .LBB2_7-.Ltmp5, $4  }
0x7c: {  	_ = 	snop  }
0x7d: {  	s14 =	simm.s32 $0x0  }
0x7e: {  	s12 =	simm.s32 $0x0;
	s15 =	simm.s32 $0x0;
	s17 =	smov.u32 s13  }
0x7f: {  	s20 =	simm.s32 $0x0;
	s18 =	simm.s32 $0x1;
	s13 =	simm.s32 $0x0  }
.LBB2_4:
.Ltmp6:
0x80: {  	(pc) =	sbr.rel .LBB2_7-.Ltmp6, $3  }
0x81: {  	_ =	sdelay $0x1  }
0x82: {  	s14 =	simm.s32 $0x0  }
0x83: {  	s15 =	simm.s32 $0x0;
	s20 =	simm.s32 $0x0;
	p6 =	por $0x1, $0x1  }
.LBB2_8:
0x84: {  	_ =	sfence.sel $0x180000  }
0x85: {  	[bflag:$0x0] =	sbarrier.arrive $0xFFFF  }
0x86: {  	p0 =	sne.s32 s1, $0x0;
	_ =	strace $0x90000047  }
0x87: {  	s0 =	sadd.s32 @!p0 $0x100000, s0;
	[bflag:$0x2] =	sbarrier.arrive $0xFFFF  }
0x88: {  	[sflag:s0] =	ssyncadd.tile.s32 @!p0 $0x1;
	_ =	shalt  }
.Lfunc_end2:
_tile_overlayer_lowered:
.L_overlay_start_2:
0x89: {  	(tag) =	ssettag $0x2  }
0x8a: {  	s0 =	rddreg [dreg:$0x0];
	s2 =	stileid.u32  }
0x8b: {  	s1 =	rddreg [dreg:$0x1];
	p0 =	sne.s32 s2, $0x0  }
0x8c: {  	s3 =	rddreg [dreg:$0x2];
	[bflag:$0x3] =	sbarrier.arrive $0xFFFF;
	s2 =	simm.s32 @!p0 $0x1C01  }
0x8d: {  	[timem:s3], [sflag:s2] =	dma.local @!p0 [hbm:s0], s1  }
0x8e: {  	s0 =	simm.s32 @!p0 $0x1  }
0x8f: {  	_ =	swait.ge @!p0 [sflag:s0], s1  }
0x90: {  	s1 =	ssub.s32 @!p0 $0x0, s1;
	[sflag:s0] =	ssyncset.done @!p0 $0x0  }
0x91: {  	[sflag:s0] =	ssyncadd.s32 @!p0 s1  }
0x92: {  	[bflag:$0x3] =	sbarrier.arrive $0xFFFF  }
0x93: {  	_ =	shalt  }

</sc_bundles>
